<compile_context>
chip_gen: v7x
topology: tpu7x:2x2x1
jax: 0.10.2.dev20260603
libtpu: 0.0.44.dev20260713+nightly
codegen_flags: <defaults>
</compile_context>

<pallas_src>
import functools

import jax
import jax.numpy as jnp
import numpy as np
from jax import lax
from jax.experimental import pallas as pl
from jax.experimental.pallas import tpu as pltpu
from jax.experimental.pallas import tpu_sc as plsc

_NC, _NS, _LANES = 2, 16, 16
_NW = _NC * _NS
_ROWS = 512
_COLS = 4096
_BLK = 64
_NB = _COLS // _BLK
_NG = _NB // _LANES
_RPW = _ROWS // _NW


def _eytzinger_perm(n=15, depth=4):
    p = np.zeros(n, dtype=np.int32)

    def build(node, lo, hi):
        if lo >= hi:
            return
        mid = (lo + hi) // 2
        p[node - 1] = mid
        build(2 * node, lo, mid)
        build(2 * node + 1, mid + 1, hi)

    build(1, 0, n)
    return p


_EY_PERM = _eytzinger_perm()

_M = (-0.853784441947937, -0.6248890161514282, -0.4795140027999878,
      -0.3638618588447571, -0.2634255886077881, -0.1716436743736267,
      -0.08471819758415222, 0.0, 0.08471819758415222, 0.1716436743736267,
      0.2634255886077881, 0.3638618588447571, 0.4795140027999878,
      0.6248890161514282, 0.853784441947937)


def _sc_body(x_hbm, ey_hbm, u_hbm,
             rec_hbm, q_hbm, sq_hbm, smn_hbm, smx_hbm, xmn_hbm,
             xrow, rrow, qrow, eyv, uv, scb, sdb, xmb, sqb, smb, sxb):
    wid = lax.axis_index("c") * _NS + lax.axis_index("s")
    base_row = wid * _RPW
    pltpu.sync_copy(ey_hbm, eyv)
    pltpu.sync_copy(u_hbm, uv)
    plsc.subcore_barrier()
    lane = lax.iota(jnp.int32, _LANES)
    lane64 = lane * _BLK

    def row_step(r, carry):
        roff = (base_row + r) * _COLS
        pltpu.sync_copy(x_hbm.at[pl.ds(roff, _COLS)], xrow)

        for g in range(_NG):
            gbase = lane64 + g * (_LANES * _BLK)

            def mm_step(e, c, gbase=gbase):
                vmn, vmx = c
                ev = (lane + e) & (_BLK - 1)
                xe = plsc.load_gather(xrow, [gbase + ev])
                return jnp.minimum(vmn, xe), jnp.maximum(vmx, xe)

            big = jnp.full((_LANES,), jnp.inf, jnp.float32)
            vmn, vmx = lax.fori_loop(0, _BLK, mm_step, (big, -big), unroll=8)
            xmb[pl.ds(r * _NB + g * _LANES, _LANES)] = vmn
            scb[pl.ds(g * _LANES, _LANES)] = vmx - vmn

        s0 = scb[pl.ds(0, _LANES)]
        s1 = scb[pl.ds(_LANES, _LANES)]
        s2 = scb[pl.ds(2 * _LANES, _LANES)]
        s3 = scb[pl.ds(3 * _LANES, _LANES)]
        smin = jnp.min(jnp.minimum(jnp.minimum(s0, s1), jnp.minimum(s2, s3)))
        smax = jnp.max(jnp.maximum(jnp.maximum(s0, s1), jnp.maximum(s2, s3)))
        dd = smax - smin + jnp.float32(1e-8)
        rng = smax - smin
        for g in range(_NG):
            sc = scb[pl.ds(g * _LANES, _LANES)]
            v = (sc - smin) / dd * jnp.float32(255.0)
            qi = (v + jnp.float32(0.5)).astype(jnp.int32)
            sqb[pl.ds(r * _NB + g * _LANES, _LANES)] = qi
            sdb[pl.ds(g * _LANES, _LANES)] = (
                smin + qi.astype(jnp.float32) / jnp.float32(255.0) * rng)
        msk = lane == r
        plsc.store_scatter(smb, [lane], jnp.full((_LANES,), smin, jnp.float32),
                           mask=msk)
        plsc.store_scatter(sxb, [lane], jnp.full((_LANES,), smax, jnp.float32),
                           mask=msk)

        for g in range(_NG):
            gbase = lane64 + g * (_LANES * _BLK)
            vmn = xmb[pl.ds(r * _NB + g * _LANES, _LANES)]
            sc = scb[pl.ds(g * _LANES, _LANES)]
            sd = sdb[pl.ds(g * _LANES, _LANES)]
            inv2 = jnp.float32(2.0) / (sc + jnp.float32(1e-8))
            xb = -vmn * inv2 - jnp.float32(1.0)
            M = _M

            @plsc.parallel_loop(0, _BLK, unroll=8)
            def q_step(e, gbase=gbase, vmn=vmn, sd=sd, inv2=inv2, xb=xb):
                idx = gbase + ((lane + e) & (_BLK - 1))
                xe = plsc.load_gather(xrow, [idx])
                xn = xe * inv2 + xb
                b1 = xn > M[7]
                h2 = jnp.where(b1, M[11], M[3])
                b2 = xn > h2
                h3 = jnp.where(b1, jnp.where(b2, M[13], M[9]),
                               jnp.where(b2, M[5], M[1]))
                b3 = xn > h3
                t00 = jnp.where(b3, M[2], M[0])
                t01 = jnp.where(b3, M[6], M[4])
                t10 = jnp.where(b3, M[10], M[8])
                t11 = jnp.where(b3, M[14], M[12])
                h4 = jnp.where(b1, jnp.where(b2, t11, t10),
                               jnp.where(b2, t01, t00))
                b4 = xn > h4
                qv = (jnp.where(b1, 8, 0) + jnp.where(b2, 4, 0)
                      + jnp.where(b3, 2, 0) + jnp.where(b4, 1, 0))
                uu = plsc.load_gather(uv, [qv])
                plsc.store_scatter(rrow, [idx], uu * sd + vmn)
                plsc.store_scatter(qrow, [idx], qv)

        pltpu.sync_copy(rrow, rec_hbm.at[pl.ds(roff, _COLS)])
        pltpu.sync_copy(qrow, q_hbm.at[pl.ds(roff, _COLS)])
        return carry

    lax.fori_loop(0, _RPW, row_step, 0)
    pltpu.sync_copy(xmb, xmn_hbm.at[pl.ds(base_row * _NB, _RPW * _NB)])
    pltpu.sync_copy(sqb, sq_hbm.at[pl.ds(base_row * _NB, _RPW * _NB)])
    pltpu.sync_copy(smb, smn_hbm.at[pl.ds(base_row, _RPW)])
    pltpu.sync_copy(sxb, smx_hbm.at[pl.ds(base_row, _RPW)])


@functools.cache
def _make_sc_call():
    mesh = plsc.VectorSubcoreMesh(core_axis_name="c", subcore_axis_name="s",
                                  num_cores=_NC, num_subcores=_NS)
    n = _ROWS * _COLS
    return pl.kernel(
        _sc_body,
        out_type=(
            jax.ShapeDtypeStruct((n,), jnp.float32),
            jax.ShapeDtypeStruct((n,), jnp.int32),
            jax.ShapeDtypeStruct((_ROWS * _NB,), jnp.int32),
            jax.ShapeDtypeStruct((_ROWS,), jnp.float32),
            jax.ShapeDtypeStruct((_ROWS,), jnp.float32),
            jax.ShapeDtypeStruct((_ROWS * _NB,), jnp.float32),
        ),
        mesh=mesh,
        compiler_params=pltpu.CompilerParams(needs_layout_passes=False),
        scratch_types=(
            pltpu.VMEM((_COLS,), jnp.float32),
            pltpu.VMEM((_COLS,), jnp.float32),
            pltpu.VMEM((_COLS,), jnp.int32),
            pltpu.VMEM((_LANES,), jnp.float32),
            pltpu.VMEM((_LANES,), jnp.float32),
            pltpu.VMEM((_NB,), jnp.float32),
            pltpu.VMEM((_NB,), jnp.float32),
            pltpu.VMEM((_RPW * _NB,), jnp.float32),
            pltpu.VMEM((_RPW * _NB,), jnp.int32),
            pltpu.VMEM((_RPW,), jnp.float32),
            pltpu.VMEM((_RPW,), jnp.float32),
        ),
    )


def _nf_tables():
    n_levels = 16
    p = (jnp.arange(n_levels, dtype=jnp.float32) + 0.5) / n_levels
    t = jnp.sqrt(2.0) * jax.scipy.special.erfinv(2.0 * p - 1.0)
    t = (t / jnp.max(jnp.abs(t))).astype(jnp.float32)
    u = (t + 1.0) / 2.0
    mids = (t[:-1] + t[1:]) * 0.5
    ey = jnp.concatenate([mids[_EY_PERM], jnp.zeros((1,), jnp.float32)])
    return ey.astype(jnp.float32), u.astype(jnp.float32)


def kernel(x):
    orig_shape = x.shape
    ey16, u16 = _nf_tables()
    xf = x.reshape(-1)
    rec, qf, sq, smn, smx, xmn = _make_sc_call()(xf, ey16, u16)
    return (rec.reshape(orig_shape),
            qf.reshape(_ROWS, _NB, _BLK),
            sq.astype(jnp.uint8).reshape(_ROWS, _NB),
            smn.reshape(_ROWS, 1),
            smx.reshape(_ROWS, 1),
            xmn.reshape(_ROWS, _NB, 1))

# --- scband reference (transcript-rebuilt; emitter-appended) ---
"""Pipeline reference for scband-nfndouble-quantizer-split-70360154243710 (READ-ONLY COPY).

The authoritative reference and input builder live on the scoring server;
editing this copy changes nothing except your own understanding.
"""

import jax, jax.numpy as jnp
import numpy as np

BITS = 4
BLOCK_SIZE = 64

def generate_nf_table(bits):
    n_levels = 2 ** bits
    p = (jnp.arange(n_levels, dtype=jnp.float32) + 0.5) / n_levels
    q = jnp.sqrt(2.0) * jax.scipy.special.erfinv(2.0 * p - 1.0)
    q = q / jnp.max(jnp.abs(q))
    return q.astype(jnp.float32)

def setup_inputs(seed: int = 0) -> dict:
    key = jax.random.key(seed)
    x = jax.random.normal(key, (512, 4096, 1), dtype=jnp.float32)
    return {"x": x}

def reference(x):
    table = generate_nf_table(BITS)
    orig_shape = x.shape
    # compress
    xb = x.reshape(orig_shape[0], orig_shape[1] // BLOCK_SIZE, BLOCK_SIZE)
    x_min = jnp.min(xb, axis=2, keepdims=True)
    x_max = jnp.max(xb, axis=2, keepdims=True)
    scales = (x_max - x_min)[..., 0]
    x_norm = 2.0 * (xb - x_min) / (x_max - x_min + 1e-8) - 1.0
    dist = jnp.abs(x_norm[..., None] - table)
    q_idx = jnp.argmin(dist, axis=-1)
    # double quant of scales
    s_min = jnp.min(scales, axis=-1, keepdims=True)
    s_max = jnp.max(scales, axis=-1, keepdims=True)
    scales_q = jnp.round((scales - s_min) / (s_max - s_min + 1e-8) * 255.0).astype(jnp.uint8)
    # decompress
    scales_d = (s_min + scales_q.astype(jnp.float32) / 255.0 * (s_max - s_min))[..., None]
    w_block = jnp.take(table, q_idx, axis=0)
    w_block = (w_block + 1.0) / 2.0 * scales_d + x_min
    recon = w_block.reshape(orig_shape)
    return recon, q_idx.astype(jnp.int32), scales_q, s_min, s_max, x_min

if __name__ == "__main__":
    import jax
    _d = setup_inputs()
    print(jax.jit(kernel)(*tuple(_d.values())))

</pallas_src>

<mosaic_0001>
#map = affine_map<(d0, d1) -> (0)>
module attributes {stable_mosaic.version = 14 : i64} {
  func.func @_sc_body(%arg0: i32, %arg1: i32, %arg2: memref<2097152xf32, #tpu.memory_space<hbm>>, %arg3: memref<16xf32, #tpu.memory_space<hbm>>, %arg4: memref<16xf32, #tpu.memory_space<hbm>>, %arg5: memref<2097152xf32, #tpu.memory_space<hbm>>, %arg6: memref<2097152xi32, #tpu.memory_space<hbm>>, %arg7: memref<32768xi32, #tpu.memory_space<hbm>>, %arg8: memref<512xf32, #tpu.memory_space<hbm>>, %arg9: memref<512xf32, #tpu.memory_space<hbm>>, %arg10: memref<32768xf32, #tpu.memory_space<hbm>>, %arg11: memref<4096xf32, #tpu.memory_space<vmem>>, %arg12: memref<4096xf32, #tpu.memory_space<vmem>>, %arg13: memref<4096xi32, #tpu.memory_space<vmem>>, %arg14: memref<16xf32, #tpu.memory_space<vmem>>, %arg15: memref<16xf32, #tpu.memory_space<vmem>>, %arg16: memref<64xf32, #tpu.memory_space<vmem>>, %arg17: memref<64xf32, #tpu.memory_space<vmem>>, %arg18: memref<1024xf32, #tpu.memory_space<vmem>>, %arg19: memref<1024xi32, #tpu.memory_space<vmem>>, %arg20: memref<16xf32, #tpu.memory_space<vmem>>, %arg21: memref<16xf32, #tpu.memory_space<vmem>>) attributes {dimension_semantics = [#tpu.dimension_semantics<core_parallel>, #tpu.dimension_semantics<subcore_parallel>], iteration_bounds = array<i64: 2, 16>, scalar_prefetch = 0 : i64, scratch_operands = 11 : i64, tpu.core_type = #tpu.core_type<sc_vector_subcore>, window_params = [{transform_indices = #map}, {transform_indices = #map}, {transform_indices = #map}, {transform_indices = #map}, {transform_indices = #map}, {transform_indices = #map}, {transform_indices = #map}, {transform_indices = #map}, {transform_indices = #map}]} {
    %mul3A = arith.constant 16 : i32
    %mul3A_0 = arith.muli %arg0, %mul3A : i32
    %add3A = arith.addi %mul3A_0, %arg1 : i32
    %mul3A_1 = arith.constant 16 : i32
    %mul3A_2 = arith.muli %add3A, %mul3A_1 : i32
    "tpu.region"() ({
      %run_scoped3A = tpu.sem_alloc : memref<!tpu.dma_semaphore, #tpu.memory_space<semaphore_mem>>
      tpu.enqueue_dma source(%arg3 : memref<16xf32, #tpu.memory_space<hbm>>) target(%arg14 : memref<16xf32, #tpu.memory_space<vmem>>) target_semaphore(%run_scoped3A : memref<!tpu.dma_semaphore, #tpu.memory_space<semaphore_mem>>)
      tpu.wait_dma2 semaphore(%run_scoped3A : memref<!tpu.dma_semaphore, #tpu.memory_space<semaphore_mem>>) src(%arg3 : memref<16xf32, #tpu.memory_space<hbm>>) dst(%arg14 : memref<16xf32, #tpu.memory_space<vmem>>)
      tpu.yield
    }) : () -> ()
    "tpu.region"() ({
      %run_scoped3A = tpu.sem_alloc : memref<!tpu.dma_semaphore, #tpu.memory_space<semaphore_mem>>
      tpu.enqueue_dma source(%arg4 : memref<16xf32, #tpu.memory_space<hbm>>) target(%arg15 : memref<16xf32, #tpu.memory_space<vmem>>) target_semaphore(%run_scoped3A : memref<!tpu.dma_semaphore, #tpu.memory_space<semaphore_mem>>)
      tpu.wait_dma2 semaphore(%run_scoped3A : memref<!tpu.dma_semaphore, #tpu.memory_space<semaphore_mem>>) src(%arg4 : memref<16xf32, #tpu.memory_space<hbm>>) dst(%arg15 : memref<16xf32, #tpu.memory_space<vmem>>)
      tpu.yield
    }) : () -> ()
    %barrier3A = arith.constant 0 : index
    tpu.barrier barrier_id(%barrier3A)
    %iota3A = tpu.iota {dimensions = array<i32: 0>} : vector<16xi32>
    %mul3A_3 = arith.constant 64 : i32
    %mul3A_4 = vector.broadcast %mul3A_3 : i32 to vector<16xi32>
    %mul3A_5 = arith.muli %iota3A, %mul3A_4 : vector<16xi32>
    %scan3A = arith.constant 0 : i32
    %scan3A_6 = arith.constant 0 : i32
    %scan3A_7 = arith.constant 16 : i32
    %scan3A_8 = arith.addi %scan3A_6, %scan3A_7 : i32
    %scan3A_9 = arith.constant 1 : i32
    scf.for %scan3A_15 = %scan3A_6 to %scan3A_8 step %scan3A_9  : i32 {
      %add3A_16 = arith.addi %mul3A_2, %scan3A_15 : i32
      %mul3A_17 = arith.constant 4096 : i32
      %mul3A_18 = arith.muli %add3A_16, %mul3A_17 : i32
      "tpu.region"() ({
        %run_scoped3A = tpu.sem_alloc : memref<!tpu.dma_semaphore, #tpu.memory_space<semaphore_mem>>
        %dma_start3A = tpu.memref_slice %arg2[%mul3A_18] : memref<2097152xf32, #tpu.memory_space<hbm>> -> memref<4096xf32, #tpu.memory_space<hbm>>
        %dma_start3A_360 = tpu.memref_slice %arg2[%mul3A_18] : memref<2097152xf32, #tpu.memory_space<hbm>> -> memref<4096xf32, #tpu.memory_space<hbm>>
        tpu.enqueue_dma source(%dma_start3A_360 : memref<4096xf32, #tpu.memory_space<hbm>>) target(%arg11 : memref<4096xf32, #tpu.memory_space<vmem>>) target_semaphore(%run_scoped3A : memref<!tpu.dma_semaphore, #tpu.memory_space<semaphore_mem>>)
        %dma_wait3A = tpu.memref_slice %arg2[%mul3A_18] : memref<2097152xf32, #tpu.memory_space<hbm>> -> memref<4096xf32, #tpu.memory_space<hbm>>
        %dma_wait3A_361 = tpu.memref_slice %arg2[%mul3A_18] : memref<2097152xf32, #tpu.memory_space<hbm>> -> memref<4096xf32, #tpu.memory_space<hbm>>
        tpu.wait_dma2 semaphore(%run_scoped3A : memref<!tpu.dma_semaphore, #tpu.memory_space<semaphore_mem>>) src(%dma_wait3A_361 : memref<4096xf32, #tpu.memory_space<hbm>>) dst(%arg11 : memref<4096xf32, #tpu.memory_space<vmem>>)
        tpu.yield
      }) : () -> ()
      %add3A_19 = arith.constant 0 : i32
      %add3A_20 = vector.broadcast %add3A_19 : i32 to vector<16xi32>
      %add3A_21 = arith.addi %mul3A_5, %add3A_20 : vector<16xi32>
      %broadcast_in_dim3A = arith.constant 0x7F800000 : f32
      %broadcast_in_dim3A_22 = vector.broadcast %broadcast_in_dim3A : f32 to vector<16xf32>
      %neg3A = arith.constant 0.000000e+00 : f32
      %neg3A_23 = vector.broadcast %neg3A : f32 to vector<16xf32>
      %neg3A_24 = arith.subf %neg3A_23, %broadcast_in_dim3A_22 : vector<16xf32>
      %scan3A_25 = arith.constant 0 : i32
      %scan3A_26 = arith.constant 64 : i32
      %scan3A_27 = arith.addi %scan3A_25, %scan3A_26 : i32
      %scan3A_28 = arith.constant 8 : i32
      %scan3A_29:2 = scf.for %scan3A_360 = %scan3A_25 to %scan3A_27 step %scan3A_28 iter_args(%scan3A_361 = %broadcast_in_dim3A_22, %scan3A_362 = %neg3A_24) -> (vector<16xf32>, vector<16xf32>)  : i32 {
        %add3A_363 = vector.broadcast %scan3A_360 : i32 to vector<16xi32>
        %add3A_364 = arith.addi %iota3A, %add3A_363 : vector<16xi32>
        %and3A = arith.constant 63 : i32
        %and3A_365 = vector.broadcast %and3A : i32 to vector<16xi32>
        %and3A_366 = arith.andi %add3A_364, %and3A_365 : vector<16xi32>
        %add3A_367 = arith.addi %add3A_21, %and3A_366 : vector<16xi32>
        %gather3A = tpu.vector_load_idx %arg11[%add3A_367] : memref<4096xf32, #tpu.memory_space<vmem>>[vector<16xi32>], vector<16xf32>,
        %min3A_368 = arith.minimumf %scan3A_361, %gather3A : vector<16xf32>
        %max3A_369 = arith.maximumf %scan3A_362, %gather3A : vector<16xf32>
        %scan3A_370 = arith.constant 1 : i32
        %scan3A_371 = arith.addi %scan3A_360, %scan3A_370 : i32
        %add3A_372 = vector.broadcast %scan3A_371 : i32 to vector<16xi32>
        %add3A_373 = arith.addi %iota3A, %add3A_372 : vector<16xi32>
        %and3A_374 = arith.constant 63 : i32
        %and3A_375 = vector.broadcast %and3A_374 : i32 to vector<16xi32>
        %and3A_376 = arith.andi %add3A_373, %and3A_375 : vector<16xi32>
        %add3A_377 = arith.addi %add3A_21, %and3A_376 : vector<16xi32>
        %gather3A_378 = tpu.vector_load_idx %arg11[%add3A_377] : memref<4096xf32, #tpu.memory_space<vmem>>[vector<16xi32>], vector<16xf32>,
        %min3A_379 = arith.minimumf %min3A_368, %gather3A_378 : vector<16xf32>
        %max3A_380 = arith.maximumf %max3A_369, %gather3A_378 : vector<16xf32>
        %scan3A_381 = arith.constant 2 : i32
        %scan3A_382 = arith.addi %scan3A_360, %scan3A_381 : i32
        %add3A_383 = vector.broadcast %scan3A_382 : i32 to vector<16xi32>
        %add3A_384 = arith.addi %iota3A, %add3A_383 : vector<16xi32>
        %and3A_385 = arith.constant 63 : i32
        %and3A_386 = vector.broadcast %and3A_385 : i32 to vector<16xi32>
        %and3A_387 = arith.andi %add3A_384, %and3A_386 : vector<16xi32>
        %add3A_388 = arith.addi %add3A_21, %and3A_387 : vector<16xi32>
        %gather3A_389 = tpu.vector_load_idx %arg11[%add3A_388] : memref<4096xf32, #tpu.memory_space<vmem>>[vector<16xi32>], vector<16xf32>,
        %min3A_390 = arith.minimumf %min3A_379, %gather3A_389 : vector<16xf32>
        %max3A_391 = arith.maximumf %max3A_380, %gather3A_389 : vector<16xf32>
        %scan3A_392 = arith.constant 3 : i32
        %scan3A_393 = arith.addi %scan3A_360, %scan3A_392 : i32
        %add3A_394 = vector.broadcast %scan3A_393 : i32 to vector<16xi32>
        %add3A_395 = arith.addi %iota3A, %add3A_394 : vector<16xi32>
        %and3A_396 = arith.constant 63 : i32
        %and3A_397 = vector.broadcast %and3A_396 : i32 to vector<16xi32>
        %and3A_398 = arith.andi %add3A_395, %and3A_397 : vector<16xi32>
        %add3A_399 = arith.addi %add3A_21, %and3A_398 : vector<16xi32>
        %gather3A_400 = tpu.vector_load_idx %arg11[%add3A_399] : memref<4096xf32, #tpu.memory_space<vmem>>[vector<16xi32>], vector<16xf32>,
        %min3A_401 = arith.minimumf %min3A_390, %gather3A_400 : vector<16xf32>
        %max3A_402 = arith.maximumf %max3A_391, %gather3A_400 : vector<16xf32>
        %scan3A_403 = arith.constant 4 : i32
        %scan3A_404 = arith.addi %scan3A_360, %scan3A_403 : i32
        %add3A_405 = vector.broadcast %scan3A_404 : i32 to vector<16xi32>
        %add3A_406 = arith.addi %iota3A, %add3A_405 : vector<16xi32>
        %and3A_407 = arith.constant 63 : i32
        %and3A_408 = vector.broadcast %and3A_407 : i32 to vector<16xi32>
        %and3A_409 = arith.andi %add3A_406, %and3A_408 : vector<16xi32>
        %add3A_410 = arith.addi %add3A_21, %and3A_409 : vector<16xi32>
        %gather3A_411 = tpu.vector_load_idx %arg11[%add3A_410] : memref<4096xf32, #tpu.memory_space<vmem>>[vector<16xi32>], vector<16xf32>,
        %min3A_412 = arith.minimumf %min3A_401, %gather3A_411 : vector<16xf32>
        %max3A_413 = arith.maximumf %max3A_402, %gather3A_411 : vector<16xf32>
        %scan3A_414 = arith.constant 5 : i32
        %scan3A_415 = arith.addi %scan3A_360, %scan3A_414 : i32
        %add3A_416 = vector.broadcast %scan3A_415 : i32 to vector<16xi32>
        %add3A_417 = arith.addi %iota3A, %add3A_416 : vector<16xi32>
        %and3A_418 = arith.constant 63 : i32
        %and3A_419 = vector.broadcast %and3A_418 : i32 to vector<16xi32>
        %and3A_420 = arith.andi %add3A_417, %and3A_419 : vector<16xi32>
        %add3A_421 = arith.addi %add3A_21, %and3A_420 : vector<16xi32>
        %gather3A_422 = tpu.vector_load_idx %arg11[%add3A_421] : memref<4096xf32, #tpu.memory_space<vmem>>[vector<16xi32>], vector<16xf32>,
        %min3A_423 = arith.minimumf %min3A_412, %gather3A_422 : vector<16xf32>
        %max3A_424 = arith.maximumf %max3A_413, %gather3A_422 : vector<16xf32>
        %scan3A_425 = arith.constant 6 : i32
        %scan3A_426 = arith.addi %scan3A_360, %scan3A_425 : i32
        %add3A_427 = vector.broadcast %scan3A_426 : i32 to vector<16xi32>
        %add3A_428 = arith.addi %iota3A, %add3A_427 : vector<16xi32>
        %and3A_429 = arith.constant 63 : i32
        %and3A_430 = vector.broadcast %and3A_429 : i32 to vector<16xi32>
        %and3A_431 = arith.andi %add3A_428, %and3A_430 : vector<16xi32>
        %add3A_432 = arith.addi %add3A_21, %and3A_431 : vector<16xi32>
        %gather3A_433 = tpu.vector_load_idx %arg11[%add3A_432] : memref<4096xf32, #tpu.memory_space<vmem>>[vector<16xi32>], vector<16xf32>,
        %min3A_434 = arith.minimumf %min3A_423, %gather3A_433 : vector<16xf32>
        %max3A_435 = arith.maximumf %max3A_424, %gather3A_433 : vector<16xf32>
        %scan3A_436 = arith.constant 7 : i32
        %scan3A_437 = arith.addi %scan3A_360, %scan3A_436 : i32
        %add3A_438 = vector.broadcast %scan3A_437 : i32 to vector<16xi32>
        %add3A_439 = arith.addi %iota3A, %add3A_438 : vector<16xi32>
        %and3A_440 = arith.constant 63 : i32
        %and3A_441 = vector.broadcast %and3A_440 : i32 to vector<16xi32>
        %and3A_442 = arith.andi %add3A_439, %and3A_441 : vector<16xi32>
        %add3A_443 = arith.addi %add3A_21, %and3A_442 : vector<16xi32>
        %gather3A_444 = tpu.vector_load_idx %arg11[%add3A_443] : memref<4096xf32, #tpu.memory_space<vmem>>[vector<16xi32>], vector<16xf32>,
        %min3A_445 = arith.minimumf %min3A_434, %gather3A_444 : vector<16xf32>
        %max3A_446 = arith.maximumf %max3A_435, %gather3A_444 : vector<16xf32>
        scf.yield %min3A_445, %max3A_446 : vector<16xf32>, vector<16xf32>
      }
      %scan3A_30 = arith.constant 64 : i32
      %mul3A_31 = arith.constant 64 : i32
      %mul3A_32 = arith.muli %scan3A_15, %mul3A_31 : i32
      %add3A_33 = arith.constant 0 : i32
      %add3A_34 = arith.addi %mul3A_32, %add3A_33 : i32
      %swap3A = arith.index_cast %add3A_34 : i32 to index
      %swap3A_35 = tpu.vector_load %arg18[%swap3A] {strides = array<i32>} : memref<1024xf32, #tpu.memory_space<vmem>>, vector<16xf32>,
      tpu.vector_store %arg18[%swap3A], %scan3A_29#0 {strides = array<i32>} : memref<1024xf32, #tpu.memory_space<vmem>>, vector<16xf32>,
      %sub3A = arith.subf %scan3A_29#1, %scan3A_29#0 : vector<16xf32>
      %swap3A_36 = arith.constant 0 : index
      %swap3A_37 = tpu.vector_load %arg16[%swap3A_36] {strides = array<i32>} : memref<64xf32, #tpu.memory_space<vmem>>, vector<16xf32>,
      tpu.vector_store %arg16[%swap3A_36], %sub3A {strides = array<i32>} : memref<64xf32, #tpu.memory_space<vmem>>, vector<16xf32>,
      %add3A_38 = arith.constant 1024 : i32
      %add3A_39 = vector.broadcast %add3A_38 : i32 to vector<16xi32>
      %add3A_40 = arith.addi %mul3A_5, %add3A_39 : vector<16xi32>
      %broadcast_in_dim3A_41 = arith.constant 0x7F800000 : f32
      %broadcast_in_dim3A_42 = vector.broadcast %broadcast_in_dim3A_41 : f32 to vector<16xf32>
      %neg3A_43 = arith.constant 0.000000e+00 : f32
      %neg3A_44 = vector.broadcast %neg3A_43 : f32 to vector<16xf32>
      %neg3A_45 = arith.subf %neg3A_44, %broadcast_in_dim3A_42 : vector<16xf32>
      %scan3A_46 = arith.constant 0 : i32
      %scan3A_47 = arith.constant 64 : i32
      %scan3A_48 = arith.addi %scan3A_46, %scan3A_47 : i32
      %scan3A_49 = arith.constant 8 : i32
      %scan3A_50:2 = scf.for %scan3A_360 = %scan3A_46 to %scan3A_48 step %scan3A_49 iter_args(%scan3A_361 = %broadcast_in_dim3A_42, %scan3A_362 = %neg3A_45) -> (vector<16xf32>, vector<16xf32>)  : i32 {
        %add3A_363 = vector.broadcast %scan3A_360 : i32 to vector<16xi32>
        %add3A_364 = arith.addi %iota3A, %add3A_363 : vector<16xi32>
        %and3A = arith.constant 63 : i32
        %and3A_365 = vector.broadcast %and3A : i32 to vector<16xi32>
        %and3A_366 = arith.andi %add3A_364, %and3A_365 : vector<16xi32>
        %add3A_367 = arith.addi %add3A_40, %and3A_366 : vector<16xi32>
        %gather3A = tpu.vector_load_idx %arg11[%add3A_367] : memref<4096xf32, #tpu.memory_space<vmem>>[vector<16xi32>], vector<16xf32>,
        %min3A_368 = arith.minimumf %scan3A_361, %gather3A : vector<16xf32>
        %max3A_369 = arith.maximumf %scan3A_362, %gather3A : vector<16xf32>
        %scan3A_370 = arith.constant 1 : i32
        %scan3A_371 = arith.addi %scan3A_360, %scan3A_370 : i32
        %add3A_372 = vector.broadcast %scan3A_371 : i32 to vector<16xi32>
        %add3A_373 = arith.addi %iota3A, %add3A_372 : vector<16xi32>
        %and3A_374 = arith.constant 63 : i32
        %and3A_375 = vector.broadcast %and3A_374 : i32 to vector<16xi32>
        %and3A_376 = arith.andi %add3A_373, %and3A_375 : vector<16xi32>
        %add3A_377 = arith.addi %add3A_40, %and3A_376 : vector<16xi32>
        %gather3A_378 = tpu.vector_load_idx %arg11[%add3A_377] : memref<4096xf32, #tpu.memory_space<vmem>>[vector<16xi32>], vector<16xf32>,
        %min3A_379 = arith.minimumf %min3A_368, %gather3A_378 : vector<16xf32>
        %max3A_380 = arith.maximumf %max3A_369, %gather3A_378 : vector<16xf32>
        %scan3A_381 = arith.constant 2 : i32
        %scan3A_382 = arith.addi %scan3A_360, %scan3A_381 : i32
        %add3A_383 = vector.broadcast %scan3A_382 : i32 to vector<16xi32>
        %add3A_384 = arith.addi %iota3A, %add3A_383 : vector<16xi32>
        %and3A_385 = arith.constant 63 : i32
        %and3A_386 = vector.broadcast %and3A_385 : i32 to vector<16xi32>
        %and3A_387 = arith.andi %add3A_384, %and3A_386 : vector<16xi32>
        %add3A_388 = arith.addi %add3A_40, %and3A_387 : vector<16xi32>
        %gather3A_389 = tpu.vector_load_idx %arg11[%add3A_388] : memref<4096xf32, #tpu.memory_space<vmem>>[vector<16xi32>], vector<16xf32>,
        %min3A_390 = arith.minimumf %min3A_379, %gather3A_389 : vector<16xf32>
        %max3A_391 = arith.maximumf %max3A_380, %gather3A_389 : vector<16xf32>
        %scan3A_392 = arith.constant 3 : i32
        %scan3A_393 = arith.addi %scan3A_360, %scan3A_392 : i32
        %add3A_394 = vector.broadcast %scan3A_393 : i32 to vector<16xi32>
        %add3A_395 = arith.addi %iota3A, %add3A_394 : vector<16xi32>
        %and3A_396 = arith.constant 63 : i32
        %and3A_397 = vector.broadcast %and3A_396 : i32 to vector<16xi32>
        %and3A_398 = arith.andi %add3A_395, %and3A_397 : vector<16xi32>
        %add3A_399 = arith.addi %add3A_40, %and3A_398 : vector<16xi32>
        %gather3A_400 = tpu.vector_load_idx %arg11[%add3A_399] : memref<4096xf32, #tpu.memory_space<vmem>>[vector<16xi32>], vector<16xf32>,
        %min3A_401 = arith.minimumf %min3A_390, %gather3A_400 : vector<16xf32>
        %max3A_402 = arith.maximumf %max3A_391, %gather3A_400 : vector<16xf32>
        %scan3A_403 = arith.constant 4 : i32
        %scan3A_404 = arith.addi %scan3A_360, %scan3A_403 : i32
        %add3A_405 = vector.broadcast %scan3A_404 : i32 to vector<16xi32>
        %add3A_406 = arith.addi %iota3A, %add3A_405 : vector<16xi32>
        %and3A_407 = arith.constant 63 : i32
        %and3A_408 = vector.broadcast %and3A_407 : i32 to vector<16xi32>
        %and3A_409 = arith.andi %add3A_406, %and3A_408 : vector<16xi32>
        %add3A_410 = arith.addi %add3A_40, %and3A_409 : vector<16xi32>
        %gather3A_411 = tpu.vector_load_idx %arg11[%add3A_410] : memref<4096xf32, #tpu.memory_space<vmem>>[vector<16xi32>], vector<16xf32>,
        %min3A_412 = arith.minimumf %min3A_401, %gather3A_411 : vector<16xf32>
        %max3A_413 = arith.maximumf %max3A_402, %gather3A_411 : vector<16xf32>
        %scan3A_414 = arith.constant 5 : i32
        %scan3A_415 = arith.addi %scan3A_360, %scan3A_414 : i32
        %add3A_416 = vector.broadcast %scan3A_415 : i32 to vector<16xi32>
        %add3A_417 = arith.addi %iota3A, %add3A_416 : vector<16xi32>
        %and3A_418 = arith.constant 63 : i32
        %and3A_419 = vector.broadcast %and3A_418 : i32 to vector<16xi32>
        %and3A_420 = arith.andi %add3A_417, %and3A_419 : vector<16xi32>
        %add3A_421 = arith.addi %add3A_40, %and3A_420 : vector<16xi32>
        %gather3A_422 = tpu.vector_load_idx %arg11[%add3A_421] : memref<4096xf32, #tpu.memory_space<vmem>>[vector<16xi32>], vector<16xf32>,
        %min3A_423 = arith.minimumf %min3A_412, %gather3A_422 : vector<16xf32>
        %max3A_424 = arith.maximumf %max3A_413, %gather3A_422 : vector<16xf32>
        %scan3A_425 = arith.constant 6 : i32
        %scan3A_426 = arith.addi %scan3A_360, %scan3A_425 : i32
        %add3A_427 = vector.broadcast %scan3A_426 : i32 to vector<16xi32>
        %add3A_428 = arith.addi %iota3A, %add3A_427 : vector<16xi32>
        %and3A_429 = arith.constant 63 : i32
        %and3A_430 = vector.broadcast %and3A_429 : i32 to vector<16xi32>
        %and3A_431 = arith.andi %add3A_428, %and3A_430 : vector<16xi32>
        %add3A_432 = arith.addi %add3A_40, %and3A_431 : vector<16xi32>
        %gather3A_433 = tpu.vector_load_idx %arg11[%add3A_432] : memref<4096xf32, #tpu.memory_space<vmem>>[vector<16xi32>], vector<16xf32>,
        %min3A_434 = arith.minimumf %min3A_423, %gather3A_433 : vector<16xf32>
        %max3A_435 = arith.maximumf %max3A_424, %gather3A_433 : vector<16xf32>
        %scan3A_436 = arith.constant 7 : i32
        %scan3A_437 = arith.addi %scan3A_360, %scan3A_436 : i32
        %add3A_438 = vector.broadcast %scan3A_437 : i32 to vector<16xi32>
        %add3A_439 = arith.addi %iota3A, %add3A_438 : vector<16xi32>
        %and3A_440 = arith.constant 63 : i32
        %and3A_441 = vector.broadcast %and3A_440 : i32 to vector<16xi32>
        %and3A_442 = arith.andi %add3A_439, %and3A_441 : vector<16xi32>
        %add3A_443 = arith.addi %add3A_40, %and3A_442 : vector<16xi32>
        %gather3A_444 = tpu.vector_load_idx %arg11[%add3A_443] : memref<4096xf32, #tpu.memory_space<vmem>>[vector<16xi32>], vector<16xf32>,
        %min3A_445 = arith.minimumf %min3A_434, %gather3A_444 : vector<16xf32>
        %max3A_446 = arith.maximumf %max3A_435, %gather3A_444 : vector<16xf32>
        scf.yield %min3A_445, %max3A_446 : vector<16xf32>, vector<16xf32>
      }
      %scan3A_51 = arith.constant 64 : i32
      %mul3A_52 = arith.constant 64 : i32
      %mul3A_53 = arith.muli %scan3A_15, %mul3A_52 : i32
      %add3A_54 = arith.constant 16 : i32
      %add3A_55 = arith.addi %mul3A_53, %add3A_54 : i32
      %swap3A_56 = arith.index_cast %add3A_55 : i32 to index
      %swap3A_57 = tpu.vector_load %arg18[%swap3A_56] {strides = array<i32>} : memref<1024xf32, #tpu.memory_space<vmem>>, vector<16xf32>,
      tpu.vector_store %arg18[%swap3A_56], %scan3A_50#0 {strides = array<i32>} : memref<1024xf32, #tpu.memory_space<vmem>>, vector<16xf32>,
      %sub3A_58 = arith.subf %scan3A_50#1, %scan3A_50#0 : vector<16xf32>
      %swap3A_59 = arith.constant 16 : index
      %swap3A_60 = tpu.vector_load %arg16[%swap3A_59] {strides = array<i32>} : memref<64xf32, #tpu.memory_space<vmem>>, vector<16xf32>,
      tpu.vector_store %arg16[%swap3A_59], %sub3A_58 {strides = array<i32>} : memref<64xf32, #tpu.memory_space<vmem>>, vector<16xf32>,
      %add3A_61 = arith.constant 2048 : i32
      %add3A_62 = vector.broadcast %add3A_61 : i32 to vector<16xi32>
      %add3A_63 = arith.addi %mul3A_5, %add3A_62 : vector<16xi32>
      %broadcast_in_dim3A_64 = arith.constant 0x7F800000 : f32
      %broadcast_in_dim3A_65 = vector.broadcast %broadcast_in_dim3A_64 : f32 to vector<16xf32>
      %neg3A_66 = arith.constant 0.000000e+00 : f32
      %neg3A_67 = vector.broadcast %neg3A_66 : f32 to vector<16xf32>
      %neg3A_68 = arith.subf %neg3A_67, %broadcast_in_dim3A_65 : vector<16xf32>
      %scan3A_69 = arith.constant 0 : i32
      %scan3A_70 = arith.constant 64 : i32
      %scan3A_71 = arith.addi %scan3A_69, %scan3A_70 : i32
      %scan3A_72 = arith.constant 8 : i32
      %scan3A_73:2 = scf.for %scan3A_360 = %scan3A_69 to %scan3A_71 step %scan3A_72 iter_args(%scan3A_361 = %broadcast_in_dim3A_65, %scan3A_362 = %neg3A_68) -> (vector<16xf32>, vector<16xf32>)  : i32 {
        %add3A_363 = vector.broadcast %scan3A_360 : i32 to vector<16xi32>
        %add3A_364 = arith.addi %iota3A, %add3A_363 : vector<16xi32>
        %and3A = arith.constant 63 : i32
        %and3A_365 = vector.broadcast %and3A : i32 to vector<16xi32>
        %and3A_366 = arith.andi %add3A_364, %and3A_365 : vector<16xi32>
        %add3A_367 = arith.addi %add3A_63, %and3A_366 : vector<16xi32>
        %gather3A = tpu.vector_load_idx %arg11[%add3A_367] : memref<4096xf32, #tpu.memory_space<vmem>>[vector<16xi32>], vector<16xf32>,
        %min3A_368 = arith.minimumf %scan3A_361, %gather3A : vector<16xf32>
        %max3A_369 = arith.maximumf %scan3A_362, %gather3A : vector<16xf32>
        %scan3A_370 = arith.constant 1 : i32
        %scan3A_371 = arith.addi %scan3A_360, %scan3A_370 : i32
        %add3A_372 = vector.broadcast %scan3A_371 : i32 to vector<16xi32>
        %add3A_373 = arith.addi %iota3A, %add3A_372 : vector<16xi32>
        %and3A_374 = arith.constant 63 : i32
        %and3A_375 = vector.broadcast %and3A_374 : i32 to vector<16xi32>
        %and3A_376 = arith.andi %add3A_373, %and3A_375 : vector<16xi32>
        %add3A_377 = arith.addi %add3A_63, %and3A_376 : vector<16xi32>
        %gather3A_378 = tpu.vector_load_idx %arg11[%add3A_377] : memref<4096xf32, #tpu.memory_space<vmem>>[vector<16xi32>], vector<16xf32>,
        %min3A_379 = arith.minimumf %min3A_368, %gather3A_378 : vector<16xf32>
        %max3A_380 = arith.maximumf %max3A_369, %gather3A_378 : vector<16xf32>
        %scan3A_381 = arith.constant 2 : i32
        %scan3A_382 = arith.addi %scan3A_360, %scan3A_381 : i32
        %add3A_383 = vector.broadcast %scan3A_382 : i32 to vector<16xi32>
        %add3A_384 = arith.addi %iota3A, %add3A_383 : vector<16xi32>
        %and3A_385 = arith.constant 63 : i32
        %and3A_386 = vector.broadcast %and3A_385 : i32 to vector<16xi32>
        %and3A_387 = arith.andi %add3A_384, %and3A_386 : vector<16xi32>
        %add3A_388 = arith.addi %add3A_63, %and3A_387 : vector<16xi32>
        %gather3A_389 = tpu.vector_load_idx %arg11[%add3A_388] : memref<4096xf32, #tpu.memory_space<vmem>>[vector<16xi32>], vector<16xf32>,
        %min3A_390 = arith.minimumf %min3A_379, %gather3A_389 : vector<16xf32>
        %max3A_391 = arith.maximumf %max3A_380, %gather3A_389 : vector<16xf32>
        %scan3A_392 = arith.constant 3 : i32
        %scan3A_393 = arith.addi %scan3A_360, %scan3A_392 : i32
        %add3A_394 = vector.broadcast %scan3A_393 : i32 to vector<16xi32>
        %add3A_395 = arith.addi %iota3A, %add3A_394 : vector<16xi32>
        %and3A_396 = arith.constant 63 : i32
        %and3A_397 = vector.broadcast %and3A_396 : i32 to vector<16xi32>
        %and3A_398 = arith.andi %add3A_395, %and3A_397 : vector<16xi32>
        %add3A_399 = arith.addi %add3A_63, %and3A_398 : vector<16xi32>
        %gather3A_400 = tpu.vector_load_idx %arg11[%add3A_399] : memref<4096xf32, #tpu.memory_space<vmem>>[vector<16xi32>], vector<16xf32>,
        %min3A_401 = arith.minimumf %min3A_390, %gather3A_400 : vector<16xf32>
        %max3A_402 = arith.maximumf %max3A_391, %gather3A_400 : vector<16xf32>
        %scan3A_403 = arith.constant 4 : i32
        %scan3A_404 = arith.addi %scan3A_360, %scan3A_403 : i32
        %add3A_405 = vector.broadcast %scan3A_404 : i32 to vector<16xi32>
        %add3A_406 = arith.addi %iota3A, %add3A_405 : vector<16xi32>
        %and3A_407 = arith.constant 63 : i32
        %and3A_408 = vector.broadcast %and3A_407 : i32 to vector<16xi32>
        %and3A_409 = arith.andi %add3A_406, %and3A_408 : vector<16xi32>
        %add3A_410 = arith.addi %add3A_63, %and3A_409 : vector<16xi32>
        %gather3A_411 = tpu.vector_load_idx %arg11[%add3A_410] : memref<4096xf32, #tpu.memory_space<vmem>>[vector<16xi32>], vector<16xf32>,
        %min3A_412 = arith.minimumf %min3A_401, %gather3A_411 : vector<16xf32>
        %max3A_413 = arith.maximumf %max3A_402, %gather3A_411 : vector<16xf32>
        %scan3A_414 = arith.constant 5 : i32
        %scan3A_415 = arith.addi %scan3A_360, %scan3A_414 : i32
        %add3A_416 = vector.broadcast %scan3A_415 : i32 to vector<16xi32>
        %add3A_417 = arith.addi %iota3A, %add3A_416 : vector<16xi32>
        %and3A_418 = arith.constant 63 : i32
        %and3A_419 = vector.broadcast %and3A_418 : i32 to vector<16xi32>
        %and3A_420 = arith.andi %add3A_417, %and3A_419 : vector<16xi32>
        %add3A_421 = arith.addi %add3A_63, %and3A_420 : vector<16xi32>
        %gather3A_422 = tpu.vector_load_idx %arg11[%add3A_421] : memref<4096xf32, #tpu.memory_space<vmem>>[vector<16xi32>], vector<16xf32>,
        %min3A_423 = arith.minimumf %min3A_412, %gather3A_422 : vector<16xf32>
        %max3A_424 = arith.maximumf %max3A_413, %gather3A_422 : vector<16xf32>
        %scan3A_425 = arith.constant 6 : i32
        %scan3A_426 = arith.addi %scan3A_360, %scan3A_425 : i32
        %add3A_427 = vector.broadcast %scan3A_426 : i32 to vector<16xi32>
        %add3A_428 = arith.addi %iota3A, %add3A_427 : vector<16xi32>
        %and3A_429 = arith.constant 63 : i32
        %and3A_430 = vector.broadcast %and3A_429 : i32 to vector<16xi32>
        %and3A_431 = arith.andi %add3A_428, %and3A_430 : vector<16xi32>
        %add3A_432 = arith.addi %add3A_63, %and3A_431 : vector<16xi32>
        %gather3A_433 = tpu.vector_load_idx %arg11[%add3A_432] : memref<4096xf32, #tpu.memory_space<vmem>>[vector<16xi32>], vector<16xf32>,
        %min3A_434 = arith.minimumf %min3A_423, %gather3A_433 : vector<16xf32>
        %max3A_435 = arith.maximumf %max3A_424, %gather3A_433 : vector<16xf32>
        %scan3A_436 = arith.constant 7 : i32
        %scan3A_437 = arith.addi %scan3A_360, %scan3A_436 : i32
        %add3A_438 = vector.broadcast %scan3A_437 : i32 to vector<16xi32>
        %add3A_439 = arith.addi %iota3A, %add3A_438 : vector<16xi32>
        %and3A_440 = arith.constant 63 : i32
        %and3A_441 = vector.broadcast %and3A_440 : i32 to vector<16xi32>
        %and3A_442 = arith.andi %add3A_439, %and3A_441 : vector<16xi32>
        %add3A_443 = arith.addi %add3A_63, %and3A_442 : vector<16xi32>
        %gather3A_444 = tpu.vector_load_idx %arg11[%add3A_443] : memref<4096xf32, #tpu.memory_space<vmem>>[vector<16xi32>], vector<16xf32>,
        %min3A_445 = arith.minimumf %min3A_434, %gather3A_444 : vector<16xf32>
        %max3A_446 = arith.maximumf %max3A_435, %gather3A_444 : vector<16xf32>
        scf.yield %min3A_445, %max3A_446 : vector<16xf32>, vector<16xf32>
      }
      %scan3A_74 = arith.constant 64 : i32
      %mul3A_75 = arith.constant 64 : i32
      %mul3A_76 = arith.muli %scan3A_15, %mul3A_75 : i32
      %add3A_77 = arith.constant 32 : i32
      %add3A_78 = arith.addi %mul3A_76, %add3A_77 : i32
      %swap3A_79 = arith.index_cast %add3A_78 : i32 to index
      %swap3A_80 = tpu.vector_load %arg18[%swap3A_79] {strides = array<i32>} : memref<1024xf32, #tpu.memory_space<vmem>>, vector<16xf32>,
      tpu.vector_store %arg18[%swap3A_79], %scan3A_73#0 {strides = array<i32>} : memref<1024xf32, #tpu.memory_space<vmem>>, vector<16xf32>,
      %sub3A_81 = arith.subf %scan3A_73#1, %scan3A_73#0 : vector<16xf32>
      %swap3A_82 = arith.constant 32 : index
      %swap3A_83 = tpu.vector_load %arg16[%swap3A_82] {strides = array<i32>} : memref<64xf32, #tpu.memory_space<vmem>>, vector<16xf32>,
      tpu.vector_store %arg16[%swap3A_82], %sub3A_81 {strides = array<i32>} : memref<64xf32, #tpu.memory_space<vmem>>, vector<16xf32>,
      %add3A_84 = arith.constant 3072 : i32
      %add3A_85 = vector.broadcast %add3A_84 : i32 to vector<16xi32>
      %add3A_86 = arith.addi %mul3A_5, %add3A_85 : vector<16xi32>
      %broadcast_in_dim3A_87 = arith.constant 0x7F800000 : f32
      %broadcast_in_dim3A_88 = vector.broadcast %broadcast_in_dim3A_87 : f32 to vector<16xf32>
      %neg3A_89 = arith.constant 0.000000e+00 : f32
      %neg3A_90 = vector.broadcast %neg3A_89 : f32 to vector<16xf32>
      %neg3A_91 = arith.subf %neg3A_90, %broadcast_in_dim3A_88 : vector<16xf32>
      %scan3A_92 = arith.constant 0 : i32
      %scan3A_93 = arith.constant 64 : i32
      %scan3A_94 = arith.addi %scan3A_92, %scan3A_93 : i32
      %scan3A_95 = arith.constant 8 : i32
      %scan3A_96:2 = scf.for %scan3A_360 = %scan3A_92 to %scan3A_94 step %scan3A_95 iter_args(%scan3A_361 = %broadcast_in_dim3A_88, %scan3A_362 = %neg3A_91) -> (vector<16xf32>, vector<16xf32>)  : i32 {
        %add3A_363 = vector.broadcast %scan3A_360 : i32 to vector<16xi32>
        %add3A_364 = arith.addi %iota3A, %add3A_363 : vector<16xi32>
        %and3A = arith.constant 63 : i32
        %and3A_365 = vector.broadcast %and3A : i32 to vector<16xi32>
        %and3A_366 = arith.andi %add3A_364, %and3A_365 : vector<16xi32>
        %add3A_367 = arith.addi %add3A_86, %and3A_366 : vector<16xi32>
        %gather3A = tpu.vector_load_idx %arg11[%add3A_367] : memref<4096xf32, #tpu.memory_space<vmem>>[vector<16xi32>], vector<16xf32>,
        %min3A_368 = arith.minimumf %scan3A_361, %gather3A : vector<16xf32>
        %max3A_369 = arith.maximumf %scan3A_362, %gather3A : vector<16xf32>
        %scan3A_370 = arith.constant 1 : i32
        %scan3A_371 = arith.addi %scan3A_360, %scan3A_370 : i32
        %add3A_372 = vector.broadcast %scan3A_371 : i32 to vector<16xi32>
        %add3A_373 = arith.addi %iota3A, %add3A_372 : vector<16xi32>
        %and3A_374 = arith.constant 63 : i32
        %and3A_375 = vector.broadcast %and3A_374 : i32 to vector<16xi32>
        %and3A_376 = arith.andi %add3A_373, %and3A_375 : vector<16xi32>
        %add3A_377 = arith.addi %add3A_86, %and3A_376 : vector<16xi32>
        %gather3A_378 = tpu.vector_load_idx %arg11[%add3A_377] : memref<4096xf32, #tpu.memory_space<vmem>>[vector<16xi32>], vector<16xf32>,
        %min3A_379 = arith.minimumf %min3A_368, %gather3A_378 : vector<16xf32>
        %max3A_380 = arith.maximumf %max3A_369, %gather3A_378 : vector<16xf32>
        %scan3A_381 = arith.constant 2 : i32
        %scan3A_382 = arith.addi %scan3A_360, %scan3A_381 : i32
        %add3A_383 = vector.broadcast %scan3A_382 : i32 to vector<16xi32>
        %add3A_384 = arith.addi %iota3A, %add3A_383 : vector<16xi32>
        %and3A_385 = arith.constant 63 : i32
        %and3A_386 = vector.broadcast %and3A_385 : i32 to vector<16xi32>
        %and3A_387 = arith.andi %add3A_384, %and3A_386 : vector<16xi32>
        %add3A_388 = arith.addi %add3A_86, %and3A_387 : vector<16xi32>
        %gather3A_389 = tpu.vector_load_idx %arg11[%add3A_388] : memref<4096xf32, #tpu.memory_space<vmem>>[vector<16xi32>], vector<16xf32>,
        %min3A_390 = arith.minimumf %min3A_379, %gather3A_389 : vector<16xf32>
        %max3A_391 = arith.maximumf %max3A_380, %gather3A_389 : vector<16xf32>
        %scan3A_392 = arith.constant 3 : i32
        %scan3A_393 = arith.addi %scan3A_360, %scan3A_392 : i32
        %add3A_394 = vector.broadcast %scan3A_393 : i32 to vector<16xi32>
        %add3A_395 = arith.addi %iota3A, %add3A_394 : vector<16xi32>
        %and3A_396 = arith.constant 63 : i32
        %and3A_397 = vector.broadcast %and3A_396 : i32 to vector<16xi32>
        %and3A_398 = arith.andi %add3A_395, %and3A_397 : vector<16xi32>
        %add3A_399 = arith.addi %add3A_86, %and3A_398 : vector<16xi32>
        %gather3A_400 = tpu.vector_load_idx %arg11[%add3A_399] : memref<4096xf32, #tpu.memory_space<vmem>>[vector<16xi32>], vector<16xf32>,
        %min3A_401 = arith.minimumf %min3A_390, %gather3A_400 : vector<16xf32>
        %max3A_402 = arith.maximumf %max3A_391, %gather3A_400 : vector<16xf32>
        %scan3A_403 = arith.constant 4 : i32
        %scan3A_404 = arith.addi %scan3A_360, %scan3A_403 : i32
        %add3A_405 = vector.broadcast %scan3A_404 : i32 to vector<16xi32>
        %add3A_406 = arith.addi %iota3A, %add3A_405 : vector<16xi32>
        %and3A_407 = arith.constant 63 : i32
        %and3A_408 = vector.broadcast %and3A_407 : i32 to vector<16xi32>
        %and3A_409 = arith.andi %add3A_406, %and3A_408 : vector<16xi32>
        %add3A_410 = arith.addi %add3A_86, %and3A_409 : vector<16xi32>
        %gather3A_411 = tpu.vector_load_idx %arg11[%add3A_410] : memref<4096xf32, #tpu.memory_space<vmem>>[vector<16xi32>], vector<16xf32>,
        %min3A_412 = arith.minimumf %min3A_401, %gather3A_411 : vector<16xf32>
        %max3A_413 = arith.maximumf %max3A_402, %gather3A_411 : vector<16xf32>
        %scan3A_414 = arith.constant 5 : i32
        %scan3A_415 = arith.addi %scan3A_360, %scan3A_414 : i32
        %add3A_416 = vector.broadcast %scan3A_415 : i32 to vector<16xi32>
        %add3A_417 = arith.addi %iota3A, %add3A_416 : vector<16xi32>
        %and3A_418 = arith.constant 63 : i32
        %and3A_419 = vector.broadcast %and3A_418 : i32 to vector<16xi32>
        %and3A_420 = arith.andi %add3A_417, %and3A_419 : vector<16xi32>
        %add3A_421 = arith.addi %add3A_86, %and3A_420 : vector<16xi32>
        %gather3A_422 = tpu.vector_load_idx %arg11[%add3A_421] : memref<4096xf32, #tpu.memory_space<vmem>>[vector<16xi32>], vector<16xf32>,
        %min3A_423 = arith.minimumf %min3A_412, %gather3A_422 : vector<16xf32>
        %max3A_424 = arith.maximumf %max3A_413, %gather3A_422 : vector<16xf32>
        %scan3A_425 = arith.constant 6 : i32
        %scan3A_426 = arith.addi %scan3A_360, %scan3A_425 : i32
        %add3A_427 = vector.broadcast %scan3A_426 : i32 to vector<16xi32>
        %add3A_428 = arith.addi %iota3A, %add3A_427 : vector<16xi32>
        %and3A_429 = arith.constant 63 : i32
        %and3A_430 = vector.broadcast %and3A_429 : i32 to vector<16xi32>
        %and3A_431 = arith.andi %add3A_428, %and3A_430 : vector<16xi32>
        %add3A_432 = arith.addi %add3A_86, %and3A_431 : vector<16xi32>
        %gather3A_433 = tpu.vector_load_idx %arg11[%add3A_432] : memref<4096xf32, #tpu.memory_space<vmem>>[vector<16xi32>], vector<16xf32>,
        %min3A_434 = arith.minimumf %min3A_423, %gather3A_433 : vector<16xf32>
        %max3A_435 = arith.maximumf %max3A_424, %gather3A_433 : vector<16xf32>
        %scan3A_436 = arith.constant 7 : i32
        %scan3A_437 = arith.addi %scan3A_360, %scan3A_436 : i32
        %add3A_438 = vector.broadcast %scan3A_437 : i32 to vector<16xi32>
        %add3A_439 = arith.addi %iota3A, %add3A_438 : vector<16xi32>
        %and3A_440 = arith.constant 63 : i32
        %and3A_441 = vector.broadcast %and3A_440 : i32 to vector<16xi32>
        %and3A_442 = arith.andi %add3A_439, %and3A_441 : vector<16xi32>
        %add3A_443 = arith.addi %add3A_86, %and3A_442 : vector<16xi32>
        %gather3A_444 = tpu.vector_load_idx %arg11[%add3A_443] : memref<4096xf32, #tpu.memory_space<vmem>>[vector<16xi32>], vector<16xf32>,
        %min3A_445 = arith.minimumf %min3A_434, %gather3A_444 : vector<16xf32>
        %max3A_446 = arith.maximumf %max3A_435, %gather3A_444 : vector<16xf32>
        scf.yield %min3A_445, %max3A_446 : vector<16xf32>, vector<16xf32>
      }
      %scan3A_97 = arith.constant 64 : i32
      %mul3A_98 = arith.constant 64 : i32
      %mul3A_99 = arith.muli %scan3A_15, %mul3A_98 : i32
      %add3A_100 = arith.constant 48 : i32
      %add3A_101 = arith.addi %mul3A_99, %add3A_100 : i32
      %swap3A_102 = arith.index_cast %add3A_101 : i32 to index
      %swap3A_103 = tpu.vector_load %arg18[%swap3A_102] {strides = array<i32>} : memref<1024xf32, #tpu.memory_space<vmem>>, vector<16xf32>,
      tpu.vector_store %arg18[%swap3A_102], %scan3A_96#0 {strides = array<i32>} : memref<1024xf32, #tpu.memory_space<vmem>>, vector<16xf32>,
      %sub3A_104 = arith.subf %scan3A_96#1, %scan3A_96#0 : vector<16xf32>
      %swap3A_105 = arith.constant 48 : index
      %swap3A_106 = tpu.vector_load %arg16[%swap3A_105] {strides = array<i32>} : memref<64xf32, #tpu.memory_space<vmem>>, vector<16xf32>,
      tpu.vector_store %arg16[%swap3A_105], %sub3A_104 {strides = array<i32>} : memref<64xf32, #tpu.memory_space<vmem>>, vector<16xf32>,
      %get3A = arith.constant 0 : index
      %get3A_107 = tpu.vector_load %arg16[%get3A] {strides = array<i32>} : memref<64xf32, #tpu.memory_space<vmem>>, vector<16xf32>,
      %get3A_108 = arith.constant 16 : index
      %get3A_109 = tpu.vector_load %arg16[%get3A_108] {strides = array<i32>} : memref<64xf32, #tpu.memory_space<vmem>>, vector<16xf32>,
      %get3A_110 = arith.constant 32 : index
      %get3A_111 = tpu.vector_load %arg16[%get3A_110] {strides = array<i32>} : memref<64xf32, #tpu.memory_space<vmem>>, vector<16xf32>,
      %get3A_112 = arith.constant 48 : index
      %get3A_113 = tpu.vector_load %arg16[%get3A_112] {strides = array<i32>} : memref<64xf32, #tpu.memory_space<vmem>>, vector<16xf32>,
      %min3A = arith.minimumf %get3A_107, %get3A_109 : vector<16xf32>
      %min3A_114 = arith.minimumf %get3A_111, %get3A_113 : vector<16xf32>
      %min3A_115 = arith.minimumf %min3A, %min3A_114 : vector<16xf32>
      %reduce_min3A = arith.constant true
      %reduce_min3A_116 = vector.broadcast %reduce_min3A : i1 to vector<16xi1>
      %reduce_min3A_117 = tpu.scan <min>, %min3A_115 masked %reduce_min3A_116 : vector<16xf32>, vector<16xi1> -> vector<16xf32>
      %reduce_min3A_118 = vector.extract %reduce_min3A_117[15] : f32 from vector<16xf32>
      %max3A = arith.maximumf %get3A_107, %get3A_109 : vector<16xf32>
      %max3A_119 = arith.maximumf %get3A_111, %get3A_113 : vector<16xf32>
      %max3A_120 = arith.maximumf %max3A, %max3A_119 : vector<16xf32>
      %reduce_max3A = arith.constant true
      %reduce_max3A_121 = vector.broadcast %reduce_max3A : i1 to vector<16xi1>
      %reduce_max3A_122 = tpu.scan <max>, %max3A_120 masked %reduce_max3A_121 : vector<16xf32>, vector<16xi1> -> vector<16xf32>
      %reduce_max3A_123 = vector.extract %reduce_max3A_122[15] : f32 from vector<16xf32>
      %sub3A_124 = arith.subf %reduce_max3A_123, %reduce_min3A_118 : f32
      %add3A_125 = arith.constant 9.99999993E-9 : f32
      %add3A_126 = arith.addf %sub3A_124, %add3A_125 : f32
      %sub3A_127 = arith.subf %reduce_max3A_123, %reduce_min3A_118 : f32
      %get3A_128 = arith.constant 0 : index
      %get3A_129 = tpu.vector_load %arg16[%get3A_128] {strides = array<i32>} : memref<64xf32, #tpu.memory_space<vmem>>, vector<16xf32>,
      %sub3A_130 = vector.broadcast %reduce_min3A_118 : f32 to vector<16xf32>
      %sub3A_131 = arith.subf %get3A_129, %sub3A_130 : vector<16xf32>
      %div3A = vector.broadcast %add3A_126 : f32 to vector<16xf32>
      %div3A_132 = arith.divf %sub3A_131, %div3A : vector<16xf32>
      %mul3A_133 = arith.constant 2.550000e+02 : f32
      %mul3A_134 = vector.broadcast %mul3A_133 : f32 to vector<16xf32>
      %mul3A_135 = arith.mulf %div3A_132, %mul3A_134 : vector<16xf32>
      %add3A_136 = arith.constant 5.000000e-01 : f32
      %add3A_137 = vector.broadcast %add3A_136 : f32 to vector<16xf32>
      %add3A_138 = arith.addf %mul3A_135, %add3A_137 : vector<16xf32>
      %convert_element_type3A = arith.fptosi %add3A_138 : vector<16xf32> to vector<16xi32>
      %mul3A_139 = arith.constant 64 : i32
      %mul3A_140 = arith.muli %scan3A_15, %mul3A_139 : i32
      %add3A_141 = arith.constant 0 : i32
      %add3A_142 = arith.addi %mul3A_140, %add3A_141 : i32
      %swap3A_143 = arith.index_cast %add3A_142 : i32 to index
      %swap3A_144 = tpu.vector_load %arg19[%swap3A_143] {strides = array<i32>} : memref<1024xi32, #tpu.memory_space<vmem>>, vector<16xi32>,
      tpu.vector_store %arg19[%swap3A_143], %convert_element_type3A {strides = array<i32>} : memref<1024xi32, #tpu.memory_space<vmem>>, vector<16xi32>,
      %convert_element_type3A_145 = arith.sitofp %convert_element_type3A : vector<16xi32> to vector<16xf32>
      %div3A_146 = arith.constant 2.550000e+02 : f32
      %div3A_147 = vector.broadcast %div3A_146 : f32 to vector<16xf32>
      %div3A_148 = arith.divf %convert_element_type3A_145, %div3A_147 : vector<16xf32>
      %mul3A_149 = vector.broadcast %sub3A_127 : f32 to vector<16xf32>
      %mul3A_150 = arith.mulf %div3A_148, %mul3A_149 : vector<16xf32>
      %add3A_151 = vector.broadcast %reduce_min3A_118 : f32 to vector<16xf32>
      %add3A_152 = arith.addf %add3A_151, %mul3A_150 : vector<16xf32>
      %swap3A_153 = arith.constant 0 : index
      %swap3A_154 = tpu.vector_load %arg17[%swap3A_153] {strides = array<i32>} : memref<64xf32, #tpu.memory_space<vmem>>, vector<16xf32>,
      tpu.vector_store %arg17[%swap3A_153], %add3A_152 {strides = array<i32>} : memref<64xf32, #tpu.memory_space<vmem>>, vector<16xf32>,
      %get3A_155 = arith.constant 16 : index
      %get3A_156 = tpu.vector_load %arg16[%get3A_155] {strides = array<i32>} : memref<64xf32, #tpu.memory_space<vmem>>, vector<16xf32>,
      %sub3A_157 = vector.broadcast %reduce_min3A_118 : f32 to vector<16xf32>
      %sub3A_158 = arith.subf %get3A_156, %sub3A_157 : vector<16xf32>
      %div3A_159 = vector.broadcast %add3A_126 : f32 to vector<16xf32>
      %div3A_160 = arith.divf %sub3A_158, %div3A_159 : vector<16xf32>
      %mul3A_161 = arith.constant 2.550000e+02 : f32
      %mul3A_162 = vector.broadcast %mul3A_161 : f32 to vector<16xf32>
      %mul3A_163 = arith.mulf %div3A_160, %mul3A_162 : vector<16xf32>
      %add3A_164 = arith.constant 5.000000e-01 : f32
      %add3A_165 = vector.broadcast %add3A_164 : f32 to vector<16xf32>
      %add3A_166 = arith.addf %mul3A_163, %add3A_165 : vector<16xf32>
      %convert_element_type3A_167 = arith.fptosi %add3A_166 : vector<16xf32> to vector<16xi32>
      %mul3A_168 = arith.constant 64 : i32
      %mul3A_169 = arith.muli %scan3A_15, %mul3A_168 : i32
      %add3A_170 = arith.constant 16 : i32
      %add3A_171 = arith.addi %mul3A_169, %add3A_170 : i32
      %swap3A_172 = arith.index_cast %add3A_171 : i32 to index
      %swap3A_173 = tpu.vector_load %arg19[%swap3A_172] {strides = array<i32>} : memref<1024xi32, #tpu.memory_space<vmem>>, vector<16xi32>,
      tpu.vector_store %arg19[%swap3A_172], %convert_element_type3A_167 {strides = array<i32>} : memref<1024xi32, #tpu.memory_space<vmem>>, vector<16xi32>,
      %convert_element_type3A_174 = arith.sitofp %convert_element_type3A_167 : vector<16xi32> to vector<16xf32>
      %div3A_175 = arith.constant 2.550000e+02 : f32
      %div3A_176 = vector.broadcast %div3A_175 : f32 to vector<16xf32>
      %div3A_177 = arith.divf %convert_element_type3A_174, %div3A_176 : vector<16xf32>
      %mul3A_178 = vector.broadcast %sub3A_127 : f32 to vector<16xf32>
      %mul3A_179 = arith.mulf %div3A_177, %mul3A_178 : vector<16xf32>
      %add3A_180 = vector.broadcast %reduce_min3A_118 : f32 to vector<16xf32>
      %add3A_181 = arith.addf %add3A_180, %mul3A_179 : vector<16xf32>
      %swap3A_182 = arith.constant 16 : index
      %swap3A_183 = tpu.vector_load %arg17[%swap3A_182] {strides = array<i32>} : memref<64xf32, #tpu.memory_space<vmem>>, vector<16xf32>,
      tpu.vector_store %arg17[%swap3A_182], %add3A_181 {strides = array<i32>} : memref<64xf32, #tpu.memory_space<vmem>>, vector<16xf32>,
      %get3A_184 = arith.constant 32 : index
      %get3A_185 = tpu.vector_load %arg16[%get3A_184] {strides = array<i32>} : memref<64xf32, #tpu.memory_space<vmem>>, vector<16xf32>,
      %sub3A_186 = vector.broadcast %reduce_min3A_118 : f32 to vector<16xf32>
      %sub3A_187 = arith.subf %get3A_185, %sub3A_186 : vector<16xf32>
      %div3A_188 = vector.broadcast %add3A_126 : f32 to vector<16xf32>
      %div3A_189 = arith.divf %sub3A_187, %div3A_188 : vector<16xf32>
      %mul3A_190 = arith.constant 2.550000e+02 : f32
      %mul3A_191 = vector.broadcast %mul3A_190 : f32 to vector<16xf32>
      %mul3A_192 = arith.mulf %div3A_189, %mul3A_191 : vector<16xf32>
      %add3A_193 = arith.constant 5.000000e-01 : f32
      %add3A_194 = vector.broadcast %add3A_193 : f32 to vector<16xf32>
      %add3A_195 = arith.addf %mul3A_192, %add3A_194 : vector<16xf32>
      %convert_element_type3A_196 = arith.fptosi %add3A_195 : vector<16xf32> to vector<16xi32>
      %mul3A_197 = arith.constant 64 : i32
      %mul3A_198 = arith.muli %scan3A_15, %mul3A_197 : i32
      %add3A_199 = arith.constant 32 : i32
      %add3A_200 = arith.addi %mul3A_198, %add3A_199 : i32
      %swap3A_201 = arith.index_cast %add3A_200 : i32 to index
      %swap3A_202 = tpu.vector_load %arg19[%swap3A_201] {strides = array<i32>} : memref<1024xi32, #tpu.memory_space<vmem>>, vector<16xi32>,
      tpu.vector_store %arg19[%swap3A_201], %convert_element_type3A_196 {strides = array<i32>} : memref<1024xi32, #tpu.memory_space<vmem>>, vector<16xi32>,
      %convert_element_type3A_203 = arith.sitofp %convert_element_type3A_196 : vector<16xi32> to vector<16xf32>
      %div3A_204 = arith.constant 2.550000e+02 : f32
      %div3A_205 = vector.broadcast %div3A_204 : f32 to vector<16xf32>
      %div3A_206 = arith.divf %convert_element_type3A_203, %div3A_205 : vector<16xf32>
      %mul3A_207 = vector.broadcast %sub3A_127 : f32 to vector<16xf32>
      %mul3A_208 = arith.mulf %div3A_206, %mul3A_207 : vector<16xf32>
      %add3A_209 = vector.broadcast %reduce_min3A_118 : f32 to vector<16xf32>
      %add3A_210 = arith.addf %add3A_209, %mul3A_208 : vector<16xf32>
      %swap3A_211 = arith.constant 32 : index
      %swap3A_212 = tpu.vector_load %arg17[%swap3A_211] {strides = array<i32>} : memref<64xf32, #tpu.memory_space<vmem>>, vector<16xf32>,
      tpu.vector_store %arg17[%swap3A_211], %add3A_210 {strides = array<i32>} : memref<64xf32, #tpu.memory_space<vmem>>, vector<16xf32>,
      %get3A_213 = arith.constant 48 : index
      %get3A_214 = tpu.vector_load %arg16[%get3A_213] {strides = array<i32>} : memref<64xf32, #tpu.memory_space<vmem>>, vector<16xf32>,
      %sub3A_215 = vector.broadcast %reduce_min3A_118 : f32 to vector<16xf32>
      %sub3A_216 = arith.subf %get3A_214, %sub3A_215 : vector<16xf32>
      %div3A_217 = vector.broadcast %add3A_126 : f32 to vector<16xf32>
      %div3A_218 = arith.divf %sub3A_216, %div3A_217 : vector<16xf32>
      %mul3A_219 = arith.constant 2.550000e+02 : f32
      %mul3A_220 = vector.broadcast %mul3A_219 : f32 to vector<16xf32>
      %mul3A_221 = arith.mulf %div3A_218, %mul3A_220 : vector<16xf32>
      %add3A_222 = arith.constant 5.000000e-01 : f32
      %add3A_223 = vector.broadcast %add3A_222 : f32 to vector<16xf32>
      %add3A_224 = arith.addf %mul3A_221, %add3A_223 : vector<16xf32>
      %convert_element_type3A_225 = arith.fptosi %add3A_224 : vector<16xf32> to vector<16xi32>
      %mul3A_226 = arith.constant 64 : i32
      %mul3A_227 = arith.muli %scan3A_15, %mul3A_226 : i32
      %add3A_228 = arith.constant 48 : i32
      %add3A_229 = arith.addi %mul3A_227, %add3A_228 : i32
      %swap3A_230 = arith.index_cast %add3A_229 : i32 to index
      %swap3A_231 = tpu.vector_load %arg19[%swap3A_230] {strides = array<i32>} : memref<1024xi32, #tpu.memory_space<vmem>>, vector<16xi32>,
      tpu.vector_store %arg19[%swap3A_230], %convert_element_type3A_225 {strides = array<i32>} : memref<1024xi32, #tpu.memory_space<vmem>>, vector<16xi32>,
      %convert_element_type3A_232 = arith.sitofp %convert_element_type3A_225 : vector<16xi32> to vector<16xf32>
      %div3A_233 = arith.constant 2.550000e+02 : f32
      %div3A_234 = vector.broadcast %div3A_233 : f32 to vector<16xf32>
      %div3A_235 = arith.divf %convert_element_type3A_232, %div3A_234 : vector<16xf32>
      %mul3A_236 = vector.broadcast %sub3A_127 : f32 to vector<16xf32>
      %mul3A_237 = arith.mulf %div3A_235, %mul3A_236 : vector<16xf32>
      %add3A_238 = vector.broadcast %reduce_min3A_118 : f32 to vector<16xf32>
      %add3A_239 = arith.addf %add3A_238, %mul3A_237 : vector<16xf32>
      %swap3A_240 = arith.constant 48 : index
      %swap3A_241 = tpu.vector_load %arg17[%swap3A_240] {strides = array<i32>} : memref<64xf32, #tpu.memory_space<vmem>>, vector<16xf32>,
      tpu.vector_store %arg17[%swap3A_240], %add3A_239 {strides = array<i32>} : memref<64xf32, #tpu.memory_space<vmem>>, vector<16xf32>,
      %eq3A = vector.broadcast %scan3A_15 : i32 to vector<16xi32>
      %eq3A_242 = arith.cmpi eq, %iota3A, %eq3A : vector<16xi32>
      %broadcast_in_dim3A_243 = vector.broadcast %reduce_min3A_118 : f32 to vector<16xf32>
      tpu.vector_store_idx %arg20[%iota3A], %broadcast_in_dim3A_243 masked %eq3A_242 : memref<16xf32, #tpu.memory_space<vmem>>[vector<16xi32>], vector<16xf32>, vector<16xi1>
      %broadcast_in_dim3A_244 = vector.broadcast %reduce_max3A_123 : f32 to vector<16xf32>
      tpu.vector_store_idx %arg21[%iota3A], %broadcast_in_dim3A_244 masked %eq3A_242 : memref<16xf32, #tpu.memory_space<vmem>>[vector<16xi32>], vector<16xf32>, vector<16xi1>
      %add3A_245 = arith.constant 0 : i32
      %add3A_246 = vector.broadcast %add3A_245 : i32 to vector<16xi32>
      %add3A_247 = arith.addi %mul3A_5, %add3A_246 : vector<16xi32>
      %mul3A_248 = arith.constant 64 : i32
      %mul3A_249 = arith.muli %scan3A_15, %mul3A_248 : i32
      %add3A_250 = arith.constant 0 : i32
      %add3A_251 = arith.addi %mul3A_249, %add3A_250 : i32
      %get3A_252 = arith.index_cast %add3A_251 : i32 to index
      %get3A_253 = tpu.vector_load %arg18[%get3A_252] {strides = array<i32>} : memref<1024xf32, #tpu.memory_space<vmem>>, vector<16xf32>,
      %get3A_254 = arith.constant 0 : index
      %get3A_255 = tpu.vector_load %arg16[%get3A_254] {strides = array<i32>} : memref<64xf32, #tpu.memory_space<vmem>>, vector<16xf32>,
      %get3A_256 = arith.constant 0 : index
      %get3A_257 = tpu.vector_load %arg17[%get3A_256] {strides = array<i32>} : memref<64xf32, #tpu.memory_space<vmem>>, vector<16xf32>,
      %add3A_258 = arith.constant 9.99999993E-9 : f32
      %add3A_259 = vector.broadcast %add3A_258 : f32 to vector<16xf32>
      %add3A_260 = arith.addf %get3A_255, %add3A_259 : vector<16xf32>
      %div3A_261 = arith.constant 2.000000e+00 : f32
      %div3A_262 = vector.broadcast %div3A_261 : f32 to vector<16xf32>
      %div3A_263 = arith.divf %div3A_262, %add3A_260 : vector<16xf32>
      %neg3A_264 = arith.constant 0.000000e+00 : f32
      %neg3A_265 = vector.broadcast %neg3A_264 : f32 to vector<16xf32>
      %neg3A_266 = arith.subf %neg3A_265, %get3A_253 : vector<16xf32>
      %mul3A_267 = arith.mulf %neg3A_266, %div3A_263 : vector<16xf32>
      %sub3A_268 = arith.constant 1.000000e+00 : f32
      %sub3A_269 = vector.broadcast %sub3A_268 : f32 to vector<16xf32>
      %sub3A_270 = arith.subf %mul3A_267, %sub3A_269 : vector<16xf32>
      %parallel_loop3A = arith.constant 0 : i32
      %parallel_loop3A_271 = arith.constant 64 : i32
      %parallel_loop3A_272 = arith.constant 1 : i32
      scf.for %parallel_loop3A_360 = %parallel_loop3A to %parallel_loop3A_271 step %parallel_loop3A_272  : i32 {
        %parallel_loop3A_361 = vector.broadcast %parallel_loop3A_360 : i32 to vector<16xi32>
        %parallel_loop3A_362 = arith.addi %iota3A, %parallel_loop3A_361 : vector<16xi32>
        %parallel_loop3A_363 = arith.constant 63 : i32
        %parallel_loop3A_364 = vector.broadcast %parallel_loop3A_363 : i32 to vector<16xi32>
        %parallel_loop3A_365 = arith.andi %parallel_loop3A_362, %parallel_loop3A_364 : vector<16xi32>
        %parallel_loop3A_366 = arith.addi %add3A_247, %parallel_loop3A_365 : vector<16xi32>
        %parallel_loop3A_367 = tpu.vector_load_idx %arg11[%parallel_loop3A_366] : memref<4096xf32, #tpu.memory_space<vmem>>[vector<16xi32>], vector<16xf32>,
        %parallel_loop3A_368 = arith.mulf %parallel_loop3A_367, %div3A_263 : vector<16xf32>
        %parallel_loop3A_369 = arith.addf %parallel_loop3A_368, %sub3A_270 : vector<16xf32>
        %parallel_loop3A_370 = arith.constant 0.000000e+00 : f32
        %parallel_loop3A_371 = vector.broadcast %parallel_loop3A_370 : f32 to vector<16xf32>
        %parallel_loop3A_372 = arith.cmpf ogt, %parallel_loop3A_369, %parallel_loop3A_371 : vector<16xf32>
        %parallel_loop3A_373 = arith.constant 0.363861859 : f32
        %parallel_loop3A_374 = arith.constant -0.363861859 : f32
        %parallel_loop3A_375 = vector.broadcast %parallel_loop3A_373 : f32 to vector<16xf32>
        %parallel_loop3A_376 = vector.broadcast %parallel_loop3A_374 : f32 to vector<16xf32>
        %parallel_loop3A_377 = arith.select %parallel_loop3A_372, %parallel_loop3A_375, %parallel_loop3A_376 : vector<16xi1>, vector<16xf32>
        %parallel_loop3A_378 = arith.cmpf ogt, %parallel_loop3A_369, %parallel_loop3A_377 : vector<16xf32>
        %parallel_loop3A_379 = arith.constant 6.248890e-01 : f32
        %parallel_loop3A_380 = arith.constant 0.171643674 : f32
        %parallel_loop3A_381 = vector.broadcast %parallel_loop3A_379 : f32 to vector<16xf32>
        %parallel_loop3A_382 = vector.broadcast %parallel_loop3A_380 : f32 to vector<16xf32>
        %parallel_loop3A_383 = arith.select %parallel_loop3A_378, %parallel_loop3A_381, %parallel_loop3A_382 : vector<16xi1>, vector<16xf32>
        %parallel_loop3A_384 = arith.constant -0.171643674 : f32
        %parallel_loop3A_385 = arith.constant -6.248890e-01 : f32
        %parallel_loop3A_386 = vector.broadcast %parallel_loop3A_384 : f32 to vector<16xf32>
        %parallel_loop3A_387 = vector.broadcast %parallel_loop3A_385 : f32 to vector<16xf32>
        %parallel_loop3A_388 = arith.select %parallel_loop3A_378, %parallel_loop3A_386, %parallel_loop3A_387 : vector<16xi1>, vector<16xf32>
        %parallel_loop3A_389 = arith.select %parallel_loop3A_372, %parallel_loop3A_383, %parallel_loop3A_388 : vector<16xi1>, vector<16xf32>
        %parallel_loop3A_390 = arith.cmpf ogt, %parallel_loop3A_369, %parallel_loop3A_389 : vector<16xf32>
        %parallel_loop3A_391 = arith.constant -4.795140e-01 : f32
        %parallel_loop3A_392 = arith.constant -0.853784441 : f32
        %parallel_loop3A_393 = vector.broadcast %parallel_loop3A_391 : f32 to vector<16xf32>
        %parallel_loop3A_394 = vector.broadcast %parallel_loop3A_392 : f32 to vector<16xf32>
        %parallel_loop3A_395 = arith.select %parallel_loop3A_390, %parallel_loop3A_393, %parallel_loop3A_394 : vector<16xi1>, vector<16xf32>
        %parallel_loop3A_396 = arith.constant -0.0847181975 : f32
        %parallel_loop3A_397 = arith.constant -0.263425589 : f32
        %parallel_loop3A_398 = vector.broadcast %parallel_loop3A_396 : f32 to vector<16xf32>
        %parallel_loop3A_399 = vector.broadcast %parallel_loop3A_397 : f32 to vector<16xf32>
        %parallel_loop3A_400 = arith.select %parallel_loop3A_390, %parallel_loop3A_398, %parallel_loop3A_399 : vector<16xi1>, vector<16xf32>
        %parallel_loop3A_401 = arith.constant 0.263425589 : f32
        %parallel_loop3A_402 = arith.constant 0.0847181975 : f32
        %parallel_loop3A_403 = vector.broadcast %parallel_loop3A_401 : f32 to vector<16xf32>
        %parallel_loop3A_404 = vector.broadcast %parallel_loop3A_402 : f32 to vector<16xf32>
        %parallel_loop3A_405 = arith.select %parallel_loop3A_390, %parallel_loop3A_403, %parallel_loop3A_404 : vector<16xi1>, vector<16xf32>
        %parallel_loop3A_406 = arith.constant 0.853784441 : f32
        %parallel_loop3A_407 = arith.constant 4.795140e-01 : f32
        %parallel_loop3A_408 = vector.broadcast %parallel_loop3A_406 : f32 to vector<16xf32>
        %parallel_loop3A_409 = vector.broadcast %parallel_loop3A_407 : f32 to vector<16xf32>
        %parallel_loop3A_410 = arith.select %parallel_loop3A_390, %parallel_loop3A_408, %parallel_loop3A_409 : vector<16xi1>, vector<16xf32>
        %parallel_loop3A_411 = arith.select %parallel_loop3A_378, %parallel_loop3A_410, %parallel_loop3A_405 : vector<16xi1>, vector<16xf32>
        %parallel_loop3A_412 = arith.select %parallel_loop3A_378, %parallel_loop3A_400, %parallel_loop3A_395 : vector<16xi1>, vector<16xf32>
        %parallel_loop3A_413 = arith.select %parallel_loop3A_372, %parallel_loop3A_411, %parallel_loop3A_412 : vector<16xi1>, vector<16xf32>
        %parallel_loop3A_414 = arith.cmpf ogt, %parallel_loop3A_369, %parallel_loop3A_413 : vector<16xf32>
        %parallel_loop3A_415 = arith.constant 8 : i32
        %parallel_loop3A_416 = arith.constant 0 : i32
        %parallel_loop3A_417 = vector.broadcast %parallel_loop3A_415 : i32 to vector<16xi32>
        %parallel_loop3A_418 = vector.broadcast %parallel_loop3A_416 : i32 to vector<16xi32>
        %parallel_loop3A_419 = arith.select %parallel_loop3A_372, %parallel_loop3A_417, %parallel_loop3A_418 : vector<16xi1>, vector<16xi32>
        %parallel_loop3A_420 = arith.constant 4 : i32
        %parallel_loop3A_421 = arith.constant 0 : i32
        %parallel_loop3A_422 = vector.broadcast %parallel_loop3A_420 : i32 to vector<16xi32>
        %parallel_loop3A_423 = vector.broadcast %parallel_loop3A_421 : i32 to vector<16xi32>
        %parallel_loop3A_424 = arith.select %parallel_loop3A_378, %parallel_loop3A_422, %parallel_loop3A_423 : vector<16xi1>, vector<16xi32>
        %parallel_loop3A_425 = arith.addi %parallel_loop3A_419, %parallel_loop3A_424 : vector<16xi32>
        %parallel_loop3A_426 = arith.constant 2 : i32
        %parallel_loop3A_427 = arith.constant 0 : i32
        %parallel_loop3A_428 = vector.broadcast %parallel_loop3A_426 : i32 to vector<16xi32>
        %parallel_loop3A_429 = vector.broadcast %parallel_loop3A_427 : i32 to vector<16xi32>
        %parallel_loop3A_430 = arith.select %parallel_loop3A_390, %parallel_loop3A_428, %parallel_loop3A_429 : vector<16xi1>, vector<16xi32>
        %parallel_loop3A_431 = arith.addi %parallel_loop3A_425, %parallel_loop3A_430 : vector<16xi32>
        %parallel_loop3A_432 = arith.constant 1 : i32
        %parallel_loop3A_433 = arith.constant 0 : i32
        %parallel_loop3A_434 = vector.broadcast %parallel_loop3A_432 : i32 to vector<16xi32>
        %parallel_loop3A_435 = vector.broadcast %parallel_loop3A_433 : i32 to vector<16xi32>
        %parallel_loop3A_436 = arith.select %parallel_loop3A_414, %parallel_loop3A_434, %parallel_loop3A_435 : vector<16xi1>, vector<16xi32>
        %parallel_loop3A_437 = arith.addi %parallel_loop3A_431, %parallel_loop3A_436 : vector<16xi32>
        %parallel_loop3A_438 = tpu.vector_load_idx %arg15[%parallel_loop3A_437] : memref<16xf32, #tpu.memory_space<vmem>>[vector<16xi32>], vector<16xf32>,
        %parallel_loop3A_439 = arith.mulf %parallel_loop3A_438, %get3A_257 : vector<16xf32>
        %parallel_loop3A_440 = arith.addf %parallel_loop3A_439, %get3A_253 : vector<16xf32>
        tpu.vector_store_idx %arg12[%parallel_loop3A_366], %parallel_loop3A_440 : memref<4096xf32, #tpu.memory_space<vmem>>[vector<16xi32>], vector<16xf32>,
        tpu.vector_store_idx %arg13[%parallel_loop3A_366], %parallel_loop3A_437 : memref<4096xi32, #tpu.memory_space<vmem>>[vector<16xi32>], vector<16xi32>,
      } {sc.loop_unroll_factor = 8 : i64, sc.parallel_access}
      %add3A_273 = arith.constant 1024 : i32
      %add3A_274 = vector.broadcast %add3A_273 : i32 to vector<16xi32>
      %add3A_275 = arith.addi %mul3A_5, %add3A_274 : vector<16xi32>
      %mul3A_276 = arith.constant 64 : i32
      %mul3A_277 = arith.muli %scan3A_15, %mul3A_276 : i32
      %add3A_278 = arith.constant 16 : i32
      %add3A_279 = arith.addi %mul3A_277, %add3A_278 : i32
      %get3A_280 = arith.index_cast %add3A_279 : i32 to index
      %get3A_281 = tpu.vector_load %arg18[%get3A_280] {strides = array<i32>} : memref<1024xf32, #tpu.memory_space<vmem>>, vector<16xf32>,
      %get3A_282 = arith.constant 16 : index
      %get3A_283 = tpu.vector_load %arg16[%get3A_282] {strides = array<i32>} : memref<64xf32, #tpu.memory_space<vmem>>, vector<16xf32>,
      %get3A_284 = arith.constant 16 : index
      %get3A_285 = tpu.vector_load %arg17[%get3A_284] {strides = array<i32>} : memref<64xf32, #tpu.memory_space<vmem>>, vector<16xf32>,
      %add3A_286 = arith.constant 9.99999993E-9 : f32
      %add3A_287 = vector.broadcast %add3A_286 : f32 to vector<16xf32>
      %add3A_288 = arith.addf %get3A_283, %add3A_287 : vector<16xf32>
      %div3A_289 = arith.constant 2.000000e+00 : f32
      %div3A_290 = vector.broadcast %div3A_289 : f32 to vector<16xf32>
      %div3A_291 = arith.divf %div3A_290, %add3A_288 : vector<16xf32>
      %neg3A_292 = arith.constant 0.000000e+00 : f32
      %neg3A_293 = vector.broadcast %neg3A_292 : f32 to vector<16xf32>
      %neg3A_294 = arith.subf %neg3A_293, %get3A_281 : vector<16xf32>
      %mul3A_295 = arith.mulf %neg3A_294, %div3A_291 : vector<16xf32>
      %sub3A_296 = arith.constant 1.000000e+00 : f32
      %sub3A_297 = vector.broadcast %sub3A_296 : f32 to vector<16xf32>
      %sub3A_298 = arith.subf %mul3A_295, %sub3A_297 : vector<16xf32>
      %parallel_loop3A_299 = arith.constant 0 : i32
      %parallel_loop3A_300 = arith.constant 64 : i32
      %parallel_loop3A_301 = arith.constant 1 : i32
      scf.for %parallel_loop3A_360 = %parallel_loop3A_299 to %parallel_loop3A_300 step %parallel_loop3A_301  : i32 {
        %parallel_loop3A_361 = vector.broadcast %parallel_loop3A_360 : i32 to vector<16xi32>
        %parallel_loop3A_362 = arith.addi %iota3A, %parallel_loop3A_361 : vector<16xi32>
        %parallel_loop3A_363 = arith.constant 63 : i32
        %parallel_loop3A_364 = vector.broadcast %parallel_loop3A_363 : i32 to vector<16xi32>
        %parallel_loop3A_365 = arith.andi %parallel_loop3A_362, %parallel_loop3A_364 : vector<16xi32>
        %parallel_loop3A_366 = arith.addi %add3A_275, %parallel_loop3A_365 : vector<16xi32>
        %parallel_loop3A_367 = tpu.vector_load_idx %arg11[%parallel_loop3A_366] : memref<4096xf32, #tpu.memory_space<vmem>>[vector<16xi32>], vector<16xf32>,
        %parallel_loop3A_368 = arith.mulf %parallel_loop3A_367, %div3A_291 : vector<16xf32>
        %parallel_loop3A_369 = arith.addf %parallel_loop3A_368, %sub3A_298 : vector<16xf32>
        %parallel_loop3A_370 = arith.constant 0.000000e+00 : f32
        %parallel_loop3A_371 = vector.broadcast %parallel_loop3A_370 : f32 to vector<16xf32>
        %parallel_loop3A_372 = arith.cmpf ogt, %parallel_loop3A_369, %parallel_loop3A_371 : vector<16xf32>
        %parallel_loop3A_373 = arith.constant 0.363861859 : f32
        %parallel_loop3A_374 = arith.constant -0.363861859 : f32
        %parallel_loop3A_375 = vector.broadcast %parallel_loop3A_373 : f32 to vector<16xf32>
        %parallel_loop3A_376 = vector.broadcast %parallel_loop3A_374 : f32 to vector<16xf32>
        %parallel_loop3A_377 = arith.select %parallel_loop3A_372, %parallel_loop3A_375, %parallel_loop3A_376 : vector<16xi1>, vector<16xf32>
        %parallel_loop3A_378 = arith.cmpf ogt, %parallel_loop3A_369, %parallel_loop3A_377 : vector<16xf32>
        %parallel_loop3A_379 = arith.constant 6.248890e-01 : f32
        %parallel_loop3A_380 = arith.constant 0.171643674 : f32
        %parallel_loop3A_381 = vector.broadcast %parallel_loop3A_379 : f32 to vector<16xf32>
        %parallel_loop3A_382 = vector.broadcast %parallel_loop3A_380 : f32 to vector<16xf32>
        %parallel_loop3A_383 = arith.select %parallel_loop3A_378, %parallel_loop3A_381, %parallel_loop3A_382 : vector<16xi1>, vector<16xf32>
        %parallel_loop3A_384 = arith.constant -0.171643674 : f32
        %parallel_loop3A_385 = arith.constant -6.248890e-01 : f32
        %parallel_loop3A_386 = vector.broadcast %parallel_loop3A_384 : f32 to vector<16xf32>
        %parallel_loop3A_387 = vector.broadcast %parallel_loop3A_385 : f32 to vector<16xf32>
        %parallel_loop3A_388 = arith.select %parallel_loop3A_378, %parallel_loop3A_386, %parallel_loop3A_387 : vector<16xi1>, vector<16xf32>
        %parallel_loop3A_389 = arith.select %parallel_loop3A_372, %parallel_loop3A_383, %parallel_loop3A_388 : vector<16xi1>, vector<16xf32>
        %parallel_loop3A_390 = arith.cmpf ogt, %parallel_loop3A_369, %parallel_loop3A_389 : vector<16xf32>
        %parallel_loop3A_391 = arith.constant -4.795140e-01 : f32
        %parallel_loop3A_392 = arith.constant -0.853784441 : f32
        %parallel_loop3A_393 = vector.broadcast %parallel_loop3A_391 : f32 to vector<16xf32>
        %parallel_loop3A_394 = vector.broadcast %parallel_loop3A_392 : f32 to vector<16xf32>
        %parallel_loop3A_395 = arith.select %parallel_loop3A_390, %parallel_loop3A_393, %parallel_loop3A_394 : vector<16xi1>, vector<16xf32>
        %parallel_loop3A_396 = arith.constant -0.0847181975 : f32
        %parallel_loop3A_397 = arith.constant -0.263425589 : f32
        %parallel_loop3A_398 = vector.broadcast %parallel_loop3A_396 : f32 to vector<16xf32>
        %parallel_loop3A_399 = vector.broadcast %parallel_loop3A_397 : f32 to vector<16xf32>
        %parallel_loop3A_400 = arith.select %parallel_loop3A_390, %parallel_loop3A_398, %parallel_loop3A_399 : vector<16xi1>, vector<16xf32>
        %parallel_loop3A_401 = arith.constant 0.263425589 : f32
        %parallel_loop3A_402 = arith.constant 0.0847181975 : f32
        %parallel_loop3A_403 = vector.broadcast %parallel_loop3A_401 : f32 to vector<16xf32>
        %parallel_loop3A_404 = vector.broadcast %parallel_loop3A_402 : f32 to vector<16xf32>
        %parallel_loop3A_405 = arith.select %parallel_loop3A_390, %parallel_loop3A_403, %parallel_loop3A_404 : vector<16xi1>, vector<16xf32>
        %parallel_loop3A_406 = arith.constant 0.853784441 : f32
        %parallel_loop3A_407 = arith.constant 4.795140e-01 : f32
        %parallel_loop3A_408 = vector.broadcast %parallel_loop3A_406 : f32 to vector<16xf32>
        %parallel_loop3A_409 = vector.broadcast %parallel_loop3A_407 : f32 to vector<16xf32>
        %parallel_loop3A_410 = arith.select %parallel_loop3A_390, %parallel_loop3A_408, %parallel_loop3A_409 : vector<16xi1>, vector<16xf32>
        %parallel_loop3A_411 = arith.select %parallel_loop3A_378, %parallel_loop3A_410, %parallel_loop3A_405 : vector<16xi1>, vector<16xf32>
        %parallel_loop3A_412 = arith.select %parallel_loop3A_378, %parallel_loop3A_400, %parallel_loop3A_395 : vector<16xi1>, vector<16xf32>
        %parallel_loop3A_413 = arith.select %parallel_loop3A_372, %parallel_loop3A_411, %parallel_loop3A_412 : vector<16xi1>, vector<16xf32>
        %parallel_loop3A_414 = arith.cmpf ogt, %parallel_loop3A_369, %parallel_loop3A_413 : vector<16xf32>
        %parallel_loop3A_415 = arith.constant 8 : i32
        %parallel_loop3A_416 = arith.constant 0 : i32
        %parallel_loop3A_417 = vector.broadcast %parallel_loop3A_415 : i32 to vector<16xi32>
        %parallel_loop3A_418 = vector.broadcast %parallel_loop3A_416 : i32 to vector<16xi32>
        %parallel_loop3A_419 = arith.select %parallel_loop3A_372, %parallel_loop3A_417, %parallel_loop3A_418 : vector<16xi1>, vector<16xi32>
        %parallel_loop3A_420 = arith.constant 4 : i32
        %parallel_loop3A_421 = arith.constant 0 : i32
        %parallel_loop3A_422 = vector.broadcast %parallel_loop3A_420 : i32 to vector<16xi32>
        %parallel_loop3A_423 = vector.broadcast %parallel_loop3A_421 : i32 to vector<16xi32>
        %parallel_loop3A_424 = arith.select %parallel_loop3A_378, %parallel_loop3A_422, %parallel_loop3A_423 : vector<16xi1>, vector<16xi32>
        %parallel_loop3A_425 = arith.addi %parallel_loop3A_419, %parallel_loop3A_424 : vector<16xi32>
        %parallel_loop3A_426 = arith.constant 2 : i32
        %parallel_loop3A_427 = arith.constant 0 : i32
        %parallel_loop3A_428 = vector.broadcast %parallel_loop3A_426 : i32 to vector<16xi32>
        %parallel_loop3A_429 = vector.broadcast %parallel_loop3A_427 : i32 to vector<16xi32>
        %parallel_loop3A_430 = arith.select %parallel_loop3A_390, %parallel_loop3A_428, %parallel_loop3A_429 : vector<16xi1>, vector<16xi32>
        %parallel_loop3A_431 = arith.addi %parallel_loop3A_425, %parallel_loop3A_430 : vector<16xi32>
        %parallel_loop3A_432 = arith.constant 1 : i32
        %parallel_loop3A_433 = arith.constant 0 : i32
        %parallel_loop3A_434 = vector.broadcast %parallel_loop3A_432 : i32 to vector<16xi32>
        %parallel_loop3A_435 = vector.broadcast %parallel_loop3A_433 : i32 to vector<16xi32>
        %parallel_loop3A_436 = arith.select %parallel_loop3A_414, %parallel_loop3A_434, %parallel_loop3A_435 : vector<16xi1>, vector<16xi32>
        %parallel_loop3A_437 = arith.addi %parallel_loop3A_431, %parallel_loop3A_436 : vector<16xi32>
        %parallel_loop3A_438 = tpu.vector_load_idx %arg15[%parallel_loop3A_437] : memref<16xf32, #tpu.memory_space<vmem>>[vector<16xi32>], vector<16xf32>,
        %parallel_loop3A_439 = arith.mulf %parallel_loop3A_438, %get3A_285 : vector<16xf32>
        %parallel_loop3A_440 = arith.addf %parallel_loop3A_439, %get3A_281 : vector<16xf32>
        tpu.vector_store_idx %arg12[%parallel_loop3A_366], %parallel_loop3A_440 : memref<4096xf32, #tpu.memory_space<vmem>>[vector<16xi32>], vector<16xf32>,
        tpu.vector_store_idx %arg13[%parallel_loop3A_366], %parallel_loop3A_437 : memref<4096xi32, #tpu.memory_space<vmem>>[vector<16xi32>], vector<16xi32>,
      } {sc.loop_unroll_factor = 8 : i64, sc.parallel_access}
      %add3A_302 = arith.constant 2048 : i32
      %add3A_303 = vector.broadcast %add3A_302 : i32 to vector<16xi32>
      %add3A_304 = arith.addi %mul3A_5, %add3A_303 : vector<16xi32>
      %mul3A_305 = arith.constant 64 : i32
      %mul3A_306 = arith.muli %scan3A_15, %mul3A_305 : i32
      %add3A_307 = arith.constant 32 : i32
      %add3A_308 = arith.addi %mul3A_306, %add3A_307 : i32
      %get3A_309 = arith.index_cast %add3A_308 : i32 to index
      %get3A_310 = tpu.vector_load %arg18[%get3A_309] {strides = array<i32>} : memref<1024xf32, #tpu.memory_space<vmem>>, vector<16xf32>,
      %get3A_311 = arith.constant 32 : index
      %get3A_312 = tpu.vector_load %arg16[%get3A_311] {strides = array<i32>} : memref<64xf32, #tpu.memory_space<vmem>>, vector<16xf32>,
      %get3A_313 = arith.constant 32 : index
      %get3A_314 = tpu.vector_load %arg17[%get3A_313] {strides = array<i32>} : memref<64xf32, #tpu.memory_space<vmem>>, vector<16xf32>,
      %add3A_315 = arith.constant 9.99999993E-9 : f32
      %add3A_316 = vector.broadcast %add3A_315 : f32 to vector<16xf32>
      %add3A_317 = arith.addf %get3A_312, %add3A_316 : vector<16xf32>
      %div3A_318 = arith.constant 2.000000e+00 : f32
      %div3A_319 = vector.broadcast %div3A_318 : f32 to vector<16xf32>
      %div3A_320 = arith.divf %div3A_319, %add3A_317 : vector<16xf32>
      %neg3A_321 = arith.constant 0.000000e+00 : f32
      %neg3A_322 = vector.broadcast %neg3A_321 : f32 to vector<16xf32>
      %neg3A_323 = arith.subf %neg3A_322, %get3A_310 : vector<16xf32>
      %mul3A_324 = arith.mulf %neg3A_323, %div3A_320 : vector<16xf32>
      %sub3A_325 = arith.constant 1.000000e+00 : f32
      %sub3A_326 = vector.broadcast %sub3A_325 : f32 to vector<16xf32>
      %sub3A_327 = arith.subf %mul3A_324, %sub3A_326 : vector<16xf32>
      %parallel_loop3A_328 = arith.constant 0 : i32
      %parallel_loop3A_329 = arith.constant 64 : i32
      %parallel_loop3A_330 = arith.constant 1 : i32
      scf.for %parallel_loop3A_360 = %parallel_loop3A_328 to %parallel_loop3A_329 step %parallel_loop3A_330  : i32 {
        %parallel_loop3A_361 = vector.broadcast %parallel_loop3A_360 : i32 to vector<16xi32>
        %parallel_loop3A_362 = arith.addi %iota3A, %parallel_loop3A_361 : vector<16xi32>
        %parallel_loop3A_363 = arith.constant 63 : i32
        %parallel_loop3A_364 = vector.broadcast %parallel_loop3A_363 : i32 to vector<16xi32>
        %parallel_loop3A_365 = arith.andi %parallel_loop3A_362, %parallel_loop3A_364 : vector<16xi32>
        %parallel_loop3A_366 = arith.addi %add3A_304, %parallel_loop3A_365 : vector<16xi32>
        %parallel_loop3A_367 = tpu.vector_load_idx %arg11[%parallel_loop3A_366] : memref<4096xf32, #tpu.memory_space<vmem>>[vector<16xi32>], vector<16xf32>,
        %parallel_loop3A_368 = arith.mulf %parallel_loop3A_367, %div3A_320 : vector<16xf32>
        %parallel_loop3A_369 = arith.addf %parallel_loop3A_368, %sub3A_327 : vector<16xf32>
        %parallel_loop3A_370 = arith.constant 0.000000e+00 : f32
        %parallel_loop3A_371 = vector.broadcast %parallel_loop3A_370 : f32 to vector<16xf32>
        %parallel_loop3A_372 = arith.cmpf ogt, %parallel_loop3A_369, %parallel_loop3A_371 : vector<16xf32>
        %parallel_loop3A_373 = arith.constant 0.363861859 : f32
        %parallel_loop3A_374 = arith.constant -0.363861859 : f32
        %parallel_loop3A_375 = vector.broadcast %parallel_loop3A_373 : f32 to vector<16xf32>
        %parallel_loop3A_376 = vector.broadcast %parallel_loop3A_374 : f32 to vector<16xf32>
        %parallel_loop3A_377 = arith.select %parallel_loop3A_372, %parallel_loop3A_375, %parallel_loop3A_376 : vector<16xi1>, vector<16xf32>
        %parallel_loop3A_378 = arith.cmpf ogt, %parallel_loop3A_369, %parallel_loop3A_377 : vector<16xf32>
        %parallel_loop3A_379 = arith.constant 6.248890e-01 : f32
        %parallel_loop3A_380 = arith.constant 0.171643674 : f32
        %parallel_loop3A_381 = vector.broadcast %parallel_loop3A_379 : f32 to vector<16xf32>
        %parallel_loop3A_382 = vector.broadcast %parallel_loop3A_380 : f32 to vector<16xf32>
        %parallel_loop3A_383 = arith.select %parallel_loop3A_378, %parallel_loop3A_381, %parallel_loop3A_382 : vector<16xi1>, vector<16xf32>
        %parallel_loop3A_384 = arith.constant -0.171643674 : f32
        %parallel_loop3A_385 = arith.constant -6.248890e-01 : f32
        %parallel_loop3A_386 = vector.broadcast %parallel_loop3A_384 : f32 to vector<16xf32>
        %parallel_loop3A_387 = vector.broadcast %parallel_loop3A_385 : f32 to vector<16xf32>
        %parallel_loop3A_388 = arith.select %parallel_loop3A_378, %parallel_loop3A_386, %parallel_loop3A_387 : vector<16xi1>, vector<16xf32>
        %parallel_loop3A_389 = arith.select %parallel_loop3A_372, %parallel_loop3A_383, %parallel_loop3A_388 : vector<16xi1>, vector<16xf32>
        %parallel_loop3A_390 = arith.cmpf ogt, %parallel_loop3A_369, %parallel_loop3A_389 : vector<16xf32>
        %parallel_loop3A_391 = arith.constant -4.795140e-01 : f32
        %parallel_loop3A_392 = arith.constant -0.853784441 : f32
        %parallel_loop3A_393 = vector.broadcast %parallel_loop3A_391 : f32 to vector<16xf32>
        %parallel_loop3A_394 = vector.broadcast %parallel_loop3A_392 : f32 to vector<16xf32>
        %parallel_loop3A_395 = arith.select %parallel_loop3A_390, %parallel_loop3A_393, %parallel_loop3A_394 : vector<16xi1>, vector<16xf32>
        %parallel_loop3A_396 = arith.constant -0.0847181975 : f32
        %parallel_loop3A_397 = arith.constant -0.263425589 : f32
        %parallel_loop3A_398 = vector.broadcast %parallel_loop3A_396 : f32 to vector<16xf32>
        %parallel_loop3A_399 = vector.broadcast %parallel_loop3A_397 : f32 to vector<16xf32>
        %parallel_loop3A_400 = arith.select %parallel_loop3A_390, %parallel_loop3A_398, %parallel_loop3A_399 : vector<16xi1>, vector<16xf32>
        %parallel_loop3A_401 = arith.constant 0.263425589 : f32
        %parallel_loop3A_402 = arith.constant 0.0847181975 : f32
        %parallel_loop3A_403 = vector.broadcast %parallel_loop3A_401 : f32 to vector<16xf32>
        %parallel_loop3A_404 = vector.broadcast %parallel_loop3A_402 : f32 to vector<16xf32>
        %parallel_loop3A_405 = arith.select %parallel_loop3A_390, %parallel_loop3A_403, %parallel_loop3A_404 : vector<16xi1>, vector<16xf32>
        %parallel_loop3A_406 = arith.constant 0.853784441 : f32
        %parallel_loop3A_407 = arith.constant 4.795140e-01 : f32
        %parallel_loop3A_408 = vector.broadcast %parallel_loop3A_406 : f32 to vector<16xf32>
        %parallel_loop3A_409 = vector.broadcast %parallel_loop3A_407 : f32 to vector<16xf32>
        %parallel_loop3A_410 = arith.select %parallel_loop3A_390, %parallel_loop3A_408, %parallel_loop3A_409 : vector<16xi1>, vector<16xf32>
        %parallel_loop3A_411 = arith.select %parallel_loop3A_378, %parallel_loop3A_410, %parallel_loop3A_405 : vector<16xi1>, vector<16xf32>
        %parallel_loop3A_412 = arith.select %parallel_loop3A_378, %parallel_loop3A_400, %parallel_loop3A_395 : vector<16xi1>, vector<16xf32>
        %parallel_loop3A_413 = arith.select %parallel_loop3A_372, %parallel_loop3A_411, %parallel_loop3A_412 : vector<16xi1>, vector<16xf32>
        %parallel_loop3A_414 = arith.cmpf ogt, %parallel_loop3A_369, %parallel_loop3A_413 : vector<16xf32>
        %parallel_loop3A_415 = arith.constant 8 : i32
        %parallel_loop3A_416 = arith.constant 0 : i32
        %parallel_loop3A_417 = vector.broadcast %parallel_loop3A_415 : i32 to vector<16xi32>
        %parallel_loop3A_418 = vector.broadcast %parallel_loop3A_416 : i32 to vector<16xi32>
        %parallel_loop3A_419 = arith.select %parallel_loop3A_372, %parallel_loop3A_417, %parallel_loop3A_418 : vector<16xi1>, vector<16xi32>
        %parallel_loop3A_420 = arith.constant 4 : i32
        %parallel_loop3A_421 = arith.constant 0 : i32
        %parallel_loop3A_422 = vector.broadcast %parallel_loop3A_420 : i32 to vector<16xi32>
        %parallel_loop3A_423 = vector.broadcast %parallel_loop3A_421 : i32 to vector<16xi32>
        %parallel_loop3A_424 = arith.select %parallel_loop3A_378, %parallel_loop3A_422, %parallel_loop3A_423 : vector<16xi1>, vector<16xi32>
        %parallel_loop3A_425 = arith.addi %parallel_loop3A_419, %parallel_loop3A_424 : vector<16xi32>
        %parallel_loop3A_426 = arith.constant 2 : i32
        %parallel_loop3A_427 = arith.constant 0 : i32
        %parallel_loop3A_428 = vector.broadcast %parallel_loop3A_426 : i32 to vector<16xi32>
        %parallel_loop3A_429 = vector.broadcast %parallel_loop3A_427 : i32 to vector<16xi32>
        %parallel_loop3A_430 = arith.select %parallel_loop3A_390, %parallel_loop3A_428, %parallel_loop3A_429 : vector<16xi1>, vector<16xi32>
        %parallel_loop3A_431 = arith.addi %parallel_loop3A_425, %parallel_loop3A_430 : vector<16xi32>
        %parallel_loop3A_432 = arith.constant 1 : i32
        %parallel_loop3A_433 = arith.constant 0 : i32
        %parallel_loop3A_434 = vector.broadcast %parallel_loop3A_432 : i32 to vector<16xi32>
        %parallel_loop3A_435 = vector.broadcast %parallel_loop3A_433 : i32 to vector<16xi32>
        %parallel_loop3A_436 = arith.select %parallel_loop3A_414, %parallel_loop3A_434, %parallel_loop3A_435 : vector<16xi1>, vector<16xi32>
        %parallel_loop3A_437 = arith.addi %parallel_loop3A_431, %parallel_loop3A_436 : vector<16xi32>
        %parallel_loop3A_438 = tpu.vector_load_idx %arg15[%parallel_loop3A_437] : memref<16xf32, #tpu.memory_space<vmem>>[vector<16xi32>], vector<16xf32>,
        %parallel_loop3A_439 = arith.mulf %parallel_loop3A_438, %get3A_314 : vector<16xf32>
        %parallel_loop3A_440 = arith.addf %parallel_loop3A_439, %get3A_310 : vector<16xf32>
        tpu.vector_store_idx %arg12[%parallel_loop3A_366], %parallel_loop3A_440 : memref<4096xf32, #tpu.memory_space<vmem>>[vector<16xi32>], vector<16xf32>,
        tpu.vector_store_idx %arg13[%parallel_loop3A_366], %parallel_loop3A_437 : memref<4096xi32, #tpu.memory_space<vmem>>[vector<16xi32>], vector<16xi32>,
      } {sc.loop_unroll_factor = 8 : i64, sc.parallel_access}
      %add3A_331 = arith.constant 3072 : i32
      %add3A_332 = vector.broadcast %add3A_331 : i32 to vector<16xi32>
      %add3A_333 = arith.addi %mul3A_5, %add3A_332 : vector<16xi32>
      %mul3A_334 = arith.constant 64 : i32
      %mul3A_335 = arith.muli %scan3A_15, %mul3A_334 : i32
      %add3A_336 = arith.constant 48 : i32
      %add3A_337 = arith.addi %mul3A_335, %add3A_336 : i32
      %get3A_338 = arith.index_cast %add3A_337 : i32 to index
      %get3A_339 = tpu.vector_load %arg18[%get3A_338] {strides = array<i32>} : memref<1024xf32, #tpu.memory_space<vmem>>, vector<16xf32>,
      %get3A_340 = arith.constant 48 : index
      %get3A_341 = tpu.vector_load %arg16[%get3A_340] {strides = array<i32>} : memref<64xf32, #tpu.memory_space<vmem>>, vector<16xf32>,
      %get3A_342 = arith.constant 48 : index
      %get3A_343 = tpu.vector_load %arg17[%get3A_342] {strides = array<i32>} : memref<64xf32, #tpu.memory_space<vmem>>, vector<16xf32>,
      %add3A_344 = arith.constant 9.99999993E-9 : f32
      %add3A_345 = vector.broadcast %add3A_344 : f32 to vector<16xf32>
      %add3A_346 = arith.addf %get3A_341, %add3A_345 : vector<16xf32>
      %div3A_347 = arith.constant 2.000000e+00 : f32
      %div3A_348 = vector.broadcast %div3A_347 : f32 to vector<16xf32>
      %div3A_349 = arith.divf %div3A_348, %add3A_346 : vector<16xf32>
      %neg3A_350 = arith.constant 0.000000e+00 : f32
      %neg3A_351 = vector.broadcast %neg3A_350 : f32 to vector<16xf32>
      %neg3A_352 = arith.subf %neg3A_351, %get3A_339 : vector<16xf32>
      %mul3A_353 = arith.mulf %neg3A_352, %div3A_349 : vector<16xf32>
      %sub3A_354 = arith.constant 1.000000e+00 : f32
      %sub3A_355 = vector.broadcast %sub3A_354 : f32 to vector<16xf32>
      %sub3A_356 = arith.subf %mul3A_353, %sub3A_355 : vector<16xf32>
      %parallel_loop3A_357 = arith.constant 0 : i32
      %parallel_loop3A_358 = arith.constant 64 : i32
      %parallel_loop3A_359 = arith.constant 1 : i32
      scf.for %parallel_loop3A_360 = %parallel_loop3A_357 to %parallel_loop3A_358 step %parallel_loop3A_359  : i32 {
        %parallel_loop3A_361 = vector.broadcast %parallel_loop3A_360 : i32 to vector<16xi32>
        %parallel_loop3A_362 = arith.addi %iota3A, %parallel_loop3A_361 : vector<16xi32>
        %parallel_loop3A_363 = arith.constant 63 : i32
        %parallel_loop3A_364 = vector.broadcast %parallel_loop3A_363 : i32 to vector<16xi32>
        %parallel_loop3A_365 = arith.andi %parallel_loop3A_362, %parallel_loop3A_364 : vector<16xi32>
        %parallel_loop3A_366 = arith.addi %add3A_333, %parallel_loop3A_365 : vector<16xi32>
        %parallel_loop3A_367 = tpu.vector_load_idx %arg11[%parallel_loop3A_366] : memref<4096xf32, #tpu.memory_space<vmem>>[vector<16xi32>], vector<16xf32>,
        %parallel_loop3A_368 = arith.mulf %parallel_loop3A_367, %div3A_349 : vector<16xf32>
        %parallel_loop3A_369 = arith.addf %parallel_loop3A_368, %sub3A_356 : vector<16xf32>
        %parallel_loop3A_370 = arith.constant 0.000000e+00 : f32
        %parallel_loop3A_371 = vector.broadcast %parallel_loop3A_370 : f32 to vector<16xf32>
        %parallel_loop3A_372 = arith.cmpf ogt, %parallel_loop3A_369, %parallel_loop3A_371 : vector<16xf32>
        %parallel_loop3A_373 = arith.constant 0.363861859 : f32
        %parallel_loop3A_374 = arith.constant -0.363861859 : f32
        %parallel_loop3A_375 = vector.broadcast %parallel_loop3A_373 : f32 to vector<16xf32>
        %parallel_loop3A_376 = vector.broadcast %parallel_loop3A_374 : f32 to vector<16xf32>
        %parallel_loop3A_377 = arith.select %parallel_loop3A_372, %parallel_loop3A_375, %parallel_loop3A_376 : vector<16xi1>, vector<16xf32>
        %parallel_loop3A_378 = arith.cmpf ogt, %parallel_loop3A_369, %parallel_loop3A_377 : vector<16xf32>
        %parallel_loop3A_379 = arith.constant 6.248890e-01 : f32
        %parallel_loop3A_380 = arith.constant 0.171643674 : f32
        %parallel_loop3A_381 = vector.broadcast %parallel_loop3A_379 : f32 to vector<16xf32>
        %parallel_loop3A_382 = vector.broadcast %parallel_loop3A_380 : f32 to vector<16xf32>
        %parallel_loop3A_383 = arith.select %parallel_loop3A_378, %parallel_loop3A_381, %parallel_loop3A_382 : vector<16xi1>, vector<16xf32>
        %parallel_loop3A_384 = arith.constant -0.171643674 : f32
        %parallel_loop3A_385 = arith.constant -6.248890e-01 : f32
        %parallel_loop3A_386 = vector.broadcast %parallel_loop3A_384 : f32 to vector<16xf32>
        %parallel_loop3A_387 = vector.broadcast %parallel_loop3A_385 : f32 to vector<16xf32>
        %parallel_loop3A_388 = arith.select %parallel_loop3A_378, %parallel_loop3A_386, %parallel_loop3A_387 : vector<16xi1>, vector<16xf32>
        %parallel_loop3A_389 = arith.select %parallel_loop3A_372, %parallel_loop3A_383, %parallel_loop3A_388 : vector<16xi1>, vector<16xf32>
        %parallel_loop3A_390 = arith.cmpf ogt, %parallel_loop3A_369, %parallel_loop3A_389 : vector<16xf32>
        %parallel_loop3A_391 = arith.constant -4.795140e-01 : f32
        %parallel_loop3A_392 = arith.constant -0.853784441 : f32
        %parallel_loop3A_393 = vector.broadcast %parallel_loop3A_391 : f32 to vector<16xf32>
        %parallel_loop3A_394 = vector.broadcast %parallel_loop3A_392 : f32 to vector<16xf32>
        %parallel_loop3A_395 = arith.select %parallel_loop3A_390, %parallel_loop3A_393, %parallel_loop3A_394 : vector<16xi1>, vector<16xf32>
        %parallel_loop3A_396 = arith.constant -0.0847181975 : f32
        %parallel_loop3A_397 = arith.constant -0.263425589 : f32
        %parallel_loop3A_398 = vector.broadcast %parallel_loop3A_396 : f32 to vector<16xf32>
        %parallel_loop3A_399 = vector.broadcast %parallel_loop3A_397 : f32 to vector<16xf32>
        %parallel_loop3A_400 = arith.select %parallel_loop3A_390, %parallel_loop3A_398, %parallel_loop3A_399 : vector<16xi1>, vector<16xf32>
        %parallel_loop3A_401 = arith.constant 0.263425589 : f32
        %parallel_loop3A_402 = arith.constant 0.0847181975 : f32
        %parallel_loop3A_403 = vector.broadcast %parallel_loop3A_401 : f32 to vector<16xf32>
        %parallel_loop3A_404 = vector.broadcast %parallel_loop3A_402 : f32 to vector<16xf32>
        %parallel_loop3A_405 = arith.select %parallel_loop3A_390, %parallel_loop3A_403, %parallel_loop3A_404 : vector<16xi1>, vector<16xf32>
        %parallel_loop3A_406 = arith.constant 0.853784441 : f32
        %parallel_loop3A_407 = arith.constant 4.795140e-01 : f32
        %parallel_loop3A_408 = vector.broadcast %parallel_loop3A_406 : f32 to vector<16xf32>
        %parallel_loop3A_409 = vector.broadcast %parallel_loop3A_407 : f32 to vector<16xf32>
        %parallel_loop3A_410 = arith.select %parallel_loop3A_390, %parallel_loop3A_408, %parallel_loop3A_409 : vector<16xi1>, vector<16xf32>
        %parallel_loop3A_411 = arith.select %parallel_loop3A_378, %parallel_loop3A_410, %parallel_loop3A_405 : vector<16xi1>, vector<16xf32>
        %parallel_loop3A_412 = arith.select %parallel_loop3A_378, %parallel_loop3A_400, %parallel_loop3A_395 : vector<16xi1>, vector<16xf32>
        %parallel_loop3A_413 = arith.select %parallel_loop3A_372, %parallel_loop3A_411, %parallel_loop3A_412 : vector<16xi1>, vector<16xf32>
        %parallel_loop3A_414 = arith.cmpf ogt, %parallel_loop3A_369, %parallel_loop3A_413 : vector<16xf32>
        %parallel_loop3A_415 = arith.constant 8 : i32
        %parallel_loop3A_416 = arith.constant 0 : i32
        %parallel_loop3A_417 = vector.broadcast %parallel_loop3A_415 : i32 to vector<16xi32>
        %parallel_loop3A_418 = vector.broadcast %parallel_loop3A_416 : i32 to vector<16xi32>
        %parallel_loop3A_419 = arith.select %parallel_loop3A_372, %parallel_loop3A_417, %parallel_loop3A_418 : vector<16xi1>, vector<16xi32>
        %parallel_loop3A_420 = arith.constant 4 : i32
        %parallel_loop3A_421 = arith.constant 0 : i32
        %parallel_loop3A_422 = vector.broadcast %parallel_loop3A_420 : i32 to vector<16xi32>
        %parallel_loop3A_423 = vector.broadcast %parallel_loop3A_421 : i32 to vector<16xi32>
        %parallel_loop3A_424 = arith.select %parallel_loop3A_378, %parallel_loop3A_422, %parallel_loop3A_423 : vector<16xi1>, vector<16xi32>
        %parallel_loop3A_425 = arith.addi %parallel_loop3A_419, %parallel_loop3A_424 : vector<16xi32>
        %parallel_loop3A_426 = arith.constant 2 : i32
        %parallel_loop3A_427 = arith.constant 0 : i32
        %parallel_loop3A_428 = vector.broadcast %parallel_loop3A_426 : i32 to vector<16xi32>
        %parallel_loop3A_429 = vector.broadcast %parallel_loop3A_427 : i32 to vector<16xi32>
        %parallel_loop3A_430 = arith.select %parallel_loop3A_390, %parallel_loop3A_428, %parallel_loop3A_429 : vector<16xi1>, vector<16xi32>
        %parallel_loop3A_431 = arith.addi %parallel_loop3A_425, %parallel_loop3A_430 : vector<16xi32>
        %parallel_loop3A_432 = arith.constant 1 : i32
        %parallel_loop3A_433 = arith.constant 0 : i32
        %parallel_loop3A_434 = vector.broadcast %parallel_loop3A_432 : i32 to vector<16xi32>
        %parallel_loop3A_435 = vector.broadcast %parallel_loop3A_433 : i32 to vector<16xi32>
        %parallel_loop3A_436 = arith.select %parallel_loop3A_414, %parallel_loop3A_434, %parallel_loop3A_435 : vector<16xi1>, vector<16xi32>
        %parallel_loop3A_437 = arith.addi %parallel_loop3A_431, %parallel_loop3A_436 : vector<16xi32>
        %parallel_loop3A_438 = tpu.vector_load_idx %arg15[%parallel_loop3A_437] : memref<16xf32, #tpu.memory_space<vmem>>[vector<16xi32>], vector<16xf32>,
        %parallel_loop3A_439 = arith.mulf %parallel_loop3A_438, %get3A_343 : vector<16xf32>
        %parallel_loop3A_440 = arith.addf %parallel_loop3A_439, %get3A_339 : vector<16xf32>
        tpu.vector_store_idx %arg12[%parallel_loop3A_366], %parallel_loop3A_440 : memref<4096xf32, #tpu.memory_space<vmem>>[vector<16xi32>], vector<16xf32>,
        tpu.vector_store_idx %arg13[%parallel_loop3A_366], %parallel_loop3A_437 : memref<4096xi32, #tpu.memory_space<vmem>>[vector<16xi32>], vector<16xi32>,
      } {sc.loop_unroll_factor = 8 : i64, sc.parallel_access}
      "tpu.region"() ({
        %run_scoped3A = tpu.sem_alloc : memref<!tpu.dma_semaphore, #tpu.memory_space<semaphore_mem>>
        %dma_start3A = tpu.memref_slice %arg5[%mul3A_18] : memref<2097152xf32, #tpu.memory_space<hbm>> -> memref<4096xf32, #tpu.memory_space<hbm>>
        %dma_start3A_360 = tpu.memref_slice %arg5[%mul3A_18] : memref<2097152xf32, #tpu.memory_space<hbm>> -> memref<4096xf32, #tpu.memory_space<hbm>>
        tpu.enqueue_dma source(%arg12 : memref<4096xf32, #tpu.memory_space<vmem>>) target(%dma_start3A_360 : memref<4096xf32, #tpu.memory_space<hbm>>) target_semaphore(%run_scoped3A : memref<!tpu.dma_semaphore, #tpu.memory_space<semaphore_mem>>)
        %dma_wait3A = tpu.memref_slice %arg5[%mul3A_18] : memref<2097152xf32, #tpu.memory_space<hbm>> -> memref<4096xf32, #tpu.memory_space<hbm>>
        %dma_wait3A_361 = tpu.memref_slice %arg5[%mul3A_18] : memref<2097152xf32, #tpu.memory_space<hbm>> -> memref<4096xf32, #tpu.memory_space<hbm>>
        tpu.wait_dma2 semaphore(%run_scoped3A : memref<!tpu.dma_semaphore, #tpu.memory_space<semaphore_mem>>) src(%arg12 : memref<4096xf32, #tpu.memory_space<vmem>>) dst(%dma_wait3A_361 : memref<4096xf32, #tpu.memory_space<hbm>>)
        tpu.yield
      }) : () -> ()
      "tpu.region"() ({
        %run_scoped3A = tpu.sem_alloc : memref<!tpu.dma_semaphore, #tpu.memory_space<semaphore_mem>>
        %dma_start3A = tpu.memref_slice %arg6[%mul3A_18] : memref<2097152xi32, #tpu.memory_space<hbm>> -> memref<4096xi32, #tpu.memory_space<hbm>>
        %dma_start3A_360 = tpu.memref_slice %arg6[%mul3A_18] : memref<2097152xi32, #tpu.memory_space<hbm>> -> memref<4096xi32, #tpu.memory_space<hbm>>
        tpu.enqueue_dma source(%arg13 : memref<4096xi32, #tpu.memory_space<vmem>>) target(%dma_start3A_360 : memref<4096xi32, #tpu.memory_space<hbm>>) target_semaphore(%run_scoped3A : memref<!tpu.dma_semaphore, #tpu.memory_space<semaphore_mem>>)
        %dma_wait3A = tpu.memref_slice %arg6[%mul3A_18] : memref<2097152xi32, #tpu.memory_space<hbm>> -> memref<4096xi32, #tpu.memory_space<hbm>>
        %dma_wait3A_361 = tpu.memref_slice %arg6[%mul3A_18] : memref<2097152xi32, #tpu.memory_space<hbm>> -> memref<4096xi32, #tpu.memory_space<hbm>>
        tpu.wait_dma2 semaphore(%run_scoped3A : memref<!tpu.dma_semaphore, #tpu.memory_space<semaphore_mem>>) src(%arg13 : memref<4096xi32, #tpu.memory_space<vmem>>) dst(%dma_wait3A_361 : memref<4096xi32, #tpu.memory_space<hbm>>)
        tpu.yield
      }) : () -> ()
    }
    %scan3A_10 = arith.constant 16 : i32
    %mul3A_11 = arith.constant 64 : i32
    %mul3A_12 = arith.muli %mul3A_2, %mul3A_11 : i32
    "tpu.region"() ({
      %run_scoped3A = tpu.sem_alloc : memref<!tpu.dma_semaphore, #tpu.memory_space<semaphore_mem>>
      %dma_start3A = tpu.memref_slice %arg10[%mul3A_12] : memref<32768xf32, #tpu.memory_space<hbm>> -> memref<1024xf32, #tpu.memory_space<hbm>>
      %dma_start3A_15 = tpu.memref_slice %arg10[%mul3A_12] : memref<32768xf32, #tpu.memory_space<hbm>> -> memref<1024xf32, #tpu.memory_space<hbm>>
      tpu.enqueue_dma source(%arg18 : memref<1024xf32, #tpu.memory_space<vmem>>) target(%dma_start3A_15 : memref<1024xf32, #tpu.memory_space<hbm>>) target_semaphore(%run_scoped3A : memref<!tpu.dma_semaphore, #tpu.memory_space<semaphore_mem>>)
      %dma_wait3A = tpu.memref_slice %arg10[%mul3A_12] : memref<32768xf32, #tpu.memory_space<hbm>> -> memref<1024xf32, #tpu.memory_space<hbm>>
      %dma_wait3A_16 = tpu.memref_slice %arg10[%mul3A_12] : memref<32768xf32, #tpu.memory_space<hbm>> -> memref<1024xf32, #tpu.memory_space<hbm>>
      tpu.wait_dma2 semaphore(%run_scoped3A : memref<!tpu.dma_semaphore, #tpu.memory_space<semaphore_mem>>) src(%arg18 : memref<1024xf32, #tpu.memory_space<vmem>>) dst(%dma_wait3A_16 : memref<1024xf32, #tpu.memory_space<hbm>>)
      tpu.yield
    }) : () -> ()
    %mul3A_13 = arith.constant 64 : i32
    %mul3A_14 = arith.muli %mul3A_2, %mul3A_13 : i32
    "tpu.region"() ({
      %run_scoped3A = tpu.sem_alloc : memref<!tpu.dma_semaphore, #tpu.memory_space<semaphore_mem>>
      %dma_start3A = tpu.memref_slice %arg7[%mul3A_14] : memref<32768xi32, #tpu.memory_space<hbm>> -> memref<1024xi32, #tpu.memory_space<hbm>>
      %dma_start3A_15 = tpu.memref_slice %arg7[%mul3A_14] : memref<32768xi32, #tpu.memory_space<hbm>> -> memref<1024xi32, #tpu.memory_space<hbm>>
      tpu.enqueue_dma source(%arg19 : memref<1024xi32, #tpu.memory_space<vmem>>) target(%dma_start3A_15 : memref<1024xi32, #tpu.memory_space<hbm>>) target_semaphore(%run_scoped3A : memref<!tpu.dma_semaphore, #tpu.memory_space<semaphore_mem>>)
      %dma_wait3A = tpu.memref_slice %arg7[%mul3A_14] : memref<32768xi32, #tpu.memory_space<hbm>> -> memref<1024xi32, #tpu.memory_space<hbm>>
      %dma_wait3A_16 = tpu.memref_slice %arg7[%mul3A_14] : memref<32768xi32, #tpu.memory_space<hbm>> -> memref<1024xi32, #tpu.memory_space<hbm>>
      tpu.wait_dma2 semaphore(%run_scoped3A : memref<!tpu.dma_semaphore, #tpu.memory_space<semaphore_mem>>) src(%arg19 : memref<1024xi32, #tpu.memory_space<vmem>>) dst(%dma_wait3A_16 : memref<1024xi32, #tpu.memory_space<hbm>>)
      tpu.yield
    }) : () -> ()
    "tpu.region"() ({
      %run_scoped3A = tpu.sem_alloc : memref<!tpu.dma_semaphore, #tpu.memory_space<semaphore_mem>>
      %dma_start3A = tpu.memref_slice %arg8[%mul3A_2] : memref<512xf32, #tpu.memory_space<hbm>> -> memref<16xf32, #tpu.memory_space<hbm>>
      %dma_start3A_15 = tpu.memref_slice %arg8[%mul3A_2] : memref<512xf32, #tpu.memory_space<hbm>> -> memref<16xf32, #tpu.memory_space<hbm>>
      tpu.enqueue_dma source(%arg20 : memref<16xf32, #tpu.memory_space<vmem>>) target(%dma_start3A_15 : memref<16xf32, #tpu.memory_space<hbm>>) target_semaphore(%run_scoped3A : memref<!tpu.dma_semaphore, #tpu.memory_space<semaphore_mem>>)
      %dma_wait3A = tpu.memref_slice %arg8[%mul3A_2] : memref<512xf32, #tpu.memory_space<hbm>> -> memref<16xf32, #tpu.memory_space<hbm>>
      %dma_wait3A_16 = tpu.memref_slice %arg8[%mul3A_2] : memref<512xf32, #tpu.memory_space<hbm>> -> memref<16xf32, #tpu.memory_space<hbm>>
      tpu.wait_dma2 semaphore(%run_scoped3A : memref<!tpu.dma_semaphore, #tpu.memory_space<semaphore_mem>>) src(%arg20 : memref<16xf32, #tpu.memory_space<vmem>>) dst(%dma_wait3A_16 : memref<16xf32, #tpu.memory_space<hbm>>)
      tpu.yield
    }) : () -> ()
    "tpu.region"() ({
      %run_scoped3A = tpu.sem_alloc : memref<!tpu.dma_semaphore, #tpu.memory_space<semaphore_mem>>
      %dma_start3A = tpu.memref_slice %arg9[%mul3A_2] : memref<512xf32, #tpu.memory_space<hbm>> -> memref<16xf32, #tpu.memory_space<hbm>>
      %dma_start3A_15 = tpu.memref_slice %arg9[%mul3A_2] : memref<512xf32, #tpu.memory_space<hbm>> -> memref<16xf32, #tpu.memory_space<hbm>>
      tpu.enqueue_dma source(%arg21 : memref<16xf32, #tpu.memory_space<vmem>>) target(%dma_start3A_15 : memref<16xf32, #tpu.memory_space<hbm>>) target_semaphore(%run_scoped3A : memref<!tpu.dma_semaphore, #tpu.memory_space<semaphore_mem>>)
      %dma_wait3A = tpu.memref_slice %arg9[%mul3A_2] : memref<512xf32, #tpu.memory_space<hbm>> -> memref<16xf32, #tpu.memory_space<hbm>>
      %dma_wait3A_16 = tpu.memref_slice %arg9[%mul3A_2] : memref<512xf32, #tpu.memory_space<hbm>> -> memref<16xf32, #tpu.memory_space<hbm>>
      tpu.wait_dma2 semaphore(%run_scoped3A : memref<!tpu.dma_semaphore, #tpu.memory_space<semaphore_mem>>) src(%arg21 : memref<16xf32, #tpu.memory_space<vmem>>) dst(%dma_wait3A_16 : memref<16xf32, #tpu.memory_space<hbm>>)
      tpu.yield
    }) : () -> ()
    return
  }
}

</mosaic_0001>

<sc_bundles>
// kernel: kernel.3.cloned.1.call-start
scs
__scs_entry_jumppad:
0x0: {  	(pc) =	sbr.rel $0x88, $3  }
0x1: {  	(tag) =	ssettag $0x0;
	lr =	simm.s32 $0x1  }
0x2: {  	[smem:$0x3FA0] =	sst lr;
	_ =	strace $0xD0000000  }
0x3: {  	_ = 	snop  }
0x4: {  	_ = 	snop  }
0x5: {  	_ = 	snop  }
0x6: {  	_ = 	snop  }
0x7: {  	_ = 	snop  }
__scs_overlays_trampoline_lowered:
0x8: {  	[smem:$0x3FAF] =	sst s0  }
0x9: {  	[smem:$0x3FB0] =	sst s1  }
0xa: {  	[smem:$0x3FB1] =	sst s2  }
0xb: {  	[smem:$0x3FB2] =	sst s3  }
0xc: {  	[smem:$0x3FB3] =	sst s4  }
0xd: {  	[smem:$0x3FB4] =	sst s5  }
0xe: {  	[smem:$0x3FB5] =	sst s6  }
0xf: {  	[smem:$0x3FB6] =	sst s7  }
0x10: {  	[smem:$0x3FB7] =	sst s8  }
0x11: {  	[smem:$0x3FB8] =	sst s9;
	s0 =	simm.s32 @!p0 $0x0  }
0x12: {  	s1 =	sld [smem:$0x3F9E];
	s0 =	simm.s32 @p0 $0x1  }
0x13: {  	[smem:$0x3FB9] =	sst s0;
	s0 =	simm.s32 @!p1 $0x0  }
0x14: {  	s2 =	sld [smem:$0x3F9D];
	s0 =	simm.s32 @p1 $0x1  }
0x15: {  	[smem:$0x3FBA] =	sst s0;
	s0 =	simm.s32 @!p2 $0x0  }
0x16: {  	s3 =	sld [smem:$0x3FDB];
	s0 =	simm.s32 @p2 $0x1  }
0x17: {  	s4 =	simm.s32 $0x1BF5;
	[smem:$0x3FBC] =	sst s0  }
0x18: {  	s0 =	sld [smem:$0x3F9F];
	_ =	swait.ge [sflag:s4], $0x0  }
0x19: {  	s7 =	sld [smem:$0x3FA0]  }
0x1a: {  	s8 =	sadd.s32 $0xFFFFE003, lr  }
0x1b: {  	s9 =	sadd.s32 $0xFFFFFEF7, lr;
	s5 =	simm.s32 $0xFFFFFFFF;
	p2 =	slt.u32 s8, $0xFFFFF086  }
0x1c: {  	p1 =	slt.u32 s9, $0xF7A;
	s5 =	simm.s32 @!p2 $0x0  }
0x1d: {  	s5 =	simm.s32 @p1 $0x1;
	p0 =	seq.s32 s7, s2  }
0x1e: {  	s7 =	smul.u32 @!p0 $0xF7A, s2;
	p2 =	seq.s32 @!p0 s5, $0x0  }
0x1f: {  	s9 =	smul.u32 $0xF7A, s1;
	s8 =	simm.s32 @!p0 $0x1BF5;
	p2 =	por !p2, p0  }
0x20: {  	[sflag:s8] =	ssyncset.s32 @!p0 $0xFFFFF086;
	s6 =	sadd.s32 @!p0 s3, s7;
	s7 =	simm.s32 @!p0 $0x108  }
0x21: {  	s3 =	sadd.s32 s3, s9;
	s6 =	sadd.s32 @!p0 $0x88, s6;
	s7 =	simm.s32 @p2 $0x1082  }
0x22: {  	[simem:s7], [sflag:s8] =	dma.local @!p0 [hbm:s6], $0xF7A  }
0x23: {  	s9 =	sor.u32 $0xD0000000, s2;
	s6 =	simm.s32 $0x108;
	_ =	swait.ge @!p0 [sflag:s8], $0x0  }
0x24: {  	s3 =	sadd.s32 $0x88, s3;
	s6 =	simm.s32 @!p1 $0x1082;
	[sflag:s4] =	ssyncset.s32 $0xFFFFF086  }
0x25: {  	[simem:s6], [sflag:s4] =	dma.local [hbm:s3], $0xF7A  }
0x26: {  	[smem:$0x3FA0] =	sst s1;
	(tag) =	ssettag s2;
	_ =	strace s9  }
0x27: {  	s1 =	sld [smem:$0x3FB0]  }
0x28: {  	s2 =	sld [smem:$0x3FB1]  }
0x29: {  	s4 =	sld [smem:$0x3FB3]  }
0x2a: {  	p0 =	seq.s32 s5, $0x0;
	s5 =	sld [smem:$0x3FB4]  }
0x2b: {  	s6 =	sld [smem:$0x3FB5]  }
0x2c: {  	s7 =	sld [smem:$0x3FB6]  }
0x2d: {  	s3 =	simm.s32 $0x108;
	s8 =	sld [smem:$0x3FB7]  }
0x2e: {  	s3 =	simm.s32 @!p0 $0x1082;
	s9 =	sld [smem:$0x3FB8]  }
0x2f: {  	lr =	sadd.s32 s0, s3;
	s0 =	sld [smem:$0x3FAF]  }
0x30: {  	s3 =	sld [smem:$0x3FB2]  }
0x31: {  	[smem:$0x3FBB] =	sst s10  }
0x32: {  	s10 =	sld [smem:$0x3FB9];
	_ =	sdelay $0x3  }
0x33: {  	p0 =	seq.s32 s10, $0x1;
	s10 =	sld [smem:$0x3FBB];
	_ =	sdelay $0x3  }
0x34: {  	[smem:$0x3FBB] =	sst s10  }
0x35: {  	s10 =	sld [smem:$0x3FBA];
	_ =	sdelay $0x3  }
0x36: {  	p1 =	seq.s32 s10, $0x1;
	s10 =	sld [smem:$0x3FBB];
	_ =	sdelay $0x3  }
0x37: {  	[smem:$0x3FBB] =	sst s10  }
0x38: {  	s10 =	sld [smem:$0x3FBC]  }
0x39: {  	_ = 	snop;
	(pc) =	sbr.ind lr, $3  }
0x3a: {  	_ = 	snop  }
0x3b: {  	_ = 	snop  }
0x3c: {  	p2 =	seq.s32 s10, $0x1;
	s10 =	sld [smem:$0x3FBB]  }
0x3d: {  	_ =	shalt  }
0x3e: {  	_ =	shalt  }
0x3f: {  	_ =	shalt  }
0x40: {  	_ =	shalt  }
0x41: {  	_ =	shalt  }
0x42: {  	_ =	shalt  }
0x43: {  	_ =	shalt  }
0x44: {  	_ =	shalt  }
0x45: {  	_ =	shalt  }
0x46: {  	_ =	shalt  }
0x47: {  	_ =	shalt  }
0x48: {  	_ =	shalt  }
0x49: {  	_ =	shalt  }
0x4a: {  	_ =	shalt  }
0x4b: {  	_ =	shalt  }
0x4c: {  	_ =	shalt  }
0x4d: {  	_ =	shalt  }
0x4e: {  	_ =	shalt  }
0x4f: {  	_ =	shalt  }
0x50: {  	_ =	shalt  }
0x51: {  	_ =	shalt  }
0x52: {  	_ =	shalt  }
0x53: {  	_ =	shalt  }
0x54: {  	_ =	shalt  }
0x55: {  	_ =	shalt  }
0x56: {  	_ =	shalt  }
0x57: {  	_ =	shalt  }
0x58: {  	_ =	shalt  }
0x59: {  	_ =	shalt  }
0x5a: {  	_ =	shalt  }
0x5b: {  	_ =	shalt  }
0x5c: {  	_ =	shalt  }
0x5d: {  	_ =	shalt  }
0x5e: {  	_ =	shalt  }
0x5f: {  	_ =	shalt  }
0x60: {  	_ =	shalt  }
0x61: {  	_ =	shalt  }
0x62: {  	_ =	shalt  }
0x63: {  	_ =	shalt  }
0x64: {  	_ =	shalt  }
0x65: {  	_ =	shalt  }
0x66: {  	_ =	shalt  }
0x67: {  	_ =	shalt  }
0x68: {  	_ =	shalt  }
0x69: {  	_ =	shalt  }
0x6a: {  	_ =	shalt  }
0x6b: {  	_ =	shalt  }
0x6c: {  	_ =	shalt  }
0x6d: {  	_ =	shalt  }
0x6e: {  	_ =	shalt  }
0x6f: {  	_ =	shalt  }
0x70: {  	_ =	shalt  }
0x71: {  	_ =	shalt  }
0x72: {  	_ =	shalt  }
0x73: {  	_ =	shalt  }
0x74: {  	_ =	shalt  }
0x75: {  	_ =	shalt  }
0x76: {  	_ =	shalt  }
0x77: {  	_ =	shalt  }
0x78: {  	_ =	shalt  }
0x79: {  	_ =	shalt  }
0x7a: {  	_ =	shalt  }
0x7b: {  	_ =	shalt  }
0x7c: {  	_ =	shalt  }
0x7d: {  	_ =	shalt  }
0x7e: {  	_ =	shalt  }
0x7f: {  	_ =	shalt  }
0x80: {  	_ =	shalt  }
0x81: {  	_ =	shalt  }
0x82: {  	_ =	shalt  }
0x83: {  	_ =	shalt  }
0x84: {  	_ =	shalt  }
0x85: {  	_ =	shalt  }
0x86: {  	_ =	shalt  }
0x87: {  	_ =	shalt  }
.Lfunc_end0:
.L_simem_size_0:
called_computation_lowered:
.L_overlay_start_0:
0x88: {  	s2 =	sld [smem:$0x3FD9]  }
0x89: {  	s3 =	sld [smem:$0x3FFE];
	_ =	sdelay $0x1  }
0x8a: {  	s1 =	srdreg.scid  }
0x8b: {  	s0 =	sand.u32 $0x1, s1  }
0x8c: {  	s14 =	sshll.u32 s0, $0xA;
	s2 =	sadd.s32 s3, s2  }
0x8d: {  	s2 =	sadd.s32 s2, s14  }
0x8e: {  	[smem:$0x3FC7] =	sst s2  }
0x8f: {  	_ = 	snop  }
0x90: {  	s2 =	sld [smem:$0x3FD0];
	_ =	sdelay $0x2  }
0x91: {  	s4 =	simm.s32 $0xA;
	s5 =	simm.s32 $0x10;
	s15 =	sld [smem:$0x3FC9]  }
0x92: {  	[smem:s5], [sflag:s4] =	dma.local [hbm:s2], $0x1  }
0x93: {  	_ =	swait.eq [sflag:s4], $0x1  }
0x94: {  	s16 =	sld [smem:$0x10]  }
0x95: {  	s17 =	sld [smem:$0x11]  }
0x96: {  	s6 =	sld [smem:$0x12]  }
0x97: {  	s7 =	sld [smem:$0x13];
	[sflag:s4] =	ssyncset.done $0x0  }
0x98: {  	s8 =	sld [smem:$0x14];
	[sflag:s4] =	ssyncadd.s32 $0xFFFFFFFF  }
0x99: {  	s18 =	sld [smem:$0x15];
	(tm) =	ssettm $0x1  }
0x9a: {  	s9 =	sld [smem:$0x3FFB];
	_ =	sdelay $0x3  }
0x9b: {  	_ =	strace s9  }
0x9c: {  	s9 =	sld [smem:$0x3FFC];
	_ =	sdelay $0x3  }
0x9d: {  	_ =	strace s9  }
0x9e: {  	s9 =	sld [smem:$0x3FFD];
	_ =	sdelay $0x3  }
0x9f: {  	_ =	strace s9  }
0xa0: {  	_ =	strace $0x8FFFFFFF  }
0xa1: {  	s19 =	sld [smem:$0x3FDB];
	_ =	sdelay $0x1  }
0xa2: {  	s10 =	simm.s32 $_scs_section_size  }
0xa3: {  	s11 =	simm.s32 $_size__tile_overlayer_lowered;
	s12 =	simm.s32 $_tile_overlayer_lowered  }
0xa4: {  	s22 =	simm.s32 $0x1BFF;
	s21 =	sshll.u32 s12, $0x1;
	s9 =	sadd.s32 s10, s19  }
0xa5: {  	s13 =	simm.s32 $0x0;
	s20 =	sshll.u32 s11, $0x1;
	s11 =	sadd.s32 s21, s9  }
0xa6: {  	[timem:s13], [sflag:s22] =	dma.local [hbm:s11], s20  }
0xa7: {  	_ =	swait.ge [sflag:s22], s20  }
0xa8: {  	s10 =	ssub.s32 $0x0, s20;
	[sflag:s22] =	ssyncset.done $0x0  }
0xa9: {  	[sflag:s22] =	ssyncadd.s32 s10;
	_ =	sdelay $0x1  }
0xaa: {  	s23 =	simm.s32 $0x1B8B  }
0xab: {  	_ =	swait.ge [sflag:s23], $0x1  }
0xac: {  	[sflag:s23] =	ssyncset.done $0x0  }
0xad: {  	s25 =	simm.s32 $0x1B8E;
	s24 =	sld [smem:$0x3FFE];
	[sflag:s23] =	ssyncadd.s32 $0xFFFFFFFF  }
0xae: {  	s26 =	simm.s32 $execute0_lowered;
	[smem:$0x3FD2] =	sst s25  }
0xaf: {  	s11 =	sshll.u32 s26, $0x1;
	_ =	strace $0x80000046;
	[dreg:$0x1] =	wrdreg $0xFFFFFFFF  }
0xb0: {  	s28 =	simm.s32 $_size_execute0_lowered;
	s9 =	sadd.s32 s9, s11;
	[dreg:$0x0] =	wrdreg $0x0  }
0xb1: {  	s11 =	sshll.u32 s28, $0x1;
	[dreg:$0x2] =	wrdreg s9  }
0xb2: {  	[dreg:$0x3] =	wrdreg s11  }
0xb3: {  	[dreg:$0x4] =	wrdreg $0xC0  }
0xb4: {  	_ =	task [dreg:s13], $0x5FFFF  }
0xb5: {  	[dreg:$0x1] =	wrdreg $0xFFFFFFFF  }
0xb6: {  	[dreg:$0x0] =	wrdreg $0x60  }
0xb7: {  	[dreg:$0x2] =	wrdreg s15  }
0xb8: {  	[dreg:$0x3] =	wrdreg s24  }
0xb9: {  	[dreg:$0x4] =	wrdreg s6  }
0xba: {  	[dreg:$0x5] =	wrdreg s16  }
0xbb: {  	[dreg:$0x6] =	wrdreg s17  }
0xbc: {  	[dreg:$0x7] =	wrdreg s18  }
0xbd: {  	[dreg:$0x8] =	wrdreg s7  }
0xbe: {  	[dreg:$0x9] =	wrdreg s8  }
0xbf: {  	[dreg:$0xa] =	wrdreg $0x9  }
0xc0: {  	_ =	task.clear_ibuf [dreg:s13], $0xBFFFF;
	_ =	strace $0x90000046  }
0xc1: {  	s29 =	simm.s32 $0x9;
	_ =	strace $0x80000048  }
0xc2: {  	_ =	swait.ge [sflag:s29], $0x1  }
0xc3: {  	[sflag:s29] =	ssyncadd.s32 $0xFFFFFFFF  }
0xc4: {  	_ =	strace $0x90000048  }
0xc5: {  	_ =	sfence  }
0xc6: {  	s30 =	sld [smem:$0x0];
	_ =	sdelay $0x2  }
0xc7: {  	s31 =	sshll.u32 s1, $0xD;
	s1 =	sshrl.u32 s1, $0x2  }
0xc8: {  	s3 =	sand.u32 $0x4000, s31;
	s1 =	sadd.s32 s1, s30  }
0xc9: {  	s0 =	sor.u32 s3, s0;
	s1 =	sshll.u32 s1, $0x11  }
0xca: {  	s0 =	sor.u32 s1, s0  }
0xcb: {  	s0 =	sadd.s32 $0x8F2B, s0  }
0xcc: {  	[sflag:s0] =	ssyncadd.remote.s32 $0x1  }
0xcd: {  	_ =	sfence.sel $0xFFFF  }
0xce: {  	[dreg:$0x0] =	wrdreg $0xFFFFFFFF;
	(pc) =	sbr.abs _section_cstart, $3  }
0xcf: {  	[dreg:$0x1] =	wrdreg $0xFFFFFFFF  }
0xd0: {  	_ =	task.clear_ibuf [dreg:s13], $0x2FFFF;
	_ =	strace $0x9FFFFFFF  }
0xd1: {  	(tm) =	ssettm $0x7FFFFFFF  }
tec
execute0_lowered:
.L_overlay_start_1:
0x0: {  	(tag) =	ssettag $0x1  }
0x1: {  	s0 =	rddreg [dreg:$0x0]  }
0x2: {  	s8 =	rddreg [dreg:$0x1]  }
0x3: {  	s3 =	rddreg [dreg:$0x3]  }
0x4: {  	s4 =	rddreg [dreg:$0x4]  }
0x5: {  	s10 =	rddreg [dreg:$0x5]  }
0x6: {  	s15 =	rddreg [dreg:$0x6];
	s5 =	simm.s32 $0x0  }
0x7: {  	[smem:$0x7FF] =	sst s5  }
0x8: {  	s16 =	rddreg [dreg:$0x7];
	v0 =	vimm.f32 $2.550000000e+02;
	_ =	strace $0x80000047  }
0x9: {  	(erf) = vrcp.f32 v0  }
0xa: {  	s6 =	srdreg.scid;
	s1 =	stileid.u32  }
0xb: {  	s14 =	simm.s32 $0x3A80;
	s19 =	simm.s32 $0x1000;
	s7 =	sand.u32 $0x1, s6  }
0xc: {  	s20 =	simm.s32 $0x2000;
	s22 =	simm.s32 $0x3600;
	s9 =	sshll.u32 s7, $0x4  }
0xd: {  	s23 =	simm.s32 $0x0;
	s30 =	ssub.s32 $0x2, s7;
	s11 =	sor.u32 s1, s9  }
0xe: {  	v5 =	vimm.f32 $-3.638618590e-01;
	v6 =	vimm.f32 $1.716436740e-01;
	s7 =	sadd.s32 $0x600, s8;
	s31 =	sshrl.u32 s30, $0x1;
	s12 =	sshll.u32 s11, $0x7  }
0xf: {  	v7 =	vimm.f32 $-6.248890160e-01;
	v8 =	vimm.f32 $-8.537844410e-01;
	v0 =	vlaneseq.u32;
	s17 =	ssub.s32 s30, s31;
	s18 =	sshll.u32 s11, $0x1;
	s13 =	sadd.s32 s12, s8  }
0x10: {  	v9 =	vimm.f32 $-2.634255890e-01;
	v1 =	vmul.u32 $0x40, v0;
	s8 =	sshll.u32 s11, $0xD;
	s10 =	sadd.s32 s10, s12;
	s12 =	simm.s32 $0x3080  }
0x11: {  	v11 =	vimm.f32 $8.471819750e-02;
	v12 =	vimm.f32 $4.795140030e-01;
	v13 =	vimm.s32 $0x0;
	s15 =	sadd.s32 s15, s18;
	s16 =	sadd.s32 s16, s18;
	s17 =	smax.u32 s17, $0x1  }
0x12: {  	s18 =	simm.s32 $0x1;
	s9 =	sadd.s32 $0x800, s13;
	v2 =	vor.u32 $0x400, v1;
	v3 =	vor.u32 $0x800, v1;
	v4 =	vor.u32 $0xC00, v1;
	s13 =	simm.s32 $0x3A00;
	v10 =	vpop (erf)  }
.LBB2_1:
0x13: {  	s1 =	simm.s32 $0x3000  }
0x14: {  	[tilespmem:s1], [sflag:$0x1] =	stream.linear.gather [hbm4b:s7+s5], $0x80, $0x38;
	[tilespmem:$0x3B00] =	vst v63  }
0x15: {  	_ =	swait.ge [sflag:s18], $0x80  }
0x16: {  	[sflag:s18] =	ssyncset.done $0x0  }
0x17: {  	[sflag:s18] =	ssyncadd.s32 $0xFFFFFF80  }
0x18: {  	s31 =	rddreg [dreg:$0x2]  }
0x19: {  	[tilespmem:s12], [sflag:$0x1] =	stream.linear.gather [hbm4b:s31+s5], $0x80, $0x38;
	[tilespmem:$0x3B00] =	vst v63  }
0x1a: {  	_ =	swait.ge [sflag:s18], $0x80  }
0x1b: {  	[sflag:s18] =	ssyncset.done $0x0  }
0x1c: {  	[sflag:s18] =	ssyncadd.s32 $0xFFFFFF80  }
0x1d: {  	s24 =	simm.s32 $0x0;
	[bflag:$0x0] =	sbarrier.arrive $0xFFFF  }
.LBB2_2:
0x1e: {  	s25 =	sshll.u32 s24, $0x9  }
0x1f: {  	s28 =	simm.s32 $0x0;
	s25 =	sadd.s32 s8, s25  }
0x20: {  	s21 =	simm.s32 $0x1;
	s29 =	simm.s32 $0x3;
	v14 =	vadd.s32 s28, v0;
	s26 =	sadd.s32 s0, s25  }
0x21: {  	v15 =	vadd.s32 s21, v0;
	v14 =	vand.u32 $0x3F, v14;
	[tilespmem:s28], [sflag:$0x1] =	stream.linear.gather [hbm4b:s26+s28], $0x1000, $0x38;
	[tilespmem:$0x3B00] =	vst v63  }
0x22: {  	v17 =	vadd.s32 s29, v0;
	v15 =	vand.u32 $0x3F, v15;
	s28 =	simm.s32 $0x2;
	v14 =	vor.u32 v1, v14  }
0x23: {  	v17 =	vand.u32 $0x3F, v17;
	v15 =	vor.u32 v1, v15;
	v16 =	vadd.s32 s28, v0;
	s28 =	simm.s32 $0x4  }
0x24: {  	s30 =	simm.s32 $0x5;
	v17 =	vor.u32 v1, v17;
	_ =	swait.ge [sflag:s18], $0x1000;
	v16 =	vand.u32 $0x3F, v16;
	v18 =	vadd.s32 s28, v0  }
0x25: {  	v19 =	vadd.s32 s30, v0;
	[sflag:s18] =	ssyncset.done $0x0;
	s28 =	simm.s32 $0x6;
	v16 =	vor.u32 v1, v16;
	v18 =	vand.u32 $0x3F, v18  }
0x26: {  	s31 =	simm.s32 $0x7;
	v19 =	vand.u32 $0x3F, v19;
	[sflag:s18] =	ssyncadd.s32 $0xFFFFF000;
	v20 =	vadd.s32 s28, v0;
	v18 =	vor.u32 v1, v18  }
0x27: {  	v23 =	vor.u32 v1, v19;
	v19 =	vadd.s32 s31, v0;
	v22 =	vld.idx.msk [tilespmem:v14+s5+$0x0], $0xffff;
	v14 =	vand.u32 $0x3F, v20  }
0x28: {  	v28 =	vimm.f32 $-Inf;
	s1 =	simm.s32 $0xB;
	s26 =	simm.s32 $0x8;
	v27 =	vld.idx.msk [tilespmem:v15+s5+$0x0], $0xffff;
	v26 =	vor.u32 v1, v14;
	v14 =	vand.u32 $0x3F, v19  }
0x29: {  	s29 =	simm.s32 $0xD;
	v32 =	vadd.s32 s1, v0;
	s31 =	simm.s32 $0xA;
	v21 =	vadd.s32 s26, v0;
	v19 =	vld.idx.msk [tilespmem:v17+s5+$0x0], $0xffff;
	v29 =	vor.u32 v1, v14  }
0x2a: {  	s30 =	simm.s32 $0xE;
	v30 =	vadd.s32 s29, v0;
	v31 =	vadd.s32 s31, v0;
	v24 =	vand.u32 $0x3F, v21;
	s28 =	simm.s32 $0xC;
	v15 =	vld.idx.msk [tilespmem:v16+s5+$0x0], $0xffff  }
0x2b: {  	v20 =	vimm.f32 $+Inf;
	v14 =	vadd.s32 s30, v0;
	v16 =	vadd.s32 s28, v0;
	s28 =	simm.s32 $0x9;
	v17 =	vld.idx.msk [tilespmem:v18+s5+$0x0], $0xffff  }
0x2c: {  	v25 =	vadd.s32 s28, v0;
	v21 =	vand.u32 $0x3F, v16;
	v16 =	vand.u32 $0x3F, v30;
	v18 =	vld.idx.msk [tilespmem:v23+s5+$0x0], $0xffff  }
0x2d: {  	v23 =	vand.u32 $0x3F, v32;
	v30 =	vmin.f32 v20, v22;
	v22 =	vmax.f32 v28, v22;
	v20 =	vld.idx.msk [tilespmem:v26+s5+$0x0], $0xffff  }
0x2e: {  	s28 =	simm.s32 $0x10;
	v26 =	vand.u32 $0x3F, v31;
	v28 =	vmin.f32 v30, v27;
	v27 =	vmax.f32 v22, v27;
	v22 =	vld.idx.msk [tilespmem:v29+s5+$0x0], $0xffff  }
.LBB2_3:
0x2f: {  	p0 =	slt.u32 s28, $0x38;
	v24 =	vor.u32 v1, v24;
	v28 =	vmin.f32 v28, v15;
	v15 =	vmax.f32 v27, v15  }
0x30: {  	v25 =	vand.u32 $0x3F, v25;
	v27 =	vmin.f32 v28, v19;
	v15 =	vmax.f32 v15, v19  }
0x31: {  	v19 =	vor.u32 v1, v25;
	v25 =	vmin.f32 v27, v17;
	v15 =	vmax.f32 v15, v17  }
0x32: {  	v17 =	vor.u32 v1, v26;
	v25 =	vmin.f32 v25, v18;
	v15 =	vmax.f32 v15, v18  }
0x33: {  	v18 =	vor.u32 v1, v23;
	v23 =	vmin.f32 v25, v20;
	v15 =	vmax.f32 v15, v20  }
0x34: {  	s1 =	sadd.s32 $0x7, s26;
	s26 =	smov.u32 s28;
	v20 =	vor.u32 v1, v21;
	v26 =	vmin.f32 v23, v22;
	v22 =	vmax.f32 v15, v22  }
0x35: {  	v14 =	vand.u32 $0x3F, v14;
	v23 =	vor.u32 v1, v16;
	v15 =	vadd.s32 s1, v0;
	v27 =	vld.idx.msk [tilespmem:v24+s5+$0x0], $0xffff  }
0x36: {  	v28 =	vor.u32 v1, v14;
	v14 =	vand.u32 $0x3F, v15;
	v29 =	vld.idx.msk [tilespmem:v19+s5+$0x0], $0xffff  }
0x37: {  	s29 =	sadd.s32 $0x5, s28;
	s30 =	sadd.s32 $0x6, s28;
	v16 =	vadd.s32 s28, v0;
	s1 =	sadd.s32 $0x4, s28;
	v30 =	vor.u32 v1, v14;
	v15 =	vld.idx.msk [tilespmem:v17+s5+$0x0], $0xffff  }
.Ltmp0:
0x38: {  	s31 =	sadd.s32 $0x2, s28;
	s6 =	sadd.s32 $0x3, s28;
	v31 =	vadd.s32 s29, v0;
	v21 =	vadd.s32 s1, v0;
	v14 =	vadd.s32 s30, v0;
	v19 =	vld.idx.msk [tilespmem:v18+s5+$0x0], $0xffff;
	(pc) =	sbr.rel @p0 .LBB2_3-.Ltmp0, $4  }
0x39: {  	v32 =	vadd.s32 s31, v0;
	v33 =	vadd.s32 s6, v0;
	v24 =	vand.u32 $0x3F, v16;
	s1 =	sadd.s32 $0x1, s28;
	v17 =	vld.idx.msk [tilespmem:v20+s5+$0x0], $0xffff  }
0x3a: {  	v16 =	vand.u32 $0x3F, v31;
	v25 =	vadd.s32 s1, v0;
	v21 =	vand.u32 $0x3F, v21;
	v18 =	vld.idx.msk [tilespmem:v23+s5+$0x0], $0xffff  }
0x3b: {  	v23 =	vand.u32 $0x3F, v33;
	v31 =	vmin.f32 v26, v27;
	v22 =	vmax.f32 v22, v27;
	v20 =	vld.idx.msk [tilespmem:v28+s5+$0x0], $0xffff  }
0x3c: {  	s28 =	sadd.s32 $0x8, s28;
	v26 =	vand.u32 $0x3F, v32;
	v28 =	vmin.f32 v31, v29;
	v27 =	vmax.f32 v22, v29;
	v22 =	vld.idx.msk [tilespmem:v30+s5+$0x0], $0xffff  }
0x3d: {  	v24 =	vor.u32 v1, v24;
	v25 =	vand.u32 $0x3F, v25  }
0x3e: {  	v25 =	vor.u32 v1, v25  }
0x3f: {  	v28 =	vmin.f32 v28, v15;
	v26 =	vor.u32 v1, v26  }
0x40: {  	v15 =	vmax.f32 v27, v15;
	v23 =	vor.u32 v1, v23;
	v21 =	vor.u32 v1, v21  }
0x41: {  	s1 =	sadd.s32 $0x7, s26;
	v16 =	vor.u32 v1, v16;
	v14 =	vand.u32 $0x3F, v14;
	v27 =	vmin.f32 v28, v19  }
0x42: {  	v15 =	vmax.f32 v15, v19;
	v19 =	vmin.f32 v27, v17;
	v27 =	vadd.s32 s1, v0;
	v24 =	vld.idx.msk [tilespmem:v24+s5+$0x0], $0xffff  }
0x43: {  	v14 =	vor.u32 v1, v14;
	v15 =	vmax.f32 v15, v17;
	v17 =	vld.idx.msk [tilespmem:v25+s5+$0x0], $0xffff;
	v25 =	vand.u32 $0x3F, v27  }
0x44: {  	v19 =	vmin.f32 v19, v18;
	v15 =	vmax.f32 v15, v18;
	v18 =	vld.idx.msk [tilespmem:v26+s5+$0x0], $0xffff;
	v25 =	vor.u32 v1, v25  }
0x45: {  	v19 =	vmin.f32 v19, v20;
	v15 =	vmax.f32 v15, v20;
	v20 =	vld.idx.msk [tilespmem:v23+s5+$0x0], $0xffff  }
0x46: {  	v19 =	vmin.f32 v19, v22;
	v15 =	vmax.f32 v15, v22;
	v21 =	vld.idx.msk [tilespmem:v21+s5+$0x0], $0xffff  }
0x47: {  	v16 =	vld.idx.msk [tilespmem:v16+s5+$0x0], $0xffff;
	v19 =	vmin.f32 v19, v24;
	v15 =	vmax.f32 v15, v24  }
0x48: {  	v14 =	vld.idx.msk [tilespmem:v14+s5+$0x0], $0xffff;
	v19 =	vmin.f32 v19, v17;
	v15 =	vmax.f32 v15, v17  }
0x49: {  	v17 =	vld.idx.msk [tilespmem:v25+s5+$0x0], $0xffff;
	v19 =	vmin.f32 v19, v18;
	v15 =	vmax.f32 v15, v18  }
0x4a: {  	s11 =	simm.s32 $0x3;
	s21 =	simm.s32 $0x4;
	v18 =	vmin.f32 v19, v20;
	v15 =	vmax.f32 v15, v20  }
0x4b: {  	v19 =	vadd.s32 s11, v0;
	v20 =	vadd.s32 s21, v0;
	v18 =	vmin.f32 v18, v21  }
0x4c: {  	v15 =	vmax.f32 v15, v21;
	v19 =	vand.u32 $0x3F, v19;
	v18 =	vmin.f32 v18, v16  }
0x4d: {  	s31 =	simm.s32 $0x0;
	v15 =	vmax.f32 v15, v16;
	v19 =	vor.u32 v2, v19;
	v16 =	vmin.f32 v18, v14  }
0x4e: {  	s2 =	simm.s32 $0x1;
	v14 =	vmax.f32 v15, v14;
	v15 =	vmin.f32 v16, v17;
	v16 =	vadd.s32 s31, v0  }
0x4f: {  	s6 =	simm.s32 $0x2;
	v14 =	vmax.f32 v14, v17;
	v17 =	vadd.s32 s2, v0;
	v16 =	vand.u32 $0x3F, v16  }
0x50: {  	v18 =	vadd.s32 s6, v0;
	v17 =	vand.u32 $0x3F, v17;
	v16 =	vor.u32 v2, v16  }
0x51: {  	s26 =	sshll.u32 s24, $0x6;
	s30 =	simm.s32 $0x5;
	v18 =	vand.u32 $0x3F, v18;
	v14 =	vsub.f32 v14, v15;
	v17 =	vor.u32 v2, v17  }
0x52: {  	v20 =	vand.u32 $0x3F, v20;
	s31 =	simm.s32 $0x6;
	v18 =	vor.u32 v2, v18;
	[tilespmem:s26+$0x3200] =	vst v15;
	v15 =	vadd.s32 s30, v0  }
0x53: {  	v20 =	vor.u32 v2, v20;
	s2 =	simm.s32 $0x7;
	v15 =	vand.u32 $0x3F, v15;
	[tilespmem:$0x3100] =	vst v14;
	v14 =	vadd.s32 s31, v0  }
0x54: {  	v23 =	vor.u32 v2, v15;
	v15 =	vadd.s32 s2, v0;
	v14 =	vand.u32 $0x3F, v14;
	v19 =	vld.idx.msk [tilespmem:v19+s5+$0x0], $0xffff  }
0x55: {  	v29 =	vimm.f32 $-Inf;
	s11 =	simm.s32 $0xD;
	v28 =	vor.u32 v2, v14;
	v14 =	vand.u32 $0x3F, v15;
	v22 =	vld.idx.msk [tilespmem:v16+s5+$0x0], $0xffff  }
0x56: {  	v26 =	vimm.f32 $+Inf;
	s21 =	simm.s32 $0x9;
	v31 =	vadd.s32 s11, v0;
	s30 =	simm.s32 $0xA;
	s31 =	simm.s32 $0xB;
	v30 =	vor.u32 v2, v14;
	v27 =	vld.idx.msk [tilespmem:v17+s5+$0x0], $0xffff  }
0x57: {  	s28 =	simm.s32 $0x8;
	s29 =	simm.s32 $0xE;
	v25 =	vadd.s32 s21, v0;
	s6 =	simm.s32 $0xC;
	v32 =	vadd.s32 s30, v0;
	v33 =	vadd.s32 s31, v0;
	v15 =	vld.idx.msk [tilespmem:v18+s5+$0x0], $0xffff  }
0x58: {  	v18 =	vadd.s32 s6, v0;
	v14 =	vadd.s32 s29, v0;
	v16 =	vadd.s32 s28, v0;
	v17 =	vld.idx.msk [tilespmem:v20+s5+$0x0], $0xffff  }
0x59: {  	v21 =	vand.u32 $0x3F, v18;
	v24 =	vand.u32 $0x3F, v16;
	v16 =	vand.u32 $0x3F, v31;
	v18 =	vld.idx.msk [tilespmem:v23+s5+$0x0], $0xffff  }
0x5a: {  	v23 =	vand.u32 $0x3F, v33;
	v20 =	vld.idx.msk [tilespmem:v28+s5+$0x0], $0xffff;
	v31 =	vmin.f32 v26, v22;
	v22 =	vmax.f32 v29, v22  }
0x5b: {  	s29 =	simm.s32 $0x10;
	v26 =	vand.u32 $0x3F, v32;
	v28 =	vmin.f32 v31, v27;
	v27 =	vmax.f32 v22, v27;
	v22 =	vld.idx.msk [tilespmem:v30+s5+$0x0], $0xffff  }
.LBB2_5:
0x5c: {  	p0 =	slt.u32 s29, $0x38;
	v24 =	vor.u32 v2, v24;
	v28 =	vmin.f32 v28, v15;
	v15 =	vmax.f32 v27, v15  }
0x5d: {  	v25 =	vand.u32 $0x3F, v25;
	v27 =	vmin.f32 v28, v19;
	v15 =	vmax.f32 v15, v19  }
0x5e: {  	v19 =	vor.u32 v2, v25;
	v25 =	vmin.f32 v27, v17;
	v15 =	vmax.f32 v15, v17  }
0x5f: {  	v17 =	vor.u32 v2, v26;
	v25 =	vmin.f32 v25, v18;
	v15 =	vmax.f32 v15, v18  }
0x60: {  	v18 =	vor.u32 v2, v23;
	v23 =	vmin.f32 v25, v20;
	v15 =	vmax.f32 v15, v20  }
0x61: {  	s1 =	sadd.s32 $0x7, s28;
	s28 =	smov.u32 s29;
	v20 =	vor.u32 v2, v21;
	v26 =	vmin.f32 v23, v22;
	v22 =	vmax.f32 v15, v22  }
0x62: {  	v14 =	vand.u32 $0x3F, v14;
	v23 =	vor.u32 v2, v16;
	v15 =	vadd.s32 s1, v0;
	v27 =	vld.idx.msk [tilespmem:v24+s5+$0x0], $0xffff  }
0x63: {  	v28 =	vor.u32 v2, v14;
	v14 =	vand.u32 $0x3F, v15;
	v29 =	vld.idx.msk [tilespmem:v19+s5+$0x0], $0xffff  }
0x64: {  	s6 =	sadd.s32 $0x5, s29;
	s30 =	sadd.s32 $0x6, s29;
	v16 =	vadd.s32 s29, v0;
	s1 =	sadd.s32 $0x4, s29;
	v30 =	vor.u32 v2, v14;
	v15 =	vld.idx.msk [tilespmem:v17+s5+$0x0], $0xffff  }
.Ltmp1:
0x65: {  	s31 =	sadd.s32 $0x2, s29;
	s2 =	sadd.s32 $0x3, s29;
	v31 =	vadd.s32 s6, v0;
	v21 =	vadd.s32 s1, v0;
	v14 =	vadd.s32 s30, v0;
	v19 =	vld.idx.msk [tilespmem:v18+s5+$0x0], $0xffff;
	(pc) =	sbr.rel @p0 .LBB2_5-.Ltmp1, $4  }
0x66: {  	v32 =	vadd.s32 s31, v0;
	v33 =	vadd.s32 s2, v0;
	v24 =	vand.u32 $0x3F, v16;
	s1 =	sadd.s32 $0x1, s29;
	v17 =	vld.idx.msk [tilespmem:v20+s5+$0x0], $0xffff  }
0x67: {  	v16 =	vand.u32 $0x3F, v31;
	v25 =	vadd.s32 s1, v0;
	v21 =	vand.u32 $0x3F, v21;
	v18 =	vld.idx.msk [tilespmem:v23+s5+$0x0], $0xffff  }
0x68: {  	v23 =	vand.u32 $0x3F, v33;
	v31 =	vmin.f32 v26, v27;
	v22 =	vmax.f32 v22, v27;
	v20 =	vld.idx.msk [tilespmem:v28+s5+$0x0], $0xffff  }
0x69: {  	s29 =	sadd.s32 $0x8, s29;
	v26 =	vand.u32 $0x3F, v32;
	v28 =	vmin.f32 v31, v29;
	v27 =	vmax.f32 v22, v29;
	v22 =	vld.idx.msk [tilespmem:v30+s5+$0x0], $0xffff  }
0x6a: {  	v24 =	vor.u32 v2, v24;
	v25 =	vand.u32 $0x3F, v25  }
0x6b: {  	v25 =	vor.u32 v2, v25  }
0x6c: {  	v28 =	vmin.f32 v28, v15;
	v26 =	vor.u32 v2, v26  }
0x6d: {  	v15 =	vmax.f32 v27, v15;
	v23 =	vor.u32 v2, v23;
	v21 =	vor.u32 v2, v21  }
0x6e: {  	s1 =	sadd.s32 $0x7, s28;
	v16 =	vor.u32 v2, v16;
	v14 =	vand.u32 $0x3F, v14;
	v27 =	vmin.f32 v28, v19  }
0x6f: {  	v15 =	vmax.f32 v15, v19;
	v19 =	vmin.f32 v27, v17;
	v27 =	vadd.s32 s1, v0;
	v24 =	vld.idx.msk [tilespmem:v24+s5+$0x0], $0xffff  }
0x70: {  	v14 =	vor.u32 v2, v14;
	v15 =	vmax.f32 v15, v17;
	v17 =	vld.idx.msk [tilespmem:v25+s5+$0x0], $0xffff;
	v25 =	vand.u32 $0x3F, v27  }
0x71: {  	v19 =	vmin.f32 v19, v18;
	v15 =	vmax.f32 v15, v18;
	v18 =	vld.idx.msk [tilespmem:v26+s5+$0x0], $0xffff;
	v25 =	vor.u32 v2, v25  }
0x72: {  	v19 =	vmin.f32 v19, v20;
	v15 =	vmax.f32 v15, v20;
	v20 =	vld.idx.msk [tilespmem:v23+s5+$0x0], $0xffff  }
0x73: {  	v19 =	vmin.f32 v19, v22;
	v15 =	vmax.f32 v15, v22;
	v21 =	vld.idx.msk [tilespmem:v21+s5+$0x0], $0xffff  }
0x74: {  	v16 =	vld.idx.msk [tilespmem:v16+s5+$0x0], $0xffff;
	v19 =	vmin.f32 v19, v24;
	v15 =	vmax.f32 v15, v24  }
0x75: {  	v14 =	vld.idx.msk [tilespmem:v14+s5+$0x0], $0xffff;
	v19 =	vmin.f32 v19, v17;
	v15 =	vmax.f32 v15, v17  }
0x76: {  	v17 =	vld.idx.msk [tilespmem:v25+s5+$0x0], $0xffff;
	v19 =	vmin.f32 v19, v18;
	v15 =	vmax.f32 v15, v18  }
0x77: {  	s6 =	simm.s32 $0x3;
	s11 =	simm.s32 $0x4;
	v18 =	vmin.f32 v19, v20;
	v15 =	vmax.f32 v15, v20  }
0x78: {  	v19 =	vadd.s32 s6, v0;
	v20 =	vadd.s32 s11, v0;
	v18 =	vmin.f32 v18, v21  }
0x79: {  	v15 =	vmax.f32 v15, v21;
	v19 =	vand.u32 $0x3F, v19;
	v18 =	vmin.f32 v18, v16  }
0x7a: {  	s21 =	simm.s32 $0x0;
	v15 =	vmax.f32 v15, v16;
	v19 =	vor.u32 v3, v19;
	v16 =	vmin.f32 v18, v14  }
0x7b: {  	s31 =	simm.s32 $0x1;
	v14 =	vmax.f32 v15, v14;
	v15 =	vmin.f32 v16, v17;
	v16 =	vadd.s32 s21, v0  }
0x7c: {  	s2 =	simm.s32 $0x2;
	v14 =	vmax.f32 v14, v17;
	v17 =	vadd.s32 s31, v0;
	v16 =	vand.u32 $0x3F, v16  }
0x7d: {  	v18 =	vadd.s32 s2, v0;
	v17 =	vand.u32 $0x3F, v17;
	v16 =	vor.u32 v3, v16  }
0x7e: {  	v18 =	vand.u32 $0x3F, v18;
	s21 =	simm.s32 $0x5;
	v14 =	vsub.f32 v14, v15;
	v17 =	vor.u32 v3, v17  }
0x7f: {  	v20 =	vand.u32 $0x3F, v20;
	s31 =	simm.s32 $0x6;
	v18 =	vor.u32 v3, v18;
	[tilespmem:s26+$0x3210] =	vst v15;
	v15 =	vadd.s32 s21, v0  }
0x80: {  	s6 =	simm.s32 $0x7;
	v20 =	vor.u32 v3, v20;
	v15 =	vand.u32 $0x3F, v15;
	[tilespmem:$0x3110] =	vst v14;
	v14 =	vadd.s32 s31, v0  }
0x81: {  	v23 =	vor.u32 v3, v15;
	v15 =	vadd.s32 s6, v0;
	v14 =	vand.u32 $0x3F, v14;
	v19 =	vld.idx.msk [tilespmem:v19+s5+$0x0], $0xffff  }
0x82: {  	v29 =	vimm.f32 $-Inf;
	s29 =	simm.s32 $0xA;
	s30 =	simm.s32 $0xB;
	v28 =	vor.u32 v3, v14;
	v14 =	vand.u32 $0x3F, v15;
	v22 =	vld.idx.msk [tilespmem:v16+s5+$0x0], $0xffff  }
0x83: {  	v32 =	vadd.s32 s29, v0;
	v33 =	vadd.s32 s30, v0;
	s21 =	simm.s32 $0xD;
	s31 =	simm.s32 $0x9;
	v30 =	vor.u32 v3, v14;
	v27 =	vld.idx.msk [tilespmem:v17+s5+$0x0], $0xffff  }
0x84: {  	s28 =	simm.s32 $0x8;
	v26 =	vimm.f32 $+Inf;
	s11 =	simm.s32 $0xC;
	v31 =	vadd.s32 s21, v0;
	s6 =	simm.s32 $0xE;
	v25 =	vadd.s32 s31, v0;
	v15 =	vld.idx.msk [tilespmem:v18+s5+$0x0], $0xffff  }
0x85: {  	v18 =	vadd.s32 s11, v0;
	v14 =	vadd.s32 s6, v0;
	v16 =	vadd.s32 s28, v0;
	v17 =	vld.idx.msk [tilespmem:v20+s5+$0x0], $0xffff  }
0x86: {  	v21 =	vand.u32 $0x3F, v18;
	v24 =	vand.u32 $0x3F, v16;
	v16 =	vand.u32 $0x3F, v31;
	v18 =	vld.idx.msk [tilespmem:v23+s5+$0x0], $0xffff  }
0x87: {  	v23 =	vand.u32 $0x3F, v33;
	v20 =	vld.idx.msk [tilespmem:v28+s5+$0x0], $0xffff;
	v31 =	vmin.f32 v26, v22;
	v22 =	vmax.f32 v29, v22  }
0x88: {  	s29 =	sor.u32 $0x10, s26;
	s30 =	simm.s32 $0x10;
	v26 =	vand.u32 $0x3F, v32;
	v28 =	vmin.f32 v31, v27;
	v27 =	vmax.f32 v22, v27;
	v22 =	vld.idx.msk [tilespmem:v30+s5+$0x0], $0xffff  }
.LBB2_7:
0x89: {  	p0 =	slt.u32 s30, $0x38;
	v24 =	vor.u32 v3, v24;
	v28 =	vmin.f32 v28, v15;
	v15 =	vmax.f32 v27, v15  }
0x8a: {  	v25 =	vand.u32 $0x3F, v25;
	v27 =	vmin.f32 v28, v19;
	v15 =	vmax.f32 v15, v19  }
0x8b: {  	v19 =	vor.u32 v3, v25;
	v25 =	vmin.f32 v27, v17;
	v15 =	vmax.f32 v15, v17  }
0x8c: {  	v17 =	vor.u32 v3, v26;
	v25 =	vmin.f32 v25, v18;
	v15 =	vmax.f32 v15, v18  }
0x8d: {  	v18 =	vor.u32 v3, v23;
	v23 =	vmin.f32 v25, v20;
	v15 =	vmax.f32 v15, v20  }
0x8e: {  	s1 =	sadd.s32 $0x7, s28;
	s28 =	smov.u32 s30;
	v20 =	vor.u32 v3, v21;
	v26 =	vmin.f32 v23, v22;
	v22 =	vmax.f32 v15, v22  }
0x8f: {  	v14 =	vand.u32 $0x3F, v14;
	v23 =	vor.u32 v3, v16;
	v15 =	vadd.s32 s1, v0;
	v27 =	vld.idx.msk [tilespmem:v24+s5+$0x0], $0xffff  }
0x90: {  	v28 =	vor.u32 v3, v14;
	v14 =	vand.u32 $0x3F, v15;
	v29 =	vld.idx.msk [tilespmem:v19+s5+$0x0], $0xffff  }
0x91: {  	s2 =	sadd.s32 $0x5, s30;
	s6 =	sadd.s32 $0x6, s30;
	v16 =	vadd.s32 s30, v0;
	s1 =	sadd.s32 $0x4, s30;
	v30 =	vor.u32 v3, v14;
	v15 =	vld.idx.msk [tilespmem:v17+s5+$0x0], $0xffff  }
.Ltmp2:
0x92: {  	s31 =	sadd.s32 $0x2, s30;
	s11 =	sadd.s32 $0x3, s30;
	v31 =	vadd.s32 s2, v0;
	v21 =	vadd.s32 s1, v0;
	v14 =	vadd.s32 s6, v0;
	v19 =	vld.idx.msk [tilespmem:v18+s5+$0x0], $0xffff;
	(pc) =	sbr.rel @p0 .LBB2_7-.Ltmp2, $4  }
0x93: {  	v32 =	vadd.s32 s31, v0;
	v33 =	vadd.s32 s11, v0;
	v24 =	vand.u32 $0x3F, v16;
	s1 =	sadd.s32 $0x1, s30;
	v17 =	vld.idx.msk [tilespmem:v20+s5+$0x0], $0xffff  }
0x94: {  	v16 =	vand.u32 $0x3F, v31;
	v25 =	vadd.s32 s1, v0;
	v21 =	vand.u32 $0x3F, v21;
	v18 =	vld.idx.msk [tilespmem:v23+s5+$0x0], $0xffff  }
0x95: {  	v23 =	vand.u32 $0x3F, v33;
	v31 =	vmin.f32 v26, v27;
	v22 =	vmax.f32 v22, v27;
	v20 =	vld.idx.msk [tilespmem:v28+s5+$0x0], $0xffff  }
0x96: {  	s30 =	sadd.s32 $0x8, s30;
	v26 =	vand.u32 $0x3F, v32;
	v28 =	vmin.f32 v31, v29;
	v27 =	vmax.f32 v22, v29;
	v22 =	vld.idx.msk [tilespmem:v30+s5+$0x0], $0xffff  }
0x97: {  	v24 =	vor.u32 v3, v24;
	v25 =	vand.u32 $0x3F, v25  }
0x98: {  	v25 =	vor.u32 v3, v25  }
0x99: {  	v28 =	vmin.f32 v28, v15;
	v26 =	vor.u32 v3, v26  }
0x9a: {  	v15 =	vmax.f32 v27, v15;
	v23 =	vor.u32 v3, v23;
	v21 =	vor.u32 v3, v21  }
0x9b: {  	s1 =	sadd.s32 $0x7, s28;
	v16 =	vor.u32 v3, v16;
	v14 =	vand.u32 $0x3F, v14;
	v27 =	vmin.f32 v28, v19  }
0x9c: {  	v15 =	vmax.f32 v15, v19;
	v19 =	vmin.f32 v27, v17;
	v27 =	vadd.s32 s1, v0;
	v24 =	vld.idx.msk [tilespmem:v24+s5+$0x0], $0xffff  }
0x9d: {  	v14 =	vor.u32 v3, v14;
	v15 =	vmax.f32 v15, v17;
	v17 =	vld.idx.msk [tilespmem:v25+s5+$0x0], $0xffff;
	v25 =	vand.u32 $0x3F, v27  }
0x9e: {  	v19 =	vmin.f32 v19, v18;
	v15 =	vmax.f32 v15, v18;
	v18 =	vld.idx.msk [tilespmem:v26+s5+$0x0], $0xffff;
	v25 =	vor.u32 v3, v25  }
0x9f: {  	v19 =	vmin.f32 v19, v20;
	v15 =	vmax.f32 v15, v20;
	v20 =	vld.idx.msk [tilespmem:v23+s5+$0x0], $0xffff  }
0xa0: {  	v19 =	vmin.f32 v19, v22;
	v21 =	vld.idx.msk [tilespmem:v21+s5+$0x0], $0xffff  }
0xa1: {  	v15 =	vmax.f32 v15, v22;
	v16 =	vld.idx.msk [tilespmem:v16+s5+$0x0], $0xffff;
	v19 =	vmin.f32 v19, v24  }
0xa2: {  	v14 =	vld.idx.msk [tilespmem:v14+s5+$0x0], $0xffff;
	v15 =	vmax.f32 v15, v24;
	v19 =	vmin.f32 v19, v17  }
0xa3: {  	v15 =	vmax.f32 v15, v17;
	v17 =	vld.idx.msk [tilespmem:v25+s5+$0x0], $0xffff;
	v19 =	vmin.f32 v19, v18  }
0xa4: {  	v15 =	vmax.f32 v15, v18;
	v18 =	vmin.f32 v19, v20  }
0xa5: {  	v15 =	vmax.f32 v15, v20;
	v18 =	vmin.f32 v18, v21  }
0xa6: {  	s11 =	simm.s32 $0x3;
	v15 =	vmax.f32 v15, v21;
	v18 =	vmin.f32 v18, v16  }
0xa7: {  	s2 =	simm.s32 $0x0;
	v19 =	vadd.s32 s11, v0;
	v15 =	vmax.f32 v15, v16;
	v16 =	vmin.f32 v18, v14  }
0xa8: {  	s6 =	simm.s32 $0x1;
	v14 =	vmax.f32 v15, v14;
	v15 =	vmin.f32 v16, v17;
	v16 =	vadd.s32 s2, v0  }
0xa9: {  	s21 =	simm.s32 $0x4;
	v14 =	vmax.f32 v14, v17;
	v17 =	vadd.s32 s6, v0;
	v16 =	vand.u32 $0x3F, v16  }
0xaa: {  	v20 =	vadd.s32 s21, v0;
	s2 =	simm.s32 $0x2;
	v17 =	vand.u32 $0x3F, v17;
	v16 =	vor.u32 v4, v16  }
0xab: {  	v19 =	vand.u32 $0x3F, v19;
	v18 =	vadd.s32 s2, v0;
	v17 =	vor.u32 v4, v17  }
0xac: {  	v19 =	vor.u32 v4, v19;
	s6 =	simm.s32 $0x5;
	v14 =	vsub.f32 v14, v15;
	v18 =	vand.u32 $0x3F, v18  }
0xad: {  	s11 =	simm.s32 $0x6;
	v20 =	vand.u32 $0x3F, v20;
	[tilespmem:s26+$0x3220] =	vst v15;
	v15 =	vadd.s32 s6, v0;
	v18 =	vor.u32 v4, v18  }
0xae: {  	s21 =	simm.s32 $0x7;
	v20 =	vor.u32 v4, v20;
	v15 =	vand.u32 $0x3F, v15;
	[tilespmem:$0x3120] =	vst v14;
	v14 =	vadd.s32 s11, v0  }
0xaf: {  	v23 =	vor.u32 v4, v15;
	v15 =	vadd.s32 s21, v0;
	v14 =	vand.u32 $0x3F, v14;
	v26 =	vld.idx.msk [tilespmem:v16+s5+$0x0], $0xffff  }
0xb0: {  	v30 =	vimm.f32 $-Inf;
	s21 =	simm.s32 $0xD;
	v15 =	vand.u32 $0x3F, v15;
	v28 =	vor.u32 v4, v14;
	v29 =	vld.idx.msk [tilespmem:v17+s5+$0x0], $0xffff  }
0xb1: {  	s30 =	simm.s32 $0x8;
	v27 =	vimm.f32 $+Inf;
	s6 =	simm.s32 $0xE;
	s11 =	simm.s32 $0xA;
	v21 =	vadd.s32 s21, v0;
	v31 =	vor.u32 v4, v15;
	v16 =	vld.idx.msk [tilespmem:v19+s5+$0x0], $0xffff  }
0xb2: {  	s2 =	simm.s32 $0xC;
	s21 =	simm.s32 $0x9;
	v32 =	vadd.s32 s11, v0;
	v15 =	vadd.s32 s6, v0;
	v17 =	vadd.s32 s30, v0;
	v14 =	vld.idx.msk [tilespmem:v18+s5+$0x0], $0xffff  }
0xb3: {  	s28 =	simm.s32 $0xB;
	v25 =	vadd.s32 s21, v0;
	v18 =	vadd.s32 s2, v0;
	v24 =	vand.u32 $0x3F, v17;
	v17 =	vld.idx.msk [tilespmem:v20+s5+$0x0], $0xffff  }
0xb4: {  	v21 =	vand.u32 $0x3F, v21;
	v19 =	vadd.s32 s28, v0;
	v22 =	vand.u32 $0x3F, v18;
	v18 =	vld.idx.msk [tilespmem:v23+s5+$0x0], $0xffff  }
0xb5: {  	v23 =	vand.u32 $0x3F, v19;
	v19 =	vld.idx.msk [tilespmem:v28+s5+$0x0], $0xffff;
	v20 =	vmin.f32 v27, v26;
	v26 =	vmax.f32 v30, v26  }
0xb6: {  	s31 =	simm.s32 $0x10;
	s28 =	sor.u32 $0x20, s26;
	v27 =	vand.u32 $0x3F, v32;
	v28 =	vmin.f32 v20, v29;
	v26 =	vmax.f32 v26, v29;
	v20 =	vld.idx.msk [tilespmem:v31+s5+$0x0], $0xffff  }
.LBB2_9:
0xb7: {  	p0 =	slt.u32 s31, $0x38;
	v24 =	vor.u32 v4, v24;
	v28 =	vmin.f32 v28, v14;
	v14 =	vmax.f32 v26, v14  }
0xb8: {  	v25 =	vand.u32 $0x3F, v25;
	v26 =	vmin.f32 v28, v16;
	v14 =	vmax.f32 v14, v16  }
0xb9: {  	v16 =	vor.u32 v4, v25;
	v25 =	vmin.f32 v26, v17;
	v14 =	vmax.f32 v14, v17  }
0xba: {  	v17 =	vor.u32 v4, v27;
	v25 =	vmin.f32 v25, v18;
	v14 =	vmax.f32 v14, v18  }
0xbb: {  	v18 =	vor.u32 v4, v23;
	v23 =	vmin.f32 v25, v19;
	v14 =	vmax.f32 v14, v19  }
0xbc: {  	s1 =	sadd.s32 $0x7, s30;
	s30 =	smov.u32 s31;
	v19 =	vor.u32 v4, v22;
	v26 =	vmin.f32 v23, v20;
	v20 =	vmax.f32 v14, v20  }
0xbd: {  	v23 =	vor.u32 v4, v21;
	v14 =	vand.u32 $0x3F, v15;
	v15 =	vadd.s32 s1, v0;
	v27 =	vld.idx.msk [tilespmem:v24+s5+$0x0], $0xffff  }
0xbe: {  	v28 =	vor.u32 v4, v14;
	v15 =	vand.u32 $0x3F, v15;
	v29 =	vld.idx.msk [tilespmem:v16+s5+$0x0], $0xffff  }
0xbf: {  	s2 =	sadd.s32 $0x5, s31;
	s6 =	sadd.s32 $0x6, s31;
	v21 =	vadd.s32 s31, v0;
	s1 =	sadd.s32 $0x4, s31;
	v30 =	vor.u32 v4, v15;
	v14 =	vld.idx.msk [tilespmem:v17+s5+$0x0], $0xffff  }
.Ltmp3:
0xc0: {  	s11 =	sadd.s32 $0x2, s31;
	s21 =	sadd.s32 $0x3, s31;
	v31 =	vadd.s32 s2, v0;
	v22 =	vadd.s32 s1, v0;
	v15 =	vadd.s32 s6, v0;
	v16 =	vld.idx.msk [tilespmem:v18+s5+$0x0], $0xffff;
	(pc) =	sbr.rel @p0 .LBB2_9-.Ltmp3, $4  }
0xc1: {  	v32 =	vadd.s32 s11, v0;
	v33 =	vadd.s32 s21, v0;
	v24 =	vand.u32 $0x3F, v21;
	s1 =	sadd.s32 $0x1, s31;
	v17 =	vld.idx.msk [tilespmem:v19+s5+$0x0], $0xffff  }
0xc2: {  	v21 =	vand.u32 $0x3F, v31;
	v25 =	vadd.s32 s1, v0;
	v22 =	vand.u32 $0x3F, v22;
	v18 =	vld.idx.msk [tilespmem:v23+s5+$0x0], $0xffff  }
0xc3: {  	v23 =	vand.u32 $0x3F, v33;
	v26 =	vmin.f32 v26, v27;
	v20 =	vmax.f32 v20, v27;
	v19 =	vld.idx.msk [tilespmem:v28+s5+$0x0], $0xffff  }
0xc4: {  	s31 =	sadd.s32 $0x8, s31;
	v27 =	vand.u32 $0x3F, v32;
	v28 =	vmin.f32 v26, v29;
	v26 =	vmax.f32 v20, v29;
	v20 =	vld.idx.msk [tilespmem:v30+s5+$0x0], $0xffff  }
0xc5: {  	v24 =	vor.u32 v4, v24;
	v25 =	vand.u32 $0x3F, v25  }
0xc6: {  	v25 =	vor.u32 v4, v25  }
0xc7: {  	v27 =	vor.u32 v4, v27  }
0xc8: {  	v23 =	vor.u32 v4, v23  }
0xc9: {  	v28 =	vmin.f32 v28, v14;
	v22 =	vor.u32 v4, v22;
	s1 =	sadd.s32 $0x7, s30;
	v21 =	vor.u32 v4, v21  }
0xca: {  	v15 =	vand.u32 $0x3F, v15;
	v28 =	vmin.f32 v28, v16;
	v29 =	vadd.s32 s1, v0;
	v24 =	vld.idx.msk [tilespmem:v24+s5+$0x0], $0xffff  }
0xcb: {  	v15 =	vor.u32 v4, v15;
	v28 =	vmin.f32 v28, v17;
	v29 =	vand.u32 $0x3F, v29;
	v25 =	vld.idx.msk [tilespmem:v25+s5+$0x0], $0xffff  }
0xcc: {  	v28 =	vmin.f32 v28, v18;
	v29 =	vor.u32 v4, v29;
	v27 =	vld.idx.msk [tilespmem:v27+s5+$0x0], $0xffff  }
0xcd: {  	v28 =	vmin.f32 v28, v19;
	v23 =	vld.idx.msk [tilespmem:v23+s5+$0x0], $0xffff  }
0xce: {  	v28 =	vmin.f32 v28, v20;
	v22 =	vld.idx.msk [tilespmem:v22+s5+$0x0], $0xffff  }
0xcf: {  	v14 =	vmax.f32 v26, v14;
	v21 =	vld.idx.msk [tilespmem:v21+s5+$0x0], $0xffff;
	v26 =	vmin.f32 v28, v24  }
0xd0: {  	v14 =	vmax.f32 v14, v16;
	v15 =	vld.idx.msk [tilespmem:v15+s5+$0x0], $0xffff;
	v16 =	vmin.f32 v26, v25  }
0xd1: {  	v14 =	vmax.f32 v14, v17;
	v17 =	vld.idx.msk [tilespmem:v29+s5+$0x0], $0xffff;
	v16 =	vmin.f32 v16, v27  }
0xd2: {  	v14 =	vmax.f32 v14, v18;
	v16 =	vmin.f32 v16, v23  }
0xd3: {  	v14 =	vmax.f32 v14, v19;
	v16 =	vmin.f32 v16, v22  }
0xd4: {  	v14 =	vmax.f32 v14, v20;
	v16 =	vmin.f32 v16, v21  }
0xd5: {  	v14 =	vmax.f32 v14, v24;
	v16 =	vmin.f32 v16, v15  }
0xd6: {  	v14 =	vmax.f32 v14, v25;
	v16 =	vmin.f32 v16, v17  }
0xd7: {  	v14 =	vmax.f32 v14, v27;
	[tilespmem:s26+$0x3230] =	vst v16  }
0xd8: {  	v14 =	vmax.f32 v14, v23;
	v18 =	vld [tilespmem:$0x3100]  }
0xd9: {  	v14 =	vmax.f32 v14, v22;
	v19 =	vld [tilespmem:$0x3110]  }
0xda: {  	v14 =	vmax.f32 v14, v21;
	v20 =	vld [tilespmem:$0x3120]  }
0xdb: {  	v14 =	vmax.f32 v14, v15  }
0xdc: {  	v14 =	vmax.f32 v14, v17  }
0xdd: {  	v14 =	vsub.f32 v14, v16;
	_ =	sdelay $0x1  }
0xde: {  	v15 =	vmin.f32 v18, v19;
	v16 =	vmin.f32 v20, v14  }
0xdf: {  	v17 =	vmax.f32 v20, v14;
	v15 =	vmin.f32 v15, v16;
	v16 =	vmax.f32 v18, v19  }
0xe0: {  	(xrf0) =	vmin.scan.msk.f32 $0xffff, v15;
	v15 =	vmax.f32 v16, v17  }
0xe1: {  	(xrf0) =	vmax.scan.msk.f32 $0xffff, v15;
	_ =	sdelay $0x4  }
0xe2: {  	v15, _, _ =	vpop (xrf0)  }
0xe3: {  	(v2sf) =	vpush v15, $0xF;
	v16, _, _ =	vpop (xrf0)  }
0xe4: {  	(v2sf) =	vpush v16, $0xF;
	_ =	sdelay $0xd  }
0xe5: {  	s6 =	spop (v2sf)  }
0xe6: {  	s2 =	spop (v2sf)  }
0xe7: {  	s1 =	ssub.f32 s2, s6;
	_ =	sdelay $0x1  }
0xe8: {  	s2 =	sadd.f32 $9.999999930e-09, s1;
	_ =	sdelay $0x1  }
0xe9: {  	v17 =	vmov s2  }
0xea: {  	(erf) = vrcp.f32 v17;
	_ =	sdelay $0x5  }
0xeb: {  	v15 =	vbroadcast v15, $0xF;
	_ =	sdelay $0x1  }
0xec: {  	v17 =	vsub.f32 v18, v15  }
0xed: {  	v18 =	vpop (erf)  }
0xee: {  	v17 =	vmul.f32 v18, v17;
	_ =	sdelay $0x1  }
0xef: {  	v17 =	vmul.f32 $2.550000000e+02, v17;
	_ =	sdelay $0x1  }
0xf0: {  	v17 =	vadd.f32 $5.000000000e-01, v17;
	_ =	sdelay $0x1  }
0xf1: {  	v17 =	vtrunc.f32 v17  }
0xf2: {  	v17 =	vcvt.f32.s32 v17  }
0xf3: {  	[tilespmem:$0x3130] =	vst v14  }
0xf4: {  	[tilespmem:s26+$0x3600] =	vst v17  }
0xf5: {  	v14 =	vld [tilespmem:$0x3110];
	_ =	sdelay $0x4  }
0xf6: {  	v14 =	vsub.f32 v14, v15;
	_ =	sdelay $0x1  }
0xf7: {  	v17 =	vcvt.s32.f32 v17;
	v14 =	vmul.f32 v18, v14;
	_ =	sdelay $0x1  }
0xf8: {  	v17 =	vmul.f32 v17, v10;
	v14 =	vmul.f32 $2.550000000e+02, v14;
	_ =	sdelay $0x1  }
0xf9: {  	v17 =	vmul.f32 s1, v17;
	v14 =	vadd.f32 $5.000000000e-01, v14;
	_ =	sdelay $0x1  }
0xfa: {  	v17 =	vadd.f32 v17, v15;
	v14 =	vtrunc.f32 v14  }
0xfb: {  	v14 =	vcvt.f32.s32 v14  }
0xfc: {  	[tilespmem:$0x3180] =	vst v17  }
0xfd: {  	[tilespmem:s29+$0x3600] =	vst v14  }
0xfe: {  	v17 =	vld [tilespmem:$0x3120];
	_ =	sdelay $0x4  }
0xff: {  	v17 =	vsub.f32 v17, v15;
	_ =	sdelay $0x1  }
0x100: {  	v14 =	vcvt.s32.f32 v14;
	v17 =	vmul.f32 v18, v17;
	_ =	sdelay $0x1  }
0x101: {  	v14 =	vmul.f32 v14, v10;
	v17 =	vmul.f32 $2.550000000e+02, v17;
	_ =	sdelay $0x1  }
0x102: {  	v14 =	vmul.f32 s1, v14;
	v17 =	vadd.f32 $5.000000000e-01, v17;
	_ =	sdelay $0x1  }
0x103: {  	v14 =	vadd.f32 v14, v15;
	v17 =	vtrunc.f32 v17  }
0x104: {  	v17 =	vcvt.f32.s32 v17  }
0x105: {  	[tilespmem:$0x3190] =	vst v14  }
0x106: {  	[tilespmem:s28+$0x3600] =	vst v17  }
0x107: {  	v14 =	vld [tilespmem:$0x3130];
	_ =	sdelay $0x4  }
0x108: {  	v14 =	vsub.f32 v14, v15;
	_ =	sdelay $0x1  }
0x109: {  	v14 =	vmul.f32 v18, v14;
	_ =	sdelay $0x1  }
0x10a: {  	v14 =	vmul.f32 $2.550000000e+02, v14;
	_ =	sdelay $0x1  }
0x10b: {  	v14 =	vadd.f32 $5.000000000e-01, v14;
	_ =	sdelay $0x1  }
0x10c: {  	v14 =	vtrunc.f32 v14  }
0x10d: {  	v17 =	vcvt.s32.f32 v17;
	v14 =	vcvt.f32.s32 v14;
	_ =	sdelay $0x1  }
0x10e: {  	v17 =	vmul.f32 v17, v10;
	v18 =	vcvt.s32.f32 v14;
	_ =	sdelay $0x1  }
0x10f: {  	v19 =	vmov s24;
	v17 =	vmul.f32 s1, v17;
	v18 =	vmul.f32 v18, v10  }
0x110: {  	vm0 =	veq.s32 v19, v0  }
0x111: {  	v17 =	vadd.f32 v17, v15;
	v18 =	vmul.f32 s1, v18;
	_ =	sdelay $0x1  }
0x112: {  	[tilespmem:$0x31A0] =	vst v17;
	v17 =	vadd.f32 v18, v15  }
0x113: {  	[tilespmem:s26+$0x3630] =	vst v14  }
0x114: {  	v14 =	vbroadcast v16, $0xF;
	[tilespmem:$0x31B0] =	vst v17  }
0x115: {  	[tilespmem:v0+s13+$0x0] =	vst.idx.msk vm0, v15  }
0x116: {  	[tilespmem:v0+s14+$0x0] =	vst.idx.msk vm0, v14  }
0x117: {  	v14 =	vld [tilespmem:$0x3100];
	_ =	sdelay $0x4  }
0x118: {  	v14 =	vadd.f32 $9.999999930e-09, v14;
	_ =	sdelay $0x1  }
0x119: {  	(erf) = vrcp.f32 v14;
	_ =	sdelay $0x1  }
0x11a: {  	s11 =	simm.s32 $0x5  }
0x11b: {  	v14 =	vadd.s32 s11, v0  }
0x11c: {  	v15 =	vand.u32 $0x3F, v14  }
0x11d: {  	v14 =	vld [tilespmem:s26+$0x3200];
	v29 =	vor.u32 v1, v15  }
0x11e: {  	s21 =	simm.s32 $0x7  }
0x11f: {  	v15 =	vadd.s32 s21, v0  }
0x120: {  	s31 =	simm.s32 $0x1;
	v15 =	vand.u32 $0x3F, v15  }
0x121: {  	v16 =	vadd.s32 s31, v0;
	v15 =	vor.u32 v1, v15;
	v17 =	vpop (erf)  }
0x122: {  	s2 =	simm.s32 $0x6;
	v16 =	vand.u32 $0x3F, v16;
	v18 =	vsub.f32 $0.0e+00, v14;
	v20 =	vld.idx.msk [tilespmem:v29+s5+$0x0], $0xffff;
	v21 =	vadd.f32 v17, v17  }
0x123: {  	s6 =	simm.s32 $0x4;
	v17 =	vor.u32 v1, v16;
	v16 =	vadd.s32 s2, v0  }
0x124: {  	s11 =	simm.s32 $0x3;
	v16 =	vand.u32 $0x3F, v16;
	v22 =	vmul.f32 v21, v18;
	v18 =	vadd.s32 s6, v0  }
0x125: {  	v19 =	vadd.s32 s11, v0;
	v23 =	vand.u32 $0x3F, v18;
	v18 =	vor.u32 v1, v16  }
0x126: {  	v16 =	vand.u32 $0x3F, v19;
	v19 =	vor.u32 v1, v23;
	v23 =	vld.idx.msk [tilespmem:v15+s5+$0x0], $0xffff  }
0x127: {  	v20 =	vmul.f32 v20, v21;
	v22 =	vadd.f32 $-1.000000000e+00, v22;
	v16 =	vor.u32 v1, v16  }
0x128: {  	v24 =	vld.idx.msk [tilespmem:v17+s5+$0x0], $0xffff  }
0x129: {  	s21 =	simm.s32 $0x2;
	v25 =	vadd.f32 v20, v22  }
0x12a: {  	v20 =	vadd.s32 s21, v0;
	v26 =	vld.idx.msk [tilespmem:v18+s5+$0x0], $0xffff  }
0x12b: {  	v20 =	vand.u32 $0x3F, v20;
	vm0 =	vgt.f32 v25, $0.0e+00;
	v23 =	vmul.f32 v23, v21;
	v27 =	vld.idx.msk [tilespmem:v19+s5+$0x0], $0xffff  }
0x12c: {  	v20 =	vor.u32 v1, v20;
	v28 =	vld.idx.msk [tilespmem:v16+s5+$0x0], $0xffff;
	v30 =	vsel vm0, $0x3EBA4C1A, v5  }
0x12d: {  	v24 =	vmul.f32 v24, v21;
	vm1 =	vgt.f32 v25, v30;
	v34 =	vadd.f32 v23, v22  }
0x12e: {  	v51 =	vsel vm0, $0x8, v13;
	v23 =	vsel vm1, $0x3F1FF8BA, v6;
	v30 =	vsel vm1, $0x4, v13  }
0x12f: {  	v31 =	vadd.f32 v24, v22;
	v24 =	vsel vm1, $0xBE2FC35C, v7;
	vm4 =	vgt.f32 v34, $0.0e+00  }
0x130: {  	v26 =	vmul.f32 v26, v21;
	v23 =	vsel vm0, v23, v24;
	v27 =	vmul.f32 v27, v21  }
0x131: {  	vm2 =	vgt.f32 v25, v23;
	v23 =	vmul.f32 v28, v21;
	v24 =	vsel vm4, $0x3EBA4C1A, v5  }
0x132: {  	vm6 =	vgt.f32 v31, $0.0e+00;
	v28 =	vsel vm2, $0xBDAD80BC, v9;
	vm7 =	vgt.f32 v34, v24  }
0x133: {  	v32 =	vsel vm2, $0xBEF582DC, v8;
	v33 =	vsel vm2, $0x3F5A919E, v12;
	v50 =	vsel vm2, $0x2, v13  }
0x134: {  	v26 =	vadd.f32 v26, v22;
	v45 =	vsel vm6, $0x8, v13;
	v24 =	vadd.f32 v23, v22  }
0x135: {  	v23 =	vsel vm2, $0x3E86DFB8, v11;
	v28 =	vsel vm1, v28, v32;
	v36 =	vadd.f32 v27, v22  }
0x136: {  	v27 =	vor.u32 v51, v30;
	v41 =	vsel vm7, $0x4, v13;
	v23 =	vsel vm1, v33, v23  }
0x137: {  	s31 =	simm.s32 $0x0;
	vm3 =	vgt.f32 v26, $0.0e+00;
	v23 =	vsel vm0, v23, v28;
	vm5 =	vgt.f32 v36, $0.0e+00  }
0x138: {  	v28 =	vadd.s32 s31, v0;
	v46 =	vsel vm3, $0x8, v13;
	v51 =	vsel vm3, $0x3EBA4C1A, v5  }
0x139: {  	vm0 =	vgt.f32 v25, v23;
	v23 =	vsel vm7, $0xBE2FC35C, v7;
	v25 =	vor.u32 v50, v27  }
0x13a: {  	v28 =	vand.u32 $0x3F, v28;
	v58 =	vsel vm5, $0x8, v13;
	v27 =	vsel vm0, $0x1, v13  }
0x13b: {  	vm0 =	vgt.f32 v24, $0.0e+00;
	v35 =	vor.u32 v27, v25;
	v27 =	vsel vm5, $0x3EBA4C1A, v5  }
0x13c: {  	v25 =	vsel vm0, $0x3EBA4C1A, v5;
	vm9 =	vgt.f32 v36, v27;
	v27 =	vsel vm7, $0x3F1FF8BA, v6  }
0x13d: {  	vm1 =	vgt.f32 v24, v25;
	v25 =	vor.u32 v1, v28;
	v30 =	vsel vm9, $0x3F1FF8BA, v6  }
0x13e: {  	v52 =	vsel vm1, $0x3F1FF8BA, v6;
	v53 =	vsel vm9, $0xBE2FC35C, v7;
	v28 =	vsel vm1, $0xBE2FC35C, v7  }
0x13f: {  	v27 =	vsel vm4, v27, v23;
	v28 =	vsel vm0, v52, v28;
	v30 =	vsel vm5, v30, v53  }
0x140: {  	vm2 =	vgt.f32 v34, v27;
	v27 =	vsel vm6, $0x3EBA4C1A, v5;
	vm8 =	vgt.f32 v24, v28  }
0x141: {  	vm10 =	vgt.f32 v36, v30;
	v28 =	vsel vm2, $0xBEF582DC, v8;
	vm11 =	vgt.f32 v31, v27  }
0x142: {  	v49 =	vsel vm2, $0xBDAD80BC, v9;
	v30 =	vsel vm8, $0xBEF582DC, v8;
	v55 =	vsel vm10, $0xBEF582DC, v8  }
0x143: {  	v27 =	vsel vm8, $0xBDAD80BC, v9;
	v37 =	vsel vm10, $0xBDAD80BC, v9;
	v39 =	vsel vm11, $0x3F1FF8BA, v6  }
0x144: {  	v40 =	vsel vm10, $0x3E86DFB8, v11;
	v56 =	vsel vm10, $0x2, v13;
	v60 =	vsel vm10, $0x3F5A919E, v12  }
0x145: {  	v23 =	vld [tilespmem:$0x3180];
	v52 =	vsel vm7, v49, v28;
	v27 =	vsel vm1, v27, v30;
	v30 =	vsel vm11, $0xBE2FC35C, v7  }
0x146: {  	v54 =	vld.idx.msk [tilespmem:v35+s12+$0x0], $0xffff;
	v33 =	vsel vm9, v37, v55;
	v40 =	vsel vm9, v60, v40;
	v30 =	vsel vm6, v39, v30  }
0x147: {  	v60 =	vsel vm2, $0x3F5A919E, v12;
	v33 =	vsel vm5, v40, v33;
	vm12 =	vgt.f32 v31, v30  }
0x148: {  	v38 =	vld.idx.msk [tilespmem:v25+s5+$0x0], $0xffff;
	v30 =	vsel vm9, $0x4, v13;
	vm5 =	vgt.f32 v36, v33;
	v57 =	vsel vm12, $0x3E86DFB8, v11  }
0x149: {  	v42 =	vsel vm12, $0x3F5A919E, v12;
	v43 =	vsel vm12, $0xBDAD80BC, v9;
	v44 =	vsel vm12, $0xBEF582DC, v8  }
0x14a: {  	v61 =	vld.idx.msk [tilespmem:v20+s5+$0x0], $0xffff;
	v59 =	vsel vm12, $0x2, v13;
	v36 =	vsel vm5, $0x1, v13;
	vm5 =	vgt.f32 v26, v51  }
0x14b: {  	v37 =	vmul.f32 v54, v23;
	v39 =	vsel vm11, v42, v57;
	v42 =	vor.u32 v58, v30  }
0x14c: {  	v30 =	vsel vm11, $0x4, v13;
	v43 =	vsel vm11, v43, v44;
	v28 =	vsel vm5, $0x3F1FF8BA, v6  }
0x14d: {  	v54 =	vsel vm5, $0xBE2FC35C, v7;
	v38 =	vmul.f32 v38, v21;
	v30 =	vor.u32 v45, v30  }
0x14e: {  	v63 =	vor.u32 v56, v42;
	v50 =	vsel vm6, v39, v43;
	v28 =	vsel vm3, v28, v54  }
0x14f: {  	vm6 =	vgt.f32 v31, v50;
	v31 =	vmul.f32 v61, v21;
	v38 =	vadd.f32 v38, v22  }
0x150: {  	v30 =	vor.u32 v59, v30;
	v32 =	vsel vm6, $0x1, v13;
	vm6 =	vgt.f32 v26, v28  }
0x151: {  	v28 =	vsel vm5, $0x4, v13;
	v43 =	vadd.f32 v31, v22;
	vm14 =	vgt.f32 v38, $0.0e+00  }
0x152: {  	v31 =	vor.u32 v46, v28;
	v28 =	vsel vm6, $0x3F5A919E, v12;
	v62 =	vsel vm14, $0x3EBA4C1A, v5  }
0x153: {  	v59 =	vsel vm6, $0x3E86DFB8, v11;
	vm11 =	vgt.f32 v43, $0.0e+00;
	vm15 =	vgt.f32 v38, v62  }
0x154: {  	v48 =	vsel vm14, $0x8, v13;
	v47 =	vsel vm11, $0x3EBA4C1A, v5;
	v53 =	vsel vm15, $0x3F1FF8BA, v6  }
0x155: {  	v55 =	vsel vm15, $0xBE2FC35C, v7;
	v45 =	vsel vm15, $0x4, v13;
	vm10 =	vgt.f32 v43, v47  }
0x156: {  	v33 =	vsel vm14, v53, v55;
	v42 =	vor.u32 v48, v45;
	v61 =	vsel vm10, $0x3F1FF8BA, v6  }
0x157: {  	v62 =	vsel vm10, $0xBE2FC35C, v7;
	v48 =	vsel vm2, $0x3E86DFB8, v11;
	v50 =	vsel vm10, $0x4, v13  }
0x158: {  	vm9 =	vgt.f32 v38, v33;
	v49 =	vsel vm7, v60, v48;
	v60 =	vsel vm8, $0x2, v13  }
0x159: {  	v33 =	vsel vm9, $0x3E86DFB8, v11;
	v56 =	vsel vm9, $0x3F5A919E, v12;
	v57 =	vsel vm9, $0xBEF582DC, v8  }
0x15a: {  	v58 =	vsel vm9, $0xBDAD80BC, v9;
	v51 =	vsel vm4, v49, v52;
	v44 =	vsel vm15, v56, v33  }
0x15b: {  	v45 =	vsel vm15, v58, v57;
	v33 =	vsel vm5, v28, v59;
	v28 =	vor.u32 v36, v63  }
0x15c: {  	v63 =	vsel vm11, $0x8, v13;
	v36 =	vsel vm11, v61, v62;
	v57 =	vadd.f32 v37, v14  }
0x15d: {  	v58 =	vsel vm1, $0x4, v13;
	vm7 =	vgt.f32 v34, v51;
	v59 =	vsel vm0, $0x8, v13  }
0x15e: {  	v61 =	vsel vm9, $0x2, v13;
	v62 =	vsel vm4, $0x8, v13;
	v44 =	vsel vm14, v44, v45  }
0x15f: {  	vm13 =	vgt.f32 v43, v36;
	v52 =	vor.u32 v63, v50;
	v36 =	vsel vm6, $0xBDAD80BC, v9  }
0x160: {  	v34 =	vor.u32 v59, v58;
	vm12 =	vgt.f32 v38, v44;
	v53 =	vsel vm13, $0xBEF582DC, v8  }
0x161: {  	v54 =	vsel vm13, $0xBDAD80BC, v9;
	v55 =	vsel vm13, $0x3E86DFB8, v11;
	v56 =	vsel vm13, $0x3F5A919E, v12  }
0x162: {  	v37 =	vor.u32 v60, v34;
	v63 =	vsel vm13, $0x2, v13;
	[tilespmem:v29+s19+$0x0] =	vst.idx.msk $0xffff, v57;
	v34 =	vor.u32 v62, v41  }
0x163: {  	v40 =	vsel vm10, v54, v53;
	v44 =	vsel vm10, v56, v55;
	v38 =	vor.u32 v63, v52  }
0x164: {  	v39 =	vsel vm12, $0x1, v13;
	[tilespmem:v29+s20+$0x0] =	vst.idx.msk $0xffff, v35;
	v35 =	vor.u32 v61, v42;
	v44 =	vsel vm11, v44, v40  }
0x165: {  	s30 =	simm.s32 $0x8;
	s26 =	sor.u32 $0x30, s26;
	v29 =	vsel vm8, $0x3F5A919E, v12;
	v40 =	vsel vm8, $0x3E86DFB8, v11;
	vm4 =	vgt.f32 v43, v44  }
.LBB2_11:
0x166: {  	s1 =	sadd.s32 $0x1, s30  }
0x167: {  	s2 =	sadd.s32 $0x2, s30;
	s6 =	sadd.s32 $0x3, s30;
	v35 =	vor.u32 v39, v35;
	v29 =	vsel vm1, v29, v40;
	v39 =	vsel vm2, $0x2, v13;
	s31 =	smov.u32 s30  }
0x168: {  	s11 =	sadd.s32 $0x6, s30;
	v40 =	vadd.s32 s1, v0;
	v41 =	vadd.s32 s2, v0;
	s1 =	sadd.s32 $0x4, s30;
	s2 =	sadd.s32 $0x5, s30;
	v29 =	vsel vm0, v29, v27  }
0x169: {  	p0 =	slt.u32 s30, $0x38;
	v43 =	vor.u32 v32, v30;
	s30 =	sadd.s32 $0x8, s30;
	v42 =	vadd.s32 s1, v0;
	v27 =	vadd.s32 s2, v0;
	s1 =	sadd.s32 $0x7, s31  }
0x16a: {  	v39 =	vor.u32 v39, v34;
	v32 =	vand.u32 $0x3F, v40;
	v30 =	vadd.s32 s1, v0  }
0x16b: {  	v34 =	vadd.s32 s6, v0;
	v40 =	vadd.s32 s11, v0;
	v30 =	vand.u32 $0x3F, v30  }
0x16c: {  	v45 =	vsel vm4, $0x1, v13;
	v44 =	vand.u32 $0x3F, v27;
	v27 =	vor.u32 v1, v30  }
0x16d: {  	vm0 =	vgt.f32 v24, v29;
	v42 =	vand.u32 $0x3F, v42;
	v30 =	vor.u32 v1, v44;
	v24 =	vld.idx.msk [tilespmem:v28+s12+$0x0], $0xffff  }
0x16e: {  	v29 =	vand.u32 $0x3F, v41;
	v44 =	vor.u32 v1, v32;
	v32 =	vsel vm6, $0xBEF582DC, v8;
	v41 =	vld.idx.msk [tilespmem:v43+s12+$0x0], $0xffff  }
0x16f: {  	v46 =	vor.u32 v1, v29;
	v29 =	vand.u32 $0x3F, v34;
	v36 =	vsel vm5, v36, v32;
	v47 =	vld.idx.msk [tilespmem:v35+s12+$0x0], $0xffff  }
0x170: {  	v34 =	vsel vm0, $0x1, v13;
	v32 =	vor.u32 v1, v29;
	v29 =	vand.u32 $0x3F, v40  }
0x171: {  	v38 =	vor.u32 v45, v38;
	v40 =	vor.u32 v1, v29;
	v29 =	vsel vm7, $0x1, v13  }
0x172: {  	v34 =	vor.u32 v34, v37;
	v33 =	vsel vm3, v33, v36;
	v36 =	vsel vm6, $0x2, v13;
	v45 =	vld.idx.msk [tilespmem:v30+s5+$0x0], $0xffff  }
0x173: {  	v37 =	vor.u32 v1, v42;
	vm0 =	vgt.f32 v26, v33;
	v26 =	vor.u32 v29, v39;
	v42 =	vld.idx.msk [tilespmem:v27+s5+$0x0], $0xffff  }
0x174: {  	v31 =	vor.u32 v36, v31;
	v33 =	vsel vm0, $0x1, v13;
	v29 =	vmul.f32 v41, v23  }
0x175: {  	v33 =	vor.u32 v33, v31;
	v24 =	vmul.f32 v24, v23;
	v39 =	vmul.f32 v47, v23;
	v36 =	vld.idx.msk [tilespmem:v44+s5+$0x0], $0xffff  }
0x176: {  	v41 =	vadd.f32 v29, v14;
	v31 =	vld.idx.msk [tilespmem:v38+s12+$0x0], $0xffff  }
0x177: {  	v24 =	vadd.f32 v24, v14;
	v29 =	vadd.f32 v39, v14  }
0x178: {  	v39 =	vld.idx.msk [tilespmem:v40+s5+$0x0], $0xffff  }
0x179: {  	v45 =	vmul.f32 v45, v21;
	v42 =	vmul.f32 v42, v21;
	[tilespmem:v25+s19+$0x0] =	vst.idx.msk $0xffff, v29  }
0x17a: {  	v47 =	vld.idx.msk [tilespmem:v37+s5+$0x0], $0xffff;
	[tilespmem:v25+s20+$0x0] =	vst.idx.msk $0xffff, v35  }
0x17b: {  	v25 =	vmul.f32 v36, v21;
	v35 =	vadd.f32 v45, v22;
	v29 =	vadd.f32 v42, v22;
	v36 =	vld.idx.msk [tilespmem:v33+s12+$0x0], $0xffff  }
0x17c: {  	v45 =	vmul.f32 v31, v23;
	v42 =	vld.idx.msk [tilespmem:v32+s5+$0x0], $0xffff;
	[tilespmem:v19+s19+$0x0] =	vst.idx.msk $0xffff, v24  }
0x17d: {  	v31 =	vadd.f32 v25, v22;
	vm0 =	vgt.f32 v35, $0.0e+00;
	[tilespmem:v17+s19+$0x0] =	vst.idx.msk $0xffff, v41  }
0x17e: {  	vm4 =	vgt.f32 v29, $0.0e+00;
	v24 =	vsel vm0, $0x3EBA4C1A, v5;
	[tilespmem:v17+s20+$0x0] =	vst.idx.msk $0xffff, v43;
	v25 =	vld.idx.msk [tilespmem:v34+s12+$0x0], $0xffff;
	v17 =	vmov v44  }
0x17f: {  	v39 =	vmul.f32 v39, v21;
	vm1 =	vgt.f32 v35, v24;
	v24 =	vadd.f32 v45, v14  }
0x180: {  	v41 =	vmul.f32 v47, v21;
	v43 =	vsel vm1, $0x3F1FF8BA, v6;
	v44 =	vsel vm1, $0xBE2FC35C, v7;
	[tilespmem:v19+s20+$0x0] =	vst.idx.msk $0xffff, v28;
	v28 =	vld.idx.msk [tilespmem:v26+s12+$0x0], $0xffff  }
0x181: {  	v43 =	vsel vm0, v43, v44;
	v44 =	vsel vm1, $0x4, v13;
	v36 =	vmul.f32 v36, v23;
	v19 =	vmovc v37  }
0x182: {  	v37 =	vmul.f32 v42, v21;
	vm2 =	vgt.f32 v35, v43;
	v42 =	vsel vm4, $0x3EBA4C1A, v5;
	[tilespmem:v20+s19+$0x0] =	vst.idx.msk $0xffff, v24  }
0x183: {  	v43 =	vsel vm2, $0xBDAD80BC, v9;
	vm7 =	vgt.f32 v29, v42;
	v36 =	vadd.f32 v36, v14;
	[tilespmem:v20+s20+$0x0] =	vst.idx.msk $0xffff, v38  }
0x184: {  	v42 =	vsel vm2, $0x3F5A919E, v12;
	v38 =	vsel vm2, $0xBEF582DC, v8;
	v25 =	vmul.f32 v25, v23;
	v20 =	vmovc v46  }
0x185: {  	v24 =	vadd.f32 v37, v22;
	v37 =	vsel vm2, $0x3E86DFB8, v11;
	v38 =	vsel vm1, v43, v38;
	[tilespmem:v18+s19+$0x0] =	vst.idx.msk $0xffff, v36  }
0x186: {  	v36 =	vsel vm1, v42, v37;
	v37 =	vsel vm2, $0x2, v13;
	[tilespmem:v18+s20+$0x0] =	vst.idx.msk $0xffff, v33;
	v33 =	vmul.f32 v28, v23  }
0x187: {  	v41 =	vadd.f32 v41, v22;
	v36 =	vsel vm0, v36, v38;
	v38 =	vsel vm0, $0x8, v13;
	v18 =	vmovc v40;
	v28 =	vld.idx.msk [tilespmem:v46+s5+$0x0], $0xffff  }
0x188: {  	vm0 =	vgt.f32 v35, v36;
	v35 =	vor.u32 v38, v44;
	v36 =	vsel vm7, $0xBE2FC35C, v7  }
0x189: {  	v35 =	vor.u32 v37, v35;
	v37 =	vsel vm0, $0x1, v13;
	v33 =	vadd.f32 v33, v14  }
0x18a: {  	vm5 =	vgt.f32 v41, $0.0e+00;
	vm0 =	vgt.f32 v24, $0.0e+00;
	v35 =	vor.u32 v37, v35  }
0x18b: {  	v25 =	vadd.f32 v25, v14;
	v38 =	vsel vm5, $0x3EBA4C1A, v5;
	v37 =	vsel vm0, $0x3EBA4C1A, v5;
	[tilespmem:v15+s19+$0x0] =	vst.idx.msk $0xffff, v33  }
0x18c: {  	vm9 =	vgt.f32 v41, v38;
	v38 =	vsel vm7, $0x3F1FF8BA, v6;
	v33 =	vadd.s32 s31, v0;
	[tilespmem:v15+s20+$0x0] =	vst.idx.msk $0xffff, v26;
	v15 =	vmovc v27  }
0x18d: {  	vm1 =	vgt.f32 v24, v37;
	v26 =	vand.u32 $0x3F, v33;
	v27 =	vsel vm9, $0x3F1FF8BA, v6;
	[tilespmem:v16+s19+$0x0] =	vst.idx.msk $0xffff, v25  }
0x18e: {  	vm6 =	vgt.f32 v31, $0.0e+00;
	v37 =	vsel vm9, $0xBE2FC35C, v7;
	v33 =	vsel vm1, $0x3F1FF8BA, v6;
	[tilespmem:v16+s20+$0x0] =	vst.idx.msk $0xffff, v34;
	v16 =	vmovc v32  }
0x18f: {  	v25 =	vor.u32 v1, v26;
	v26 =	vsel vm1, $0xBE2FC35C, v7;
	v34 =	vsel vm4, v38, v36;
	v32 =	vld.idx.msk [tilespmem:v35+s12+$0x0], $0xffff  }
0x190: {  	v27 =	vsel vm5, v27, v37;
	v26 =	vsel vm0, v33, v26;
	vm2 =	vgt.f32 v29, v34  }
0x191: {  	vm10 =	vgt.f32 v41, v27;
	vm8 =	vgt.f32 v24, v26;
	v33 =	vsel vm2, $0xBEF582DC, v8  }
0x192: {  	v26 =	vsel vm6, $0x3EBA4C1A, v5;
	v34 =	vsel vm10, $0xBEF582DC, v8;
	v27 =	vsel vm8, $0xBEF582DC, v8  }
0x193: {  	v36 =	vsel vm10, $0xBDAD80BC, v9;
	vm11 =	vgt.f32 v31, v26;
	v26 =	vsel vm8, $0xBDAD80BC, v9  }
0x194: {  	v40 =	vsel vm10, $0x3E86DFB8, v11;
	v38 =	vsel vm11, $0x3F1FF8BA, v6;
	v27 =	vsel vm1, v26, v27;
	v37 =	vld.idx.msk [tilespmem:v25+s5+$0x0], $0xffff  }
0x195: {  	v36 =	vsel vm9, v36, v34;
	v26 =	vsel vm11, $0xBE2FC35C, v7;
	v32 =	vmul.f32 v32, v23  }
0x196: {  	v34 =	vsel vm7, $0x4, v13;
	v26 =	vsel vm6, v38, v26;
	v38 =	vsel vm10, $0x2, v13  }
0x197: {  	v42 =	vsel vm9, $0x4, v13;
	vm12 =	vgt.f32 v31, v26;
	v32 =	vadd.f32 v32, v14  }
0x198: {  	v26 =	vadd.f32 v39, v22;
	v43 =	vsel vm12, $0x3E86DFB8, v11;
	v44 =	vsel vm12, $0x3F5A919E, v12  }
0x199: {  	v39 =	vsel vm12, $0xBDAD80BC, v9;
	v43 =	vsel vm11, v44, v43;
	v44 =	vsel vm5, $0x8, v13;
	[tilespmem:v30+s19+$0x0] =	vst.idx.msk $0xffff, v32  }
0x19a: {  	vm3 =	vgt.f32 v26, $0.0e+00;
	v32 =	vmul.f32 v37, v21;
	v37 =	vsel vm12, $0xBEF582DC, v8;
	[tilespmem:v30+s20+$0x0] =	vst.idx.msk $0xffff, v35  }
0x19b: {  	v42 =	vor.u32 v44, v42;
	v30 =	vsel vm6, $0x8, v13;
	v35 =	vsel vm11, $0x4, v13  }
0x19c: {  	v44 =	vadd.f32 v32, v22;
	v30 =	vor.u32 v30, v35;
	v35 =	vsel vm3, $0x8, v13  }
0x19d: {  	v32 =	vsel vm11, v39, v37;
	v37 =	vsel vm12, $0x2, v13;
	v39 =	vsel vm10, $0x3F5A919E, v12  }
0x19e: {  	v30 =	vor.u32 v37, v30;
	v37 =	vsel vm9, v39, v40;
	vm10 =	vgt.f32 v44, $0.0e+00  }
0x19f: {  	v36 =	vsel vm5, v37, v36;
	v37 =	vor.u32 v38, v42;
	v39 =	vsel vm10, $0x3EBA4C1A, v5  }
0x1a0: {  	v38 =	vsel vm10, $0x8, v13;
	vm5 =	vgt.f32 v41, v36;
	v36 =	vsel vm2, $0xBDAD80BC, v9  }
0x1a1: {  	v32 =	vsel vm6, v43, v32;
	v41 =	vsel vm3, $0x3EBA4C1A, v5;
	v40 =	vsel vm5, $0x1, v13  }
0x1a2: {  	vm6 =	vgt.f32 v31, v32;
	vm5 =	vgt.f32 v26, v41;
	v41 =	vsel vm7, v36, v33  }
0x1a3: {  	v32 =	vsel vm6, $0x1, v13;
	vm9 =	vgt.f32 v44, v39;
	v31 =	vsel vm5, $0x3F1FF8BA, v6  }
0x1a4: {  	v28 =	vmul.f32 v28, v21;
	v33 =	vsel vm9, $0x3F1FF8BA, v6;
	v36 =	vsel vm5, $0xBE2FC35C, v7  }
0x1a5: {  	v39 =	vsel vm9, $0xBE2FC35C, v7;
	v42 =	vsel vm9, $0x4, v13;
	v31 =	vsel vm3, v31, v36  }
0x1a6: {  	v43 =	vadd.f32 v28, v22;
	v28 =	vsel vm5, $0x4, v13;
	vm6 =	vgt.f32 v26, v31  }
0x1a7: {  	v33 =	vsel vm10, v33, v39;
	v42 =	vor.u32 v38, v42;
	v31 =	vor.u32 v35, v28  }
0x1a8: {  	vm11 =	vgt.f32 v44, v33;
	v35 =	vsel vm2, $0x3F5A919E, v12;
	v28 =	vsel vm6, $0x3F5A919E, v12  }
0x1a9: {  	v36 =	vsel vm11, $0xBEF582DC, v8;
	v38 =	vsel vm11, $0xBDAD80BC, v9;
	v33 =	vsel vm6, $0x3E86DFB8, v11  }
0x1aa: {  	v39 =	vsel vm11, $0x3E86DFB8, v11;
	v45 =	vsel vm11, $0x3F5A919E, v12;
	v33 =	vsel vm5, v28, v33  }
0x1ab: {  	v28 =	vsel vm9, v45, v39;
	v38 =	vsel vm9, v38, v36;
	v36 =	vsel vm6, $0xBDAD80BC, v9  }
0x1ac: {  	vm9 =	vgt.f32 v43, $0.0e+00;
	v38 =	vsel vm10, v28, v38;
	v28 =	vor.u32 v40, v37  }
0x1ad: {  	v37 =	vsel vm9, $0x3EBA4C1A, v5;
	vm10 =	vgt.f32 v44, v38;
	v44 =	vsel vm11, $0x2, v13  }
0x1ae: {  	vm11 =	vgt.f32 v43, v37;
	v37 =	vsel vm9, $0x8, v13;
	v38 =	vsel vm2, $0x3E86DFB8, v11  }
0x1af: {  	v39 =	vsel vm10, $0x1, v13;
	v40 =	vsel vm11, $0x3F1FF8BA, v6;
	v35 =	vsel vm7, v35, v38  }
0x1b0: {  	v38 =	vsel vm11, $0xBE2FC35C, v7;
	v45 =	vsel vm11, $0x4, v13;
	v35 =	vsel vm4, v35, v41  }
0x1b1: {  	v38 =	vsel vm9, v40, v38;
	v41 =	vor.u32 v37, v45;
	v45 =	vsel vm4, $0x8, v13  }
0x1b2: {  	v37 =	vsel vm1, $0x4, v13;
	vm4 =	vgt.f32 v43, v38;
	vm7 =	vgt.f32 v29, v35  }
0x1b3: {  	v38 =	vsel vm0, $0x8, v13;
	v29 =	vsel vm4, $0xBEF582DC, v8;
	v35 =	vsel vm4, $0xBDAD80BC, v9  }
.Ltmp4:
0x1b4: {  	v40 =	vsel vm4, $0x3E86DFB8, v11;
	v37 =	vor.u32 v38, v37;
	v38 =	vsel vm8, $0x2, v13;
	(pc) =	sbr.rel @p0 .LBB2_11-.Ltmp4, $4  }
0x1b5: {  	v46 =	vsel vm4, $0x3F5A919E, v12;
	v29 =	vsel vm11, v35, v29;
	v37 =	vor.u32 v38, v37  }
0x1b6: {  	v35 =	vsel vm11, v46, v40;
	v38 =	vsel vm4, $0x2, v13;
	v40 =	vsel vm8, $0x3E86DFB8, v11  }
0x1b7: {  	v34 =	vor.u32 v45, v34;
	v29 =	vsel vm9, v35, v29;
	v38 =	vor.u32 v38, v41  }
0x1b8: {  	v35 =	vor.u32 v44, v42;
	vm4 =	vgt.f32 v43, v29;
	v29 =	vsel vm8, $0x3F5A919E, v12  }
0x1b9: {  	v21 =	vor.u32 v39, v35;
	_ =	sdelay $0x2  }
0x1ba: {  	v22 =	vor.u32 v32, v30;
	v30 =	vsel vm6, $0xBEF582DC, v8  }
0x1bb: {  	v30 =	vsel vm5, v36, v30  }
0x1bc: {  	v36 =	vsel vm4, $0x1, v13;
	v30 =	vsel vm3, v33, v30;
	v35 =	vld.idx.msk [tilespmem:v21+s12+$0x0], $0xffff  }
0x1bd: {  	v39 =	vsel vm6, $0x2, v13;
	v32 =	vor.u32 v36, v38;
	vm3 =	vgt.f32 v26, v30  }
0x1be: {  	v29 =	vsel vm1, v29, v40;
	v26 =	vld.idx.msk [tilespmem:v28+s12+$0x0], $0xffff;
	v30 =	vor.u32 v39, v31;
	v31 =	vsel vm3, $0x1, v13  }
0x1bf: {  	v40 =	vsel vm2, $0x2, v13;
	v27 =	vsel vm0, v29, v27;
	v41 =	vld.idx.msk [tilespmem:v22+s12+$0x0], $0xffff;
	v30 =	vor.u32 v31, v30  }
0x1c0: {  	v29 =	vor.u32 v40, v34;
	vm0 =	vgt.f32 v24, v27;
	v31 =	vsel vm7, $0x1, v13  }
0x1c1: {  	v24 =	vor.u32 v31, v29;
	v29 =	vsel vm0, $0x1, v13;
	v27 =	vmul.f32 v35, v23  }
0x1c2: {  	v31 =	vld.idx.msk [tilespmem:v32+s12+$0x0], $0xffff;
	v29 =	vor.u32 v29, v37  }
0x1c3: {  	v26 =	vmul.f32 v26, v23;
	v27 =	vadd.f32 v27, v14  }
0x1c4: {  	v42 =	vmul.f32 v41, v23;
	v43 =	vld.idx.msk [tilespmem:v30+s12+$0x0], $0xffff  }
0x1c5: {  	v26 =	vadd.f32 v26, v14;
	[tilespmem:v25+s19+$0x0] =	vst.idx.msk $0xffff, v27  }
0x1c6: {  	v27 =	vadd.f32 v42, v14;
	[tilespmem:v25+s20+$0x0] =	vst.idx.msk $0xffff, v21;
	v21 =	vld.idx.msk [tilespmem:v24+s12+$0x0], $0xffff  }
0x1c7: {  	[tilespmem:v19+s19+$0x0] =	vst.idx.msk $0xffff, v26;
	v26 =	vld.idx.msk [tilespmem:v29+s12+$0x0], $0xffff;
	v25 =	vmul.f32 v31, v23  }
0x1c8: {  	[tilespmem:v17+s19+$0x0] =	vst.idx.msk $0xffff, v27  }
0x1c9: {  	[tilespmem:v17+s20+$0x0] =	vst.idx.msk $0xffff, v22;
	v17 =	vadd.f32 v25, v14;
	v22 =	vmul.f32 v43, v23  }
0x1ca: {  	[tilespmem:v19+s20+$0x0] =	vst.idx.msk $0xffff, v28  }
0x1cb: {  	[tilespmem:v20+s19+$0x0] =	vst.idx.msk $0xffff, v17;
	v17 =	vadd.f32 v22, v14;
	v19 =	vmul.f32 v21, v23  }
0x1cc: {  	[tilespmem:v20+s20+$0x0] =	vst.idx.msk $0xffff, v32;
	v20 =	vmul.f32 v26, v23  }
0x1cd: {  	[tilespmem:v18+s19+$0x0] =	vst.idx.msk $0xffff, v17;
	v17 =	vadd.f32 v19, v14  }
0x1ce: {  	[tilespmem:v18+s20+$0x0] =	vst.idx.msk $0xffff, v30;
	v14 =	vadd.f32 v20, v14  }
0x1cf: {  	[tilespmem:v15+s19+$0x0] =	vst.idx.msk $0xffff, v17  }
0x1d0: {  	[tilespmem:v16+s19+$0x0] =	vst.idx.msk $0xffff, v14  }
0x1d1: {  	[tilespmem:v15+s20+$0x0] =	vst.idx.msk $0xffff, v24  }
0x1d2: {  	[tilespmem:v16+s20+$0x0] =	vst.idx.msk $0xffff, v29  }
0x1d3: {  	v14 =	vld [tilespmem:$0x3110];
	_ =	sdelay $0x4  }
0x1d4: {  	v14 =	vadd.f32 $9.999999930e-09, v14;
	_ =	sdelay $0x1  }
0x1d5: {  	(erf) = vrcp.f32 v14;
	_ =	sdelay $0x1  }
0x1d6: {  	s1 =	simm.s32 $0x5  }
0x1d7: {  	v14 =	vadd.s32 s1, v0  }
0x1d8: {  	v15 =	vand.u32 $0x3F, v14  }
0x1d9: {  	v14 =	vld [tilespmem:s29+$0x3200];
	v29 =	vor.u32 v2, v15  }
0x1da: {  	s31 =	simm.s32 $0x7  }
0x1db: {  	v15 =	vadd.s32 s31, v0  }
0x1dc: {  	s2 =	simm.s32 $0x1;
	v15 =	vand.u32 $0x3F, v15  }
0x1dd: {  	v16 =	vadd.s32 s2, v0;
	v15 =	vor.u32 v2, v15;
	v17 =	vpop (erf)  }
0x1de: {  	s6 =	simm.s32 $0x6;
	v16 =	vand.u32 $0x3F, v16;
	v18 =	vsub.f32 $0.0e+00, v14;
	v20 =	vld.idx.msk [tilespmem:v29+s5+$0x0], $0xffff;
	v21 =	vadd.f32 v17, v17  }
0x1df: {  	s11 =	simm.s32 $0x4;
	v17 =	vor.u32 v2, v16;
	v16 =	vadd.s32 s6, v0  }
0x1e0: {  	s21 =	simm.s32 $0x3;
	v16 =	vand.u32 $0x3F, v16;
	v22 =	vmul.f32 v21, v18;
	v18 =	vadd.s32 s11, v0  }
0x1e1: {  	v19 =	vadd.s32 s21, v0;
	v23 =	vand.u32 $0x3F, v18;
	v18 =	vor.u32 v2, v16  }
0x1e2: {  	v16 =	vand.u32 $0x3F, v19;
	v19 =	vor.u32 v2, v23;
	v23 =	vld.idx.msk [tilespmem:v15+s5+$0x0], $0xffff  }
0x1e3: {  	v20 =	vmul.f32 v20, v21;
	v22 =	vadd.f32 $-1.000000000e+00, v22;
	v16 =	vor.u32 v2, v16  }
0x1e4: {  	v24 =	vld.idx.msk [tilespmem:v17+s5+$0x0], $0xffff  }
0x1e5: {  	s30 =	simm.s32 $0x2;
	v25 =	vadd.f32 v20, v22  }
0x1e6: {  	v20 =	vadd.s32 s30, v0;
	v26 =	vld.idx.msk [tilespmem:v18+s5+$0x0], $0xffff  }
0x1e7: {  	v20 =	vand.u32 $0x3F, v20;
	vm0 =	vgt.f32 v25, $0.0e+00;
	v23 =	vmul.f32 v23, v21;
	v27 =	vld.idx.msk [tilespmem:v19+s5+$0x0], $0xffff  }
0x1e8: {  	v20 =	vor.u32 v2, v20;
	v28 =	vld.idx.msk [tilespmem:v16+s5+$0x0], $0xffff;
	v30 =	vsel vm0, $0x3EBA4C1A, v5  }
0x1e9: {  	v24 =	vmul.f32 v24, v21;
	vm1 =	vgt.f32 v25, v30;
	v34 =	vadd.f32 v23, v22  }
0x1ea: {  	v47 =	vsel vm0, $0x8, v13;
	v23 =	vsel vm1, $0x3F1FF8BA, v6;
	v30 =	vsel vm1, $0x4, v13  }
0x1eb: {  	v31 =	vadd.f32 v24, v22;
	v24 =	vsel vm1, $0xBE2FC35C, v7;
	vm4 =	vgt.f32 v34, $0.0e+00  }
0x1ec: {  	v26 =	vmul.f32 v26, v21;
	v23 =	vsel vm0, v23, v24;
	v27 =	vmul.f32 v27, v21  }
0x1ed: {  	vm2 =	vgt.f32 v25, v23;
	v23 =	vmul.f32 v28, v21;
	v24 =	vsel vm4, $0x3EBA4C1A, v5  }
0x1ee: {  	vm6 =	vgt.f32 v31, $0.0e+00;
	v28 =	vsel vm2, $0xBDAD80BC, v9;
	vm7 =	vgt.f32 v34, v24  }
0x1ef: {  	v44 =	vsel vm2, $0xBEF582DC, v8;
	v45 =	vsel vm2, $0x3F5A919E, v12;
	v46 =	vsel vm2, $0x2, v13  }
0x1f0: {  	v26 =	vadd.f32 v26, v22;
	v24 =	vadd.f32 v23, v22;
	v23 =	vsel vm2, $0x3E86DFB8, v11  }
0x1f1: {  	v28 =	vsel vm1, v28, v44;
	v36 =	vadd.f32 v27, v22;
	v27 =	vor.u32 v47, v30  }
0x1f2: {  	v41 =	vsel vm7, $0x4, v13;
	v23 =	vsel vm1, v45, v23;
	vm3 =	vgt.f32 v26, $0.0e+00  }
0x1f3: {  	s31 =	simm.s32 $0x0;
	v45 =	vsel vm6, $0x8, v13;
	v23 =	vsel vm0, v23, v28;
	vm5 =	vgt.f32 v36, $0.0e+00  }
0x1f4: {  	v28 =	vadd.s32 s31, v0;
	vm0 =	vgt.f32 v25, v23;
	v23 =	vsel vm7, $0xBE2FC35C, v7  }
0x1f5: {  	v25 =	vor.u32 v46, v27;
	v28 =	vand.u32 $0x3F, v28;
	v58 =	vsel vm5, $0x8, v13  }
0x1f6: {  	v46 =	vsel vm3, $0x8, v13;
	v27 =	vsel vm0, $0x1, v13;
	vm0 =	vgt.f32 v24, $0.0e+00  }
0x1f7: {  	v35 =	vor.u32 v27, v25;
	v25 =	vsel vm0, $0x3EBA4C1A, v5;
	v27 =	vsel vm5, $0x3EBA4C1A, v5  }
0x1f8: {  	vm9 =	vgt.f32 v36, v27;
	v27 =	vsel vm7, $0x3F1FF8BA, v6;
	vm1 =	vgt.f32 v24, v25  }
0x1f9: {  	v25 =	vor.u32 v2, v28;
	v30 =	vsel vm9, $0x3F1FF8BA, v6;
	v48 =	vsel vm1, $0x3F1FF8BA, v6  }
0x1fa: {  	v49 =	vsel vm9, $0xBE2FC35C, v7;
	v28 =	vsel vm1, $0xBE2FC35C, v7;
	v27 =	vsel vm4, v27, v23  }
0x1fb: {  	v28 =	vsel vm0, v48, v28;
	v30 =	vsel vm5, v30, v49;
	vm2 =	vgt.f32 v34, v27  }
0x1fc: {  	v27 =	vsel vm6, $0x3EBA4C1A, v5;
	vm8 =	vgt.f32 v24, v28;
	vm10 =	vgt.f32 v36, v30  }
0x1fd: {  	v28 =	vsel vm2, $0xBEF582DC, v8;
	vm11 =	vgt.f32 v31, v27;
	v49 =	vsel vm2, $0xBDAD80BC, v9  }
0x1fe: {  	v30 =	vsel vm8, $0xBEF582DC, v8;
	v51 =	vsel vm10, $0xBEF582DC, v8;
	v27 =	vsel vm8, $0xBDAD80BC, v9  }
0x1ff: {  	v52 =	vsel vm10, $0xBDAD80BC, v9;
	v54 =	vsel vm11, $0x3F1FF8BA, v6;
	v55 =	vsel vm10, $0x3E86DFB8, v11  }
0x200: {  	v56 =	vsel vm10, $0x2, v13;
	v60 =	vsel vm10, $0x3F5A919E, v12;
	v27 =	vsel vm1, v27, v30  }
0x201: {  	v23 =	vld [tilespmem:$0x3190];
	v30 =	vsel vm11, $0xBE2FC35C, v7;
	v33 =	vsel vm9, v52, v51;
	v40 =	vsel vm9, v60, v55  }
0x202: {  	v50 =	vld.idx.msk [tilespmem:v35+s12+$0x0], $0xffff;
	v51 =	vsel vm3, $0x3EBA4C1A, v5;
	v52 =	vsel vm7, v49, v28;
	v30 =	vsel vm6, v54, v30  }
0x203: {  	v60 =	vsel vm2, $0x3F5A919E, v12;
	v33 =	vsel vm5, v40, v33;
	vm12 =	vgt.f32 v31, v30  }
0x204: {  	v53 =	vld.idx.msk [tilespmem:v25+s5+$0x0], $0xffff;
	v30 =	vsel vm9, $0x4, v13;
	vm5 =	vgt.f32 v36, v33;
	v57 =	vsel vm12, $0x3E86DFB8, v11  }
0x205: {  	v42 =	vsel vm12, $0x3F5A919E, v12;
	v43 =	vsel vm12, $0xBDAD80BC, v9;
	v44 =	vsel vm12, $0xBEF582DC, v8  }
0x206: {  	v61 =	vld.idx.msk [tilespmem:v20+s5+$0x0], $0xffff;
	v59 =	vsel vm12, $0x2, v13;
	v36 =	vsel vm5, $0x1, v13;
	vm5 =	vgt.f32 v26, v51  }
0x207: {  	v37 =	vmul.f32 v50, v23;
	v39 =	vsel vm11, v42, v57;
	v42 =	vor.u32 v58, v30  }
0x208: {  	v30 =	vsel vm11, $0x4, v13;
	v43 =	vsel vm11, v43, v44;
	v28 =	vsel vm5, $0x3F1FF8BA, v6  }
0x209: {  	v54 =	vsel vm5, $0xBE2FC35C, v7;
	v38 =	vmul.f32 v53, v21;
	v30 =	vor.u32 v45, v30  }
0x20a: {  	v63 =	vor.u32 v56, v42;
	v50 =	vsel vm6, v39, v43;
	v28 =	vsel vm3, v28, v54  }
0x20b: {  	vm6 =	vgt.f32 v31, v50;
	v31 =	vmul.f32 v61, v21;
	v38 =	vadd.f32 v38, v22  }
0x20c: {  	v30 =	vor.u32 v59, v30;
	v32 =	vsel vm6, $0x1, v13;
	vm6 =	vgt.f32 v26, v28  }
0x20d: {  	v28 =	vsel vm5, $0x4, v13;
	v43 =	vadd.f32 v31, v22;
	vm14 =	vgt.f32 v38, $0.0e+00  }
0x20e: {  	v31 =	vor.u32 v46, v28;
	v28 =	vsel vm6, $0x3F5A919E, v12;
	v62 =	vsel vm14, $0x3EBA4C1A, v5  }
0x20f: {  	v59 =	vsel vm6, $0x3E86DFB8, v11;
	vm11 =	vgt.f32 v43, $0.0e+00;
	vm15 =	vgt.f32 v38, v62  }
0x210: {  	v48 =	vsel vm14, $0x8, v13;
	v47 =	vsel vm11, $0x3EBA4C1A, v5;
	v53 =	vsel vm15, $0x3F1FF8BA, v6  }
0x211: {  	v55 =	vsel vm15, $0xBE2FC35C, v7;
	v45 =	vsel vm15, $0x4, v13;
	vm10 =	vgt.f32 v43, v47  }
0x212: {  	v33 =	vsel vm14, v53, v55;
	v42 =	vor.u32 v48, v45;
	v61 =	vsel vm10, $0x3F1FF8BA, v6  }
0x213: {  	v62 =	vsel vm10, $0xBE2FC35C, v7;
	v48 =	vsel vm2, $0x3E86DFB8, v11;
	v50 =	vsel vm10, $0x4, v13  }
0x214: {  	vm9 =	vgt.f32 v38, v33;
	v49 =	vsel vm7, v60, v48;
	v60 =	vsel vm8, $0x2, v13  }
0x215: {  	v33 =	vsel vm9, $0x3E86DFB8, v11;
	v56 =	vsel vm9, $0x3F5A919E, v12;
	v57 =	vsel vm9, $0xBEF582DC, v8  }
0x216: {  	v58 =	vsel vm9, $0xBDAD80BC, v9;
	v51 =	vsel vm4, v49, v52;
	v44 =	vsel vm15, v56, v33  }
0x217: {  	v45 =	vsel vm15, v58, v57;
	v33 =	vsel vm5, v28, v59;
	v28 =	vor.u32 v36, v63  }
0x218: {  	v63 =	vsel vm11, $0x8, v13;
	v36 =	vsel vm11, v61, v62;
	v57 =	vadd.f32 v37, v14  }
0x219: {  	v58 =	vsel vm1, $0x4, v13;
	vm7 =	vgt.f32 v34, v51;
	v59 =	vsel vm0, $0x8, v13  }
0x21a: {  	v61 =	vsel vm9, $0x2, v13;
	v62 =	vsel vm4, $0x8, v13;
	v44 =	vsel vm14, v44, v45  }
0x21b: {  	vm13 =	vgt.f32 v43, v36;
	v52 =	vor.u32 v63, v50;
	v36 =	vsel vm6, $0xBDAD80BC, v9  }
0x21c: {  	v34 =	vor.u32 v59, v58;
	vm12 =	vgt.f32 v38, v44;
	v53 =	vsel vm13, $0xBEF582DC, v8  }
0x21d: {  	v54 =	vsel vm13, $0xBDAD80BC, v9;
	v55 =	vsel vm13, $0x3E86DFB8, v11;
	v56 =	vsel vm13, $0x3F5A919E, v12  }
0x21e: {  	v37 =	vor.u32 v60, v34;
	v63 =	vsel vm13, $0x2, v13;
	[tilespmem:v29+s19+$0x0] =	vst.idx.msk $0xffff, v57;
	v34 =	vor.u32 v62, v41  }
0x21f: {  	v40 =	vsel vm10, v54, v53;
	v44 =	vsel vm10, v56, v55;
	v38 =	vor.u32 v63, v52  }
0x220: {  	v39 =	vsel vm12, $0x1, v13;
	[tilespmem:v29+s20+$0x0] =	vst.idx.msk $0xffff, v35;
	v35 =	vor.u32 v61, v42;
	v44 =	vsel vm11, v44, v40  }
0x221: {  	s29 =	simm.s32 $0x8;
	v29 =	vsel vm8, $0x3F5A919E, v12;
	v40 =	vsel vm8, $0x3E86DFB8, v11;
	vm4 =	vgt.f32 v43, v44  }
.LBB2_13:
0x222: {  	s1 =	sadd.s32 $0x1, s29  }
0x223: {  	s2 =	sadd.s32 $0x2, s29;
	s6 =	sadd.s32 $0x3, s29;
	v35 =	vor.u32 v39, v35;
	v29 =	vsel vm1, v29, v40;
	v39 =	vsel vm2, $0x2, v13;
	s30 =	smov.u32 s29  }
0x224: {  	s11 =	sadd.s32 $0x6, s29;
	v40 =	vadd.s32 s1, v0;
	v41 =	vadd.s32 s2, v0;
	s1 =	sadd.s32 $0x4, s29;
	s2 =	sadd.s32 $0x5, s29;
	v29 =	vsel vm0, v29, v27  }
0x225: {  	p0 =	slt.u32 s29, $0x38;
	v43 =	vor.u32 v32, v30;
	s29 =	sadd.s32 $0x8, s29;
	v42 =	vadd.s32 s1, v0;
	v27 =	vadd.s32 s2, v0;
	s1 =	sadd.s32 $0x7, s30  }
0x226: {  	v39 =	vor.u32 v39, v34;
	v32 =	vand.u32 $0x3F, v40;
	v30 =	vadd.s32 s1, v0  }
0x227: {  	v34 =	vadd.s32 s6, v0;
	v40 =	vadd.s32 s11, v0;
	v30 =	vand.u32 $0x3F, v30  }
0x228: {  	v45 =	vsel vm4, $0x1, v13;
	v44 =	vand.u32 $0x3F, v27;
	v27 =	vor.u32 v2, v30  }
0x229: {  	vm0 =	vgt.f32 v24, v29;
	v42 =	vand.u32 $0x3F, v42;
	v30 =	vor.u32 v2, v44;
	v24 =	vld.idx.msk [tilespmem:v28+s12+$0x0], $0xffff  }
0x22a: {  	v29 =	vand.u32 $0x3F, v41;
	v44 =	vor.u32 v2, v32;
	v32 =	vsel vm6, $0xBEF582DC, v8;
	v41 =	vld.idx.msk [tilespmem:v43+s12+$0x0], $0xffff  }
0x22b: {  	v46 =	vor.u32 v2, v29;
	v29 =	vand.u32 $0x3F, v34;
	v36 =	vsel vm5, v36, v32;
	v47 =	vld.idx.msk [tilespmem:v35+s12+$0x0], $0xffff  }
0x22c: {  	v34 =	vsel vm0, $0x1, v13;
	v32 =	vor.u32 v2, v29;
	v29 =	vand.u32 $0x3F, v40  }
0x22d: {  	v38 =	vor.u32 v45, v38;
	v40 =	vor.u32 v2, v29;
	v29 =	vsel vm7, $0x1, v13  }
0x22e: {  	v34 =	vor.u32 v34, v37;
	v33 =	vsel vm3, v33, v36;
	v36 =	vsel vm6, $0x2, v13;
	v45 =	vld.idx.msk [tilespmem:v30+s5+$0x0], $0xffff  }
0x22f: {  	v37 =	vor.u32 v2, v42;
	vm0 =	vgt.f32 v26, v33;
	v26 =	vor.u32 v29, v39;
	v42 =	vld.idx.msk [tilespmem:v27+s5+$0x0], $0xffff  }
0x230: {  	v31 =	vor.u32 v36, v31;
	v33 =	vsel vm0, $0x1, v13;
	v29 =	vmul.f32 v41, v23  }
0x231: {  	v33 =	vor.u32 v33, v31;
	v24 =	vmul.f32 v24, v23;
	v39 =	vmul.f32 v47, v23;
	v36 =	vld.idx.msk [tilespmem:v44+s5+$0x0], $0xffff  }
0x232: {  	v41 =	vadd.f32 v29, v14;
	v31 =	vld.idx.msk [tilespmem:v38+s12+$0x0], $0xffff  }
0x233: {  	v24 =	vadd.f32 v24, v14;
	v29 =	vadd.f32 v39, v14  }
0x234: {  	v39 =	vld.idx.msk [tilespmem:v40+s5+$0x0], $0xffff  }
0x235: {  	v45 =	vmul.f32 v45, v21;
	v42 =	vmul.f32 v42, v21;
	[tilespmem:v25+s19+$0x0] =	vst.idx.msk $0xffff, v29  }
0x236: {  	v47 =	vld.idx.msk [tilespmem:v37+s5+$0x0], $0xffff;
	[tilespmem:v25+s20+$0x0] =	vst.idx.msk $0xffff, v35  }
0x237: {  	v25 =	vmul.f32 v36, v21;
	v35 =	vadd.f32 v45, v22;
	v29 =	vadd.f32 v42, v22;
	v36 =	vld.idx.msk [tilespmem:v33+s12+$0x0], $0xffff  }
0x238: {  	v45 =	vmul.f32 v31, v23;
	v42 =	vld.idx.msk [tilespmem:v32+s5+$0x0], $0xffff;
	[tilespmem:v19+s19+$0x0] =	vst.idx.msk $0xffff, v24  }
0x239: {  	v31 =	vadd.f32 v25, v22;
	vm0 =	vgt.f32 v35, $0.0e+00;
	[tilespmem:v17+s19+$0x0] =	vst.idx.msk $0xffff, v41  }
0x23a: {  	vm4 =	vgt.f32 v29, $0.0e+00;
	v24 =	vsel vm0, $0x3EBA4C1A, v5;
	[tilespmem:v17+s20+$0x0] =	vst.idx.msk $0xffff, v43;
	v25 =	vld.idx.msk [tilespmem:v34+s12+$0x0], $0xffff;
	v17 =	vmov v44  }
0x23b: {  	v39 =	vmul.f32 v39, v21;
	vm1 =	vgt.f32 v35, v24;
	v24 =	vadd.f32 v45, v14  }
0x23c: {  	v41 =	vmul.f32 v47, v21;
	v43 =	vsel vm1, $0x3F1FF8BA, v6;
	v44 =	vsel vm1, $0xBE2FC35C, v7;
	[tilespmem:v19+s20+$0x0] =	vst.idx.msk $0xffff, v28;
	v28 =	vld.idx.msk [tilespmem:v26+s12+$0x0], $0xffff  }
0x23d: {  	v43 =	vsel vm0, v43, v44;
	v44 =	vsel vm1, $0x4, v13;
	v36 =	vmul.f32 v36, v23;
	v19 =	vmovc v37  }
0x23e: {  	v37 =	vmul.f32 v42, v21;
	vm2 =	vgt.f32 v35, v43;
	v42 =	vsel vm4, $0x3EBA4C1A, v5;
	[tilespmem:v20+s19+$0x0] =	vst.idx.msk $0xffff, v24  }
0x23f: {  	v43 =	vsel vm2, $0xBDAD80BC, v9;
	vm7 =	vgt.f32 v29, v42;
	v36 =	vadd.f32 v36, v14;
	[tilespmem:v20+s20+$0x0] =	vst.idx.msk $0xffff, v38  }
0x240: {  	v42 =	vsel vm2, $0x3F5A919E, v12;
	v38 =	vsel vm2, $0xBEF582DC, v8;
	v25 =	vmul.f32 v25, v23;
	v20 =	vmovc v46  }
0x241: {  	v24 =	vadd.f32 v37, v22;
	v37 =	vsel vm2, $0x3E86DFB8, v11;
	v38 =	vsel vm1, v43, v38;
	[tilespmem:v18+s19+$0x0] =	vst.idx.msk $0xffff, v36  }
0x242: {  	v36 =	vsel vm1, v42, v37;
	v37 =	vsel vm2, $0x2, v13;
	[tilespmem:v18+s20+$0x0] =	vst.idx.msk $0xffff, v33;
	v33 =	vmul.f32 v28, v23  }
0x243: {  	v41 =	vadd.f32 v41, v22;
	v36 =	vsel vm0, v36, v38;
	v38 =	vsel vm0, $0x8, v13;
	v18 =	vmovc v40;
	v28 =	vld.idx.msk [tilespmem:v46+s5+$0x0], $0xffff  }
0x244: {  	vm0 =	vgt.f32 v35, v36;
	v35 =	vor.u32 v38, v44;
	v36 =	vsel vm7, $0xBE2FC35C, v7  }
0x245: {  	v35 =	vor.u32 v37, v35;
	v37 =	vsel vm0, $0x1, v13;
	v33 =	vadd.f32 v33, v14  }
0x246: {  	vm5 =	vgt.f32 v41, $0.0e+00;
	vm0 =	vgt.f32 v24, $0.0e+00;
	v35 =	vor.u32 v37, v35  }
0x247: {  	v25 =	vadd.f32 v25, v14;
	v38 =	vsel vm5, $0x3EBA4C1A, v5;
	v37 =	vsel vm0, $0x3EBA4C1A, v5;
	[tilespmem:v15+s19+$0x0] =	vst.idx.msk $0xffff, v33  }
0x248: {  	vm9 =	vgt.f32 v41, v38;
	v38 =	vsel vm7, $0x3F1FF8BA, v6;
	v33 =	vadd.s32 s30, v0;
	[tilespmem:v15+s20+$0x0] =	vst.idx.msk $0xffff, v26;
	v15 =	vmovc v27  }
0x249: {  	vm1 =	vgt.f32 v24, v37;
	v26 =	vand.u32 $0x3F, v33;
	v27 =	vsel vm9, $0x3F1FF8BA, v6;
	[tilespmem:v16+s19+$0x0] =	vst.idx.msk $0xffff, v25  }
0x24a: {  	vm6 =	vgt.f32 v31, $0.0e+00;
	v37 =	vsel vm9, $0xBE2FC35C, v7;
	v33 =	vsel vm1, $0x3F1FF8BA, v6;
	[tilespmem:v16+s20+$0x0] =	vst.idx.msk $0xffff, v34;
	v16 =	vmovc v32  }
0x24b: {  	v25 =	vor.u32 v2, v26;
	v26 =	vsel vm1, $0xBE2FC35C, v7;
	v34 =	vsel vm4, v38, v36;
	v32 =	vld.idx.msk [tilespmem:v35+s12+$0x0], $0xffff  }
0x24c: {  	v27 =	vsel vm5, v27, v37;
	v26 =	vsel vm0, v33, v26;
	vm2 =	vgt.f32 v29, v34  }
0x24d: {  	vm10 =	vgt.f32 v41, v27;
	vm8 =	vgt.f32 v24, v26;
	v33 =	vsel vm2, $0xBEF582DC, v8  }
0x24e: {  	v26 =	vsel vm6, $0x3EBA4C1A, v5;
	v34 =	vsel vm10, $0xBEF582DC, v8;
	v27 =	vsel vm8, $0xBEF582DC, v8  }
0x24f: {  	v36 =	vsel vm10, $0xBDAD80BC, v9;
	vm11 =	vgt.f32 v31, v26;
	v26 =	vsel vm8, $0xBDAD80BC, v9  }
0x250: {  	v40 =	vsel vm10, $0x3E86DFB8, v11;
	v38 =	vsel vm11, $0x3F1FF8BA, v6;
	v27 =	vsel vm1, v26, v27;
	v37 =	vld.idx.msk [tilespmem:v25+s5+$0x0], $0xffff  }
0x251: {  	v36 =	vsel vm9, v36, v34;
	v26 =	vsel vm11, $0xBE2FC35C, v7;
	v32 =	vmul.f32 v32, v23  }
0x252: {  	v34 =	vsel vm7, $0x4, v13;
	v26 =	vsel vm6, v38, v26;
	v38 =	vsel vm10, $0x2, v13  }
0x253: {  	v42 =	vsel vm9, $0x4, v13;
	vm12 =	vgt.f32 v31, v26;
	v32 =	vadd.f32 v32, v14  }
0x254: {  	v26 =	vadd.f32 v39, v22;
	v43 =	vsel vm12, $0x3E86DFB8, v11;
	v44 =	vsel vm12, $0x3F5A919E, v12  }
0x255: {  	v39 =	vsel vm12, $0xBDAD80BC, v9;
	v43 =	vsel vm11, v44, v43;
	v44 =	vsel vm5, $0x8, v13;
	[tilespmem:v30+s19+$0x0] =	vst.idx.msk $0xffff, v32  }
0x256: {  	vm3 =	vgt.f32 v26, $0.0e+00;
	v32 =	vmul.f32 v37, v21;
	v37 =	vsel vm12, $0xBEF582DC, v8;
	[tilespmem:v30+s20+$0x0] =	vst.idx.msk $0xffff, v35  }
0x257: {  	v42 =	vor.u32 v44, v42;
	v30 =	vsel vm6, $0x8, v13;
	v35 =	vsel vm11, $0x4, v13  }
0x258: {  	v44 =	vadd.f32 v32, v22;
	v30 =	vor.u32 v30, v35;
	v35 =	vsel vm3, $0x8, v13  }
0x259: {  	v32 =	vsel vm11, v39, v37;
	v37 =	vsel vm12, $0x2, v13;
	v39 =	vsel vm10, $0x3F5A919E, v12  }
0x25a: {  	v30 =	vor.u32 v37, v30;
	v37 =	vsel vm9, v39, v40;
	vm10 =	vgt.f32 v44, $0.0e+00  }
0x25b: {  	v36 =	vsel vm5, v37, v36;
	v37 =	vor.u32 v38, v42;
	v39 =	vsel vm10, $0x3EBA4C1A, v5  }
0x25c: {  	v38 =	vsel vm10, $0x8, v13;
	vm5 =	vgt.f32 v41, v36;
	v36 =	vsel vm2, $0xBDAD80BC, v9  }
0x25d: {  	v32 =	vsel vm6, v43, v32;
	v41 =	vsel vm3, $0x3EBA4C1A, v5;
	v40 =	vsel vm5, $0x1, v13  }
0x25e: {  	vm6 =	vgt.f32 v31, v32;
	vm5 =	vgt.f32 v26, v41;
	v41 =	vsel vm7, v36, v33  }
0x25f: {  	v32 =	vsel vm6, $0x1, v13;
	vm9 =	vgt.f32 v44, v39;
	v31 =	vsel vm5, $0x3F1FF8BA, v6  }
0x260: {  	v28 =	vmul.f32 v28, v21;
	v33 =	vsel vm9, $0x3F1FF8BA, v6;
	v36 =	vsel vm5, $0xBE2FC35C, v7  }
0x261: {  	v39 =	vsel vm9, $0xBE2FC35C, v7;
	v42 =	vsel vm9, $0x4, v13;
	v31 =	vsel vm3, v31, v36  }
0x262: {  	v43 =	vadd.f32 v28, v22;
	v28 =	vsel vm5, $0x4, v13;
	vm6 =	vgt.f32 v26, v31  }
0x263: {  	v33 =	vsel vm10, v33, v39;
	v42 =	vor.u32 v38, v42;
	v31 =	vor.u32 v35, v28  }
0x264: {  	vm11 =	vgt.f32 v44, v33;
	v35 =	vsel vm2, $0x3F5A919E, v12;
	v28 =	vsel vm6, $0x3F5A919E, v12  }
0x265: {  	v36 =	vsel vm11, $0xBEF582DC, v8;
	v38 =	vsel vm11, $0xBDAD80BC, v9;
	v33 =	vsel vm6, $0x3E86DFB8, v11  }
0x266: {  	v39 =	vsel vm11, $0x3E86DFB8, v11;
	v45 =	vsel vm11, $0x3F5A919E, v12;
	v33 =	vsel vm5, v28, v33  }
0x267: {  	v28 =	vsel vm9, v45, v39;
	v38 =	vsel vm9, v38, v36;
	v36 =	vsel vm6, $0xBDAD80BC, v9  }
0x268: {  	vm9 =	vgt.f32 v43, $0.0e+00;
	v38 =	vsel vm10, v28, v38;
	v28 =	vor.u32 v40, v37  }
0x269: {  	v37 =	vsel vm9, $0x3EBA4C1A, v5;
	vm10 =	vgt.f32 v44, v38;
	v44 =	vsel vm11, $0x2, v13  }
0x26a: {  	vm11 =	vgt.f32 v43, v37;
	v37 =	vsel vm9, $0x8, v13;
	v38 =	vsel vm2, $0x3E86DFB8, v11  }
0x26b: {  	v39 =	vsel vm10, $0x1, v13;
	v40 =	vsel vm11, $0x3F1FF8BA, v6;
	v35 =	vsel vm7, v35, v38  }
0x26c: {  	v38 =	vsel vm11, $0xBE2FC35C, v7;
	v45 =	vsel vm11, $0x4, v13;
	v35 =	vsel vm4, v35, v41  }
0x26d: {  	v38 =	vsel vm9, v40, v38;
	v41 =	vor.u32 v37, v45;
	v45 =	vsel vm4, $0x8, v13  }
0x26e: {  	v37 =	vsel vm1, $0x4, v13;
	vm4 =	vgt.f32 v43, v38;
	vm7 =	vgt.f32 v29, v35  }
0x26f: {  	v38 =	vsel vm0, $0x8, v13;
	v29 =	vsel vm4, $0xBEF582DC, v8;
	v35 =	vsel vm4, $0xBDAD80BC, v9  }
.Ltmp5:
0x270: {  	v40 =	vsel vm4, $0x3E86DFB8, v11;
	v37 =	vor.u32 v38, v37;
	v38 =	vsel vm8, $0x2, v13;
	(pc) =	sbr.rel @p0 .LBB2_13-.Ltmp5, $4  }
0x271: {  	v46 =	vsel vm4, $0x3F5A919E, v12;
	v29 =	vsel vm11, v35, v29;
	v37 =	vor.u32 v38, v37  }
0x272: {  	v35 =	vsel vm11, v46, v40;
	v38 =	vsel vm4, $0x2, v13;
	v40 =	vsel vm8, $0x3E86DFB8, v11  }
0x273: {  	v34 =	vor.u32 v45, v34;
	v29 =	vsel vm9, v35, v29;
	v38 =	vor.u32 v38, v41  }
0x274: {  	v35 =	vor.u32 v44, v42;
	vm4 =	vgt.f32 v43, v29;
	v29 =	vsel vm8, $0x3F5A919E, v12  }
0x275: {  	v21 =	vor.u32 v39, v35;
	_ =	sdelay $0x2  }
0x276: {  	v22 =	vor.u32 v32, v30;
	v30 =	vsel vm6, $0xBEF582DC, v8  }
0x277: {  	v30 =	vsel vm5, v36, v30  }
0x278: {  	v36 =	vsel vm4, $0x1, v13;
	v30 =	vsel vm3, v33, v30;
	v35 =	vld.idx.msk [tilespmem:v21+s12+$0x0], $0xffff  }
0x279: {  	v39 =	vsel vm6, $0x2, v13;
	v32 =	vor.u32 v36, v38;
	vm3 =	vgt.f32 v26, v30  }
0x27a: {  	v29 =	vsel vm1, v29, v40;
	v26 =	vld.idx.msk [tilespmem:v28+s12+$0x0], $0xffff;
	v30 =	vor.u32 v39, v31;
	v31 =	vsel vm3, $0x1, v13  }
0x27b: {  	v40 =	vsel vm2, $0x2, v13;
	v27 =	vsel vm0, v29, v27;
	v41 =	vld.idx.msk [tilespmem:v22+s12+$0x0], $0xffff;
	v30 =	vor.u32 v31, v30  }
0x27c: {  	v29 =	vor.u32 v40, v34;
	vm0 =	vgt.f32 v24, v27;
	v31 =	vsel vm7, $0x1, v13  }
0x27d: {  	v24 =	vor.u32 v31, v29;
	v29 =	vsel vm0, $0x1, v13;
	v27 =	vmul.f32 v35, v23  }
0x27e: {  	v31 =	vld.idx.msk [tilespmem:v32+s12+$0x0], $0xffff;
	v29 =	vor.u32 v29, v37  }
0x27f: {  	v26 =	vmul.f32 v26, v23;
	v27 =	vadd.f32 v27, v14  }
0x280: {  	v42 =	vmul.f32 v41, v23;
	v43 =	vld.idx.msk [tilespmem:v30+s12+$0x0], $0xffff  }
0x281: {  	v26 =	vadd.f32 v26, v14;
	[tilespmem:v25+s19+$0x0] =	vst.idx.msk $0xffff, v27  }
0x282: {  	v27 =	vadd.f32 v42, v14;
	[tilespmem:v25+s20+$0x0] =	vst.idx.msk $0xffff, v21;
	v21 =	vld.idx.msk [tilespmem:v24+s12+$0x0], $0xffff  }
0x283: {  	[tilespmem:v19+s19+$0x0] =	vst.idx.msk $0xffff, v26;
	v26 =	vld.idx.msk [tilespmem:v29+s12+$0x0], $0xffff;
	v25 =	vmul.f32 v31, v23  }
0x284: {  	[tilespmem:v17+s19+$0x0] =	vst.idx.msk $0xffff, v27  }
0x285: {  	[tilespmem:v17+s20+$0x0] =	vst.idx.msk $0xffff, v22;
	v17 =	vadd.f32 v25, v14;
	v22 =	vmul.f32 v43, v23  }
0x286: {  	[tilespmem:v19+s20+$0x0] =	vst.idx.msk $0xffff, v28  }
0x287: {  	[tilespmem:v20+s19+$0x0] =	vst.idx.msk $0xffff, v17;
	v17 =	vadd.f32 v22, v14;
	v19 =	vmul.f32 v21, v23  }
0x288: {  	[tilespmem:v20+s20+$0x0] =	vst.idx.msk $0xffff, v32;
	v20 =	vmul.f32 v26, v23  }
0x289: {  	[tilespmem:v18+s19+$0x0] =	vst.idx.msk $0xffff, v17;
	v17 =	vadd.f32 v19, v14  }
0x28a: {  	[tilespmem:v18+s20+$0x0] =	vst.idx.msk $0xffff, v30;
	v14 =	vadd.f32 v20, v14  }
0x28b: {  	[tilespmem:v15+s19+$0x0] =	vst.idx.msk $0xffff, v17  }
0x28c: {  	[tilespmem:v16+s19+$0x0] =	vst.idx.msk $0xffff, v14  }
0x28d: {  	[tilespmem:v15+s20+$0x0] =	vst.idx.msk $0xffff, v24  }
0x28e: {  	[tilespmem:v16+s20+$0x0] =	vst.idx.msk $0xffff, v29  }
0x28f: {  	v14 =	vld [tilespmem:$0x3120];
	_ =	sdelay $0x4  }
0x290: {  	v14 =	vadd.f32 $9.999999930e-09, v14;
	_ =	sdelay $0x1  }
0x291: {  	(erf) = vrcp.f32 v14;
	_ =	sdelay $0x1  }
0x292: {  	s1 =	simm.s32 $0x5  }
0x293: {  	v14 =	vadd.s32 s1, v0  }
0x294: {  	v15 =	vand.u32 $0x3F, v14  }
0x295: {  	v14 =	vld [tilespmem:s28+$0x3200];
	v29 =	vor.u32 v3, v15  }
0x296: {  	s6 =	simm.s32 $0x7  }
0x297: {  	v15 =	vadd.s32 s6, v0  }
0x298: {  	s2 =	simm.s32 $0x1;
	v15 =	vand.u32 $0x3F, v15  }
0x299: {  	v16 =	vadd.s32 s2, v0;
	v15 =	vor.u32 v3, v15;
	v17 =	vpop (erf)  }
0x29a: {  	s11 =	simm.s32 $0x6;
	v16 =	vand.u32 $0x3F, v16;
	v18 =	vsub.f32 $0.0e+00, v14;
	v20 =	vld.idx.msk [tilespmem:v29+s5+$0x0], $0xffff;
	v21 =	vadd.f32 v17, v17  }
0x29b: {  	s21 =	simm.s32 $0x4;
	v17 =	vor.u32 v3, v16;
	v16 =	vadd.s32 s11, v0  }
0x29c: {  	s29 =	simm.s32 $0x3;
	v16 =	vand.u32 $0x3F, v16;
	v22 =	vmul.f32 v21, v18;
	v18 =	vadd.s32 s21, v0  }
0x29d: {  	v19 =	vadd.s32 s29, v0;
	v23 =	vand.u32 $0x3F, v18;
	v18 =	vor.u32 v3, v16  }
0x29e: {  	v16 =	vand.u32 $0x3F, v19;
	v19 =	vor.u32 v3, v23;
	v23 =	vld.idx.msk [tilespmem:v15+s5+$0x0], $0xffff  }
0x29f: {  	v20 =	vmul.f32 v20, v21;
	v22 =	vadd.f32 $-1.000000000e+00, v22;
	v16 =	vor.u32 v3, v16  }
0x2a0: {  	v24 =	vld.idx.msk [tilespmem:v17+s5+$0x0], $0xffff  }
0x2a1: {  	s30 =	simm.s32 $0x2;
	v25 =	vadd.f32 v20, v22  }
0x2a2: {  	v20 =	vadd.s32 s30, v0;
	v26 =	vld.idx.msk [tilespmem:v18+s5+$0x0], $0xffff  }
0x2a3: {  	v20 =	vand.u32 $0x3F, v20;
	vm0 =	vgt.f32 v25, $0.0e+00;
	v23 =	vmul.f32 v23, v21;
	v27 =	vld.idx.msk [tilespmem:v19+s5+$0x0], $0xffff  }
0x2a4: {  	v20 =	vor.u32 v3, v20;
	v28 =	vld.idx.msk [tilespmem:v16+s5+$0x0], $0xffff;
	v30 =	vsel vm0, $0x3EBA4C1A, v5  }
0x2a5: {  	v24 =	vmul.f32 v24, v21;
	vm1 =	vgt.f32 v25, v30;
	v34 =	vadd.f32 v23, v22  }
0x2a6: {  	v47 =	vsel vm0, $0x8, v13;
	v23 =	vsel vm1, $0x3F1FF8BA, v6;
	v30 =	vsel vm1, $0x4, v13  }
0x2a7: {  	v31 =	vadd.f32 v24, v22;
	v24 =	vsel vm1, $0xBE2FC35C, v7;
	vm4 =	vgt.f32 v34, $0.0e+00  }
0x2a8: {  	v26 =	vmul.f32 v26, v21;
	v23 =	vsel vm0, v23, v24;
	v27 =	vmul.f32 v27, v21  }
0x2a9: {  	vm2 =	vgt.f32 v25, v23;
	v23 =	vmul.f32 v28, v21;
	v24 =	vsel vm4, $0x3EBA4C1A, v5  }
0x2aa: {  	vm6 =	vgt.f32 v31, $0.0e+00;
	v28 =	vsel vm2, $0xBDAD80BC, v9;
	vm7 =	vgt.f32 v34, v24  }
0x2ab: {  	v44 =	vsel vm2, $0xBEF582DC, v8;
	v45 =	vsel vm2, $0x3F5A919E, v12;
	v46 =	vsel vm2, $0x2, v13  }
0x2ac: {  	v26 =	vadd.f32 v26, v22;
	v24 =	vadd.f32 v23, v22;
	v23 =	vsel vm2, $0x3E86DFB8, v11  }
0x2ad: {  	v28 =	vsel vm1, v28, v44;
	v36 =	vadd.f32 v27, v22;
	v27 =	vor.u32 v47, v30  }
0x2ae: {  	v41 =	vsel vm7, $0x4, v13;
	v23 =	vsel vm1, v45, v23;
	vm3 =	vgt.f32 v26, $0.0e+00  }
0x2af: {  	s31 =	simm.s32 $0x0;
	v45 =	vsel vm6, $0x8, v13;
	v23 =	vsel vm0, v23, v28;
	vm5 =	vgt.f32 v36, $0.0e+00  }
0x2b0: {  	v28 =	vadd.s32 s31, v0;
	vm0 =	vgt.f32 v25, v23;
	v23 =	vsel vm7, $0xBE2FC35C, v7  }
0x2b1: {  	v25 =	vor.u32 v46, v27;
	v28 =	vand.u32 $0x3F, v28;
	v58 =	vsel vm5, $0x8, v13  }
0x2b2: {  	v46 =	vsel vm3, $0x8, v13;
	v27 =	vsel vm0, $0x1, v13;
	vm0 =	vgt.f32 v24, $0.0e+00  }
0x2b3: {  	v35 =	vor.u32 v27, v25;
	v25 =	vsel vm0, $0x3EBA4C1A, v5;
	v27 =	vsel vm5, $0x3EBA4C1A, v5  }
0x2b4: {  	vm9 =	vgt.f32 v36, v27;
	v27 =	vsel vm7, $0x3F1FF8BA, v6;
	vm1 =	vgt.f32 v24, v25  }
0x2b5: {  	v25 =	vor.u32 v3, v28;
	v30 =	vsel vm9, $0x3F1FF8BA, v6;
	v48 =	vsel vm1, $0x3F1FF8BA, v6  }
0x2b6: {  	v49 =	vsel vm9, $0xBE2FC35C, v7;
	v28 =	vsel vm1, $0xBE2FC35C, v7;
	v27 =	vsel vm4, v27, v23  }
0x2b7: {  	v28 =	vsel vm0, v48, v28;
	v30 =	vsel vm5, v30, v49;
	vm2 =	vgt.f32 v34, v27  }
0x2b8: {  	v27 =	vsel vm6, $0x3EBA4C1A, v5;
	vm8 =	vgt.f32 v24, v28;
	vm10 =	vgt.f32 v36, v30  }
0x2b9: {  	v28 =	vsel vm2, $0xBEF582DC, v8;
	vm11 =	vgt.f32 v31, v27;
	v49 =	vsel vm2, $0xBDAD80BC, v9  }
0x2ba: {  	v30 =	vsel vm8, $0xBEF582DC, v8;
	v51 =	vsel vm10, $0xBEF582DC, v8;
	v27 =	vsel vm8, $0xBDAD80BC, v9  }
0x2bb: {  	v52 =	vsel vm10, $0xBDAD80BC, v9;
	v54 =	vsel vm11, $0x3F1FF8BA, v6;
	v55 =	vsel vm10, $0x3E86DFB8, v11  }
0x2bc: {  	v56 =	vsel vm10, $0x2, v13;
	v60 =	vsel vm10, $0x3F5A919E, v12;
	v27 =	vsel vm1, v27, v30  }
0x2bd: {  	v23 =	vld [tilespmem:$0x31A0];
	v30 =	vsel vm11, $0xBE2FC35C, v7;
	v33 =	vsel vm9, v52, v51;
	v40 =	vsel vm9, v60, v55  }
0x2be: {  	v50 =	vld.idx.msk [tilespmem:v35+s12+$0x0], $0xffff;
	v51 =	vsel vm3, $0x3EBA4C1A, v5;
	v52 =	vsel vm7, v49, v28;
	v30 =	vsel vm6, v54, v30  }
0x2bf: {  	v60 =	vsel vm2, $0x3F5A919E, v12;
	v33 =	vsel vm5, v40, v33;
	vm12 =	vgt.f32 v31, v30  }
0x2c0: {  	v53 =	vld.idx.msk [tilespmem:v25+s5+$0x0], $0xffff;
	v30 =	vsel vm9, $0x4, v13;
	vm5 =	vgt.f32 v36, v33;
	v57 =	vsel vm12, $0x3E86DFB8, v11  }
0x2c1: {  	v42 =	vsel vm12, $0x3F5A919E, v12;
	v43 =	vsel vm12, $0xBDAD80BC, v9;
	v44 =	vsel vm12, $0xBEF582DC, v8  }
0x2c2: {  	v61 =	vld.idx.msk [tilespmem:v20+s5+$0x0], $0xffff;
	v59 =	vsel vm12, $0x2, v13;
	v36 =	vsel vm5, $0x1, v13;
	vm5 =	vgt.f32 v26, v51  }
0x2c3: {  	v37 =	vmul.f32 v50, v23;
	v39 =	vsel vm11, v42, v57;
	v42 =	vor.u32 v58, v30  }
0x2c4: {  	v30 =	vsel vm11, $0x4, v13;
	v43 =	vsel vm11, v43, v44;
	v28 =	vsel vm5, $0x3F1FF8BA, v6  }
0x2c5: {  	v54 =	vsel vm5, $0xBE2FC35C, v7;
	v38 =	vmul.f32 v53, v21;
	v30 =	vor.u32 v45, v30  }
0x2c6: {  	v63 =	vor.u32 v56, v42;
	v50 =	vsel vm6, v39, v43;
	v28 =	vsel vm3, v28, v54  }
0x2c7: {  	vm6 =	vgt.f32 v31, v50;
	v31 =	vmul.f32 v61, v21;
	v38 =	vadd.f32 v38, v22  }
0x2c8: {  	v30 =	vor.u32 v59, v30;
	v32 =	vsel vm6, $0x1, v13;
	vm6 =	vgt.f32 v26, v28  }
0x2c9: {  	v28 =	vsel vm5, $0x4, v13;
	v43 =	vadd.f32 v31, v22;
	vm14 =	vgt.f32 v38, $0.0e+00  }
0x2ca: {  	v31 =	vor.u32 v46, v28;
	v28 =	vsel vm6, $0x3F5A919E, v12;
	v62 =	vsel vm14, $0x3EBA4C1A, v5  }
0x2cb: {  	v59 =	vsel vm6, $0x3E86DFB8, v11;
	vm11 =	vgt.f32 v43, $0.0e+00;
	vm15 =	vgt.f32 v38, v62  }
0x2cc: {  	v48 =	vsel vm14, $0x8, v13;
	v47 =	vsel vm11, $0x3EBA4C1A, v5;
	v53 =	vsel vm15, $0x3F1FF8BA, v6  }
0x2cd: {  	v55 =	vsel vm15, $0xBE2FC35C, v7;
	v45 =	vsel vm15, $0x4, v13;
	vm10 =	vgt.f32 v43, v47  }
0x2ce: {  	v33 =	vsel vm14, v53, v55;
	v42 =	vor.u32 v48, v45;
	v61 =	vsel vm10, $0x3F1FF8BA, v6  }
0x2cf: {  	v62 =	vsel vm10, $0xBE2FC35C, v7;
	v48 =	vsel vm2, $0x3E86DFB8, v11;
	v50 =	vsel vm10, $0x4, v13  }
0x2d0: {  	vm9 =	vgt.f32 v38, v33;
	v49 =	vsel vm7, v60, v48;
	v60 =	vsel vm8, $0x2, v13  }
0x2d1: {  	v33 =	vsel vm9, $0x3E86DFB8, v11;
	v56 =	vsel vm9, $0x3F5A919E, v12;
	v57 =	vsel vm9, $0xBEF582DC, v8  }
0x2d2: {  	v58 =	vsel vm9, $0xBDAD80BC, v9;
	v51 =	vsel vm4, v49, v52;
	v44 =	vsel vm15, v56, v33  }
0x2d3: {  	v45 =	vsel vm15, v58, v57;
	v33 =	vsel vm5, v28, v59;
	v28 =	vor.u32 v36, v63  }
0x2d4: {  	v63 =	vsel vm11, $0x8, v13;
	v36 =	vsel vm11, v61, v62;
	v57 =	vadd.f32 v37, v14  }
0x2d5: {  	v58 =	vsel vm1, $0x4, v13;
	vm7 =	vgt.f32 v34, v51;
	v59 =	vsel vm0, $0x8, v13  }
0x2d6: {  	v61 =	vsel vm9, $0x2, v13;
	v62 =	vsel vm4, $0x8, v13;
	v44 =	vsel vm14, v44, v45  }
0x2d7: {  	vm13 =	vgt.f32 v43, v36;
	v52 =	vor.u32 v63, v50;
	v36 =	vsel vm6, $0xBDAD80BC, v9  }
0x2d8: {  	v34 =	vor.u32 v59, v58;
	vm12 =	vgt.f32 v38, v44;
	v53 =	vsel vm13, $0xBEF582DC, v8  }
0x2d9: {  	v54 =	vsel vm13, $0xBDAD80BC, v9;
	v55 =	vsel vm13, $0x3E86DFB8, v11;
	v56 =	vsel vm13, $0x3F5A919E, v12  }
0x2da: {  	v37 =	vor.u32 v60, v34;
	v63 =	vsel vm13, $0x2, v13;
	[tilespmem:v29+s19+$0x0] =	vst.idx.msk $0xffff, v57;
	v34 =	vor.u32 v62, v41  }
0x2db: {  	v40 =	vsel vm10, v54, v53;
	v44 =	vsel vm10, v56, v55;
	v38 =	vor.u32 v63, v52  }
0x2dc: {  	v39 =	vsel vm12, $0x1, v13;
	[tilespmem:v29+s20+$0x0] =	vst.idx.msk $0xffff, v35;
	v35 =	vor.u32 v61, v42;
	v44 =	vsel vm11, v44, v40  }
0x2dd: {  	s28 =	simm.s32 $0x8;
	v29 =	vsel vm8, $0x3F5A919E, v12;
	v40 =	vsel vm8, $0x3E86DFB8, v11;
	vm4 =	vgt.f32 v43, v44  }
.LBB2_15:
0x2de: {  	s1 =	sadd.s32 $0x1, s28  }
0x2df: {  	s2 =	sadd.s32 $0x2, s28;
	s6 =	sadd.s32 $0x3, s28;
	v35 =	vor.u32 v39, v35;
	v29 =	vsel vm1, v29, v40;
	v39 =	vsel vm2, $0x2, v13;
	s29 =	smov.u32 s28  }
0x2e0: {  	s11 =	sadd.s32 $0x6, s28;
	v40 =	vadd.s32 s1, v0;
	v41 =	vadd.s32 s2, v0;
	s1 =	sadd.s32 $0x4, s28;
	s2 =	sadd.s32 $0x5, s28;
	v29 =	vsel vm0, v29, v27  }
0x2e1: {  	p0 =	slt.u32 s28, $0x38;
	v43 =	vor.u32 v32, v30;
	s28 =	sadd.s32 $0x8, s28;
	v42 =	vadd.s32 s1, v0;
	v27 =	vadd.s32 s2, v0;
	s1 =	sadd.s32 $0x7, s29  }
0x2e2: {  	v39 =	vor.u32 v39, v34;
	v32 =	vand.u32 $0x3F, v40;
	v30 =	vadd.s32 s1, v0  }
0x2e3: {  	v34 =	vadd.s32 s6, v0;
	v40 =	vadd.s32 s11, v0;
	v30 =	vand.u32 $0x3F, v30  }
0x2e4: {  	v45 =	vsel vm4, $0x1, v13;
	v44 =	vand.u32 $0x3F, v27;
	v27 =	vor.u32 v3, v30  }
0x2e5: {  	vm0 =	vgt.f32 v24, v29;
	v42 =	vand.u32 $0x3F, v42;
	v30 =	vor.u32 v3, v44;
	v24 =	vld.idx.msk [tilespmem:v28+s12+$0x0], $0xffff  }
0x2e6: {  	v29 =	vand.u32 $0x3F, v41;
	v44 =	vor.u32 v3, v32;
	v32 =	vsel vm6, $0xBEF582DC, v8;
	v41 =	vld.idx.msk [tilespmem:v43+s12+$0x0], $0xffff  }
0x2e7: {  	v46 =	vor.u32 v3, v29;
	v29 =	vand.u32 $0x3F, v34;
	v36 =	vsel vm5, v36, v32;
	v47 =	vld.idx.msk [tilespmem:v35+s12+$0x0], $0xffff  }
0x2e8: {  	v34 =	vsel vm0, $0x1, v13;
	v32 =	vor.u32 v3, v29;
	v29 =	vand.u32 $0x3F, v40  }
0x2e9: {  	v38 =	vor.u32 v45, v38;
	v40 =	vor.u32 v3, v29;
	v29 =	vsel vm7, $0x1, v13  }
0x2ea: {  	v34 =	vor.u32 v34, v37;
	v33 =	vsel vm3, v33, v36;
	v36 =	vsel vm6, $0x2, v13;
	v45 =	vld.idx.msk [tilespmem:v30+s5+$0x0], $0xffff  }
0x2eb: {  	v37 =	vor.u32 v3, v42;
	vm0 =	vgt.f32 v26, v33;
	v26 =	vor.u32 v29, v39;
	v42 =	vld.idx.msk [tilespmem:v27+s5+$0x0], $0xffff  }
0x2ec: {  	v31 =	vor.u32 v36, v31;
	v33 =	vsel vm0, $0x1, v13;
	v29 =	vmul.f32 v41, v23  }
0x2ed: {  	v33 =	vor.u32 v33, v31;
	v24 =	vmul.f32 v24, v23;
	v39 =	vmul.f32 v47, v23;
	v36 =	vld.idx.msk [tilespmem:v44+s5+$0x0], $0xffff  }
0x2ee: {  	v41 =	vadd.f32 v29, v14;
	v31 =	vld.idx.msk [tilespmem:v38+s12+$0x0], $0xffff  }
0x2ef: {  	v24 =	vadd.f32 v24, v14;
	v29 =	vadd.f32 v39, v14  }
0x2f0: {  	v39 =	vld.idx.msk [tilespmem:v40+s5+$0x0], $0xffff  }
0x2f1: {  	v45 =	vmul.f32 v45, v21;
	v42 =	vmul.f32 v42, v21;
	[tilespmem:v25+s19+$0x0] =	vst.idx.msk $0xffff, v29  }
0x2f2: {  	v47 =	vld.idx.msk [tilespmem:v37+s5+$0x0], $0xffff;
	[tilespmem:v25+s20+$0x0] =	vst.idx.msk $0xffff, v35  }
0x2f3: {  	v25 =	vmul.f32 v36, v21;
	v35 =	vadd.f32 v45, v22;
	v29 =	vadd.f32 v42, v22;
	v36 =	vld.idx.msk [tilespmem:v33+s12+$0x0], $0xffff  }
0x2f4: {  	v45 =	vmul.f32 v31, v23;
	v42 =	vld.idx.msk [tilespmem:v32+s5+$0x0], $0xffff;
	[tilespmem:v19+s19+$0x0] =	vst.idx.msk $0xffff, v24  }
0x2f5: {  	v31 =	vadd.f32 v25, v22;
	vm0 =	vgt.f32 v35, $0.0e+00;
	[tilespmem:v17+s19+$0x0] =	vst.idx.msk $0xffff, v41  }
0x2f6: {  	vm4 =	vgt.f32 v29, $0.0e+00;
	v24 =	vsel vm0, $0x3EBA4C1A, v5;
	[tilespmem:v17+s20+$0x0] =	vst.idx.msk $0xffff, v43;
	v25 =	vld.idx.msk [tilespmem:v34+s12+$0x0], $0xffff;
	v17 =	vmov v44  }
0x2f7: {  	v39 =	vmul.f32 v39, v21;
	vm1 =	vgt.f32 v35, v24;
	v24 =	vadd.f32 v45, v14  }
0x2f8: {  	v41 =	vmul.f32 v47, v21;
	v43 =	vsel vm1, $0x3F1FF8BA, v6;
	v44 =	vsel vm1, $0xBE2FC35C, v7;
	[tilespmem:v19+s20+$0x0] =	vst.idx.msk $0xffff, v28;
	v28 =	vld.idx.msk [tilespmem:v26+s12+$0x0], $0xffff  }
0x2f9: {  	v43 =	vsel vm0, v43, v44;
	v44 =	vsel vm1, $0x4, v13;
	v36 =	vmul.f32 v36, v23;
	v19 =	vmovc v37  }
0x2fa: {  	v37 =	vmul.f32 v42, v21;
	vm2 =	vgt.f32 v35, v43;
	v42 =	vsel vm4, $0x3EBA4C1A, v5;
	[tilespmem:v20+s19+$0x0] =	vst.idx.msk $0xffff, v24  }
0x2fb: {  	v43 =	vsel vm2, $0xBDAD80BC, v9;
	vm7 =	vgt.f32 v29, v42;
	v36 =	vadd.f32 v36, v14;
	[tilespmem:v20+s20+$0x0] =	vst.idx.msk $0xffff, v38  }
0x2fc: {  	v42 =	vsel vm2, $0x3F5A919E, v12;
	v38 =	vsel vm2, $0xBEF582DC, v8;
	v25 =	vmul.f32 v25, v23;
	v20 =	vmovc v46  }
0x2fd: {  	v24 =	vadd.f32 v37, v22;
	v37 =	vsel vm2, $0x3E86DFB8, v11;
	v38 =	vsel vm1, v43, v38;
	[tilespmem:v18+s19+$0x0] =	vst.idx.msk $0xffff, v36  }
0x2fe: {  	v36 =	vsel vm1, v42, v37;
	v37 =	vsel vm2, $0x2, v13;
	[tilespmem:v18+s20+$0x0] =	vst.idx.msk $0xffff, v33;
	v33 =	vmul.f32 v28, v23  }
0x2ff: {  	v41 =	vadd.f32 v41, v22;
	v36 =	vsel vm0, v36, v38;
	v38 =	vsel vm0, $0x8, v13;
	v18 =	vmovc v40;
	v28 =	vld.idx.msk [tilespmem:v46+s5+$0x0], $0xffff  }
0x300: {  	vm0 =	vgt.f32 v35, v36;
	v35 =	vor.u32 v38, v44;
	v36 =	vsel vm7, $0xBE2FC35C, v7  }
0x301: {  	v35 =	vor.u32 v37, v35;
	v37 =	vsel vm0, $0x1, v13;
	v33 =	vadd.f32 v33, v14  }
0x302: {  	vm5 =	vgt.f32 v41, $0.0e+00;
	vm0 =	vgt.f32 v24, $0.0e+00;
	v35 =	vor.u32 v37, v35  }
0x303: {  	v25 =	vadd.f32 v25, v14;
	v38 =	vsel vm5, $0x3EBA4C1A, v5;
	v37 =	vsel vm0, $0x3EBA4C1A, v5;
	[tilespmem:v15+s19+$0x0] =	vst.idx.msk $0xffff, v33  }
0x304: {  	vm9 =	vgt.f32 v41, v38;
	v38 =	vsel vm7, $0x3F1FF8BA, v6;
	v33 =	vadd.s32 s29, v0;
	[tilespmem:v15+s20+$0x0] =	vst.idx.msk $0xffff, v26;
	v15 =	vmovc v27  }
0x305: {  	vm1 =	vgt.f32 v24, v37;
	v26 =	vand.u32 $0x3F, v33;
	v27 =	vsel vm9, $0x3F1FF8BA, v6;
	[tilespmem:v16+s19+$0x0] =	vst.idx.msk $0xffff, v25  }
0x306: {  	vm6 =	vgt.f32 v31, $0.0e+00;
	v37 =	vsel vm9, $0xBE2FC35C, v7;
	v33 =	vsel vm1, $0x3F1FF8BA, v6;
	[tilespmem:v16+s20+$0x0] =	vst.idx.msk $0xffff, v34;
	v16 =	vmovc v32  }
0x307: {  	v25 =	vor.u32 v3, v26;
	v26 =	vsel vm1, $0xBE2FC35C, v7;
	v34 =	vsel vm4, v38, v36;
	v32 =	vld.idx.msk [tilespmem:v35+s12+$0x0], $0xffff  }
0x308: {  	v27 =	vsel vm5, v27, v37;
	v26 =	vsel vm0, v33, v26;
	vm2 =	vgt.f32 v29, v34  }
0x309: {  	vm10 =	vgt.f32 v41, v27;
	vm8 =	vgt.f32 v24, v26;
	v33 =	vsel vm2, $0xBEF582DC, v8  }
0x30a: {  	v26 =	vsel vm6, $0x3EBA4C1A, v5;
	v34 =	vsel vm10, $0xBEF582DC, v8;
	v27 =	vsel vm8, $0xBEF582DC, v8  }
0x30b: {  	v36 =	vsel vm10, $0xBDAD80BC, v9;
	vm11 =	vgt.f32 v31, v26;
	v26 =	vsel vm8, $0xBDAD80BC, v9  }
0x30c: {  	v40 =	vsel vm10, $0x3E86DFB8, v11;
	v38 =	vsel vm11, $0x3F1FF8BA, v6;
	v27 =	vsel vm1, v26, v27;
	v37 =	vld.idx.msk [tilespmem:v25+s5+$0x0], $0xffff  }
0x30d: {  	v36 =	vsel vm9, v36, v34;
	v26 =	vsel vm11, $0xBE2FC35C, v7;
	v32 =	vmul.f32 v32, v23  }
0x30e: {  	v34 =	vsel vm7, $0x4, v13;
	v26 =	vsel vm6, v38, v26;
	v38 =	vsel vm10, $0x2, v13  }
0x30f: {  	v42 =	vsel vm9, $0x4, v13;
	vm12 =	vgt.f32 v31, v26;
	v32 =	vadd.f32 v32, v14  }
0x310: {  	v26 =	vadd.f32 v39, v22;
	v43 =	vsel vm12, $0x3E86DFB8, v11;
	v44 =	vsel vm12, $0x3F5A919E, v12  }
0x311: {  	v39 =	vsel vm12, $0xBDAD80BC, v9;
	v43 =	vsel vm11, v44, v43;
	v44 =	vsel vm5, $0x8, v13;
	[tilespmem:v30+s19+$0x0] =	vst.idx.msk $0xffff, v32  }
0x312: {  	vm3 =	vgt.f32 v26, $0.0e+00;
	v32 =	vmul.f32 v37, v21;
	v37 =	vsel vm12, $0xBEF582DC, v8;
	[tilespmem:v30+s20+$0x0] =	vst.idx.msk $0xffff, v35  }
0x313: {  	v42 =	vor.u32 v44, v42;
	v30 =	vsel vm6, $0x8, v13;
	v35 =	vsel vm11, $0x4, v13  }
0x314: {  	v44 =	vadd.f32 v32, v22;
	v30 =	vor.u32 v30, v35;
	v35 =	vsel vm3, $0x8, v13  }
0x315: {  	v32 =	vsel vm11, v39, v37;
	v37 =	vsel vm12, $0x2, v13;
	v39 =	vsel vm10, $0x3F5A919E, v12  }
0x316: {  	v30 =	vor.u32 v37, v30;
	v37 =	vsel vm9, v39, v40;
	vm10 =	vgt.f32 v44, $0.0e+00  }
0x317: {  	v36 =	vsel vm5, v37, v36;
	v37 =	vor.u32 v38, v42;
	v39 =	vsel vm10, $0x3EBA4C1A, v5  }
0x318: {  	v38 =	vsel vm10, $0x8, v13;
	vm5 =	vgt.f32 v41, v36;
	v36 =	vsel vm2, $0xBDAD80BC, v9  }
0x319: {  	v32 =	vsel vm6, v43, v32;
	v41 =	vsel vm3, $0x3EBA4C1A, v5;
	v40 =	vsel vm5, $0x1, v13  }
0x31a: {  	vm6 =	vgt.f32 v31, v32;
	vm5 =	vgt.f32 v26, v41;
	v41 =	vsel vm7, v36, v33  }
0x31b: {  	v32 =	vsel vm6, $0x1, v13;
	vm9 =	vgt.f32 v44, v39;
	v31 =	vsel vm5, $0x3F1FF8BA, v6  }
0x31c: {  	v28 =	vmul.f32 v28, v21;
	v33 =	vsel vm9, $0x3F1FF8BA, v6;
	v36 =	vsel vm5, $0xBE2FC35C, v7  }
0x31d: {  	v39 =	vsel vm9, $0xBE2FC35C, v7;
	v42 =	vsel vm9, $0x4, v13;
	v31 =	vsel vm3, v31, v36  }
0x31e: {  	v43 =	vadd.f32 v28, v22;
	v28 =	vsel vm5, $0x4, v13;
	vm6 =	vgt.f32 v26, v31  }
0x31f: {  	v33 =	vsel vm10, v33, v39;
	v42 =	vor.u32 v38, v42;
	v31 =	vor.u32 v35, v28  }
0x320: {  	vm11 =	vgt.f32 v44, v33;
	v35 =	vsel vm2, $0x3F5A919E, v12;
	v28 =	vsel vm6, $0x3F5A919E, v12  }
0x321: {  	v36 =	vsel vm11, $0xBEF582DC, v8;
	v38 =	vsel vm11, $0xBDAD80BC, v9;
	v33 =	vsel vm6, $0x3E86DFB8, v11  }
0x322: {  	v39 =	vsel vm11, $0x3E86DFB8, v11;
	v45 =	vsel vm11, $0x3F5A919E, v12;
	v33 =	vsel vm5, v28, v33  }
0x323: {  	v28 =	vsel vm9, v45, v39;
	v38 =	vsel vm9, v38, v36;
	v36 =	vsel vm6, $0xBDAD80BC, v9  }
0x324: {  	vm9 =	vgt.f32 v43, $0.0e+00;
	v38 =	vsel vm10, v28, v38;
	v28 =	vor.u32 v40, v37  }
0x325: {  	v37 =	vsel vm9, $0x3EBA4C1A, v5;
	vm10 =	vgt.f32 v44, v38;
	v44 =	vsel vm11, $0x2, v13  }
0x326: {  	vm11 =	vgt.f32 v43, v37;
	v37 =	vsel vm9, $0x8, v13;
	v38 =	vsel vm2, $0x3E86DFB8, v11  }
0x327: {  	v39 =	vsel vm10, $0x1, v13;
	v40 =	vsel vm11, $0x3F1FF8BA, v6;
	v35 =	vsel vm7, v35, v38  }
0x328: {  	v38 =	vsel vm11, $0xBE2FC35C, v7;
	v45 =	vsel vm11, $0x4, v13;
	v35 =	vsel vm4, v35, v41  }
0x329: {  	v38 =	vsel vm9, v40, v38;
	v41 =	vor.u32 v37, v45;
	v45 =	vsel vm4, $0x8, v13  }
0x32a: {  	v37 =	vsel vm1, $0x4, v13;
	vm4 =	vgt.f32 v43, v38;
	vm7 =	vgt.f32 v29, v35  }
0x32b: {  	v38 =	vsel vm0, $0x8, v13;
	v29 =	vsel vm4, $0xBEF582DC, v8;
	v35 =	vsel vm4, $0xBDAD80BC, v9  }
.Ltmp6:
0x32c: {  	v40 =	vsel vm4, $0x3E86DFB8, v11;
	v37 =	vor.u32 v38, v37;
	v38 =	vsel vm8, $0x2, v13;
	(pc) =	sbr.rel @p0 .LBB2_15-.Ltmp6, $4  }
0x32d: {  	v46 =	vsel vm4, $0x3F5A919E, v12;
	v29 =	vsel vm11, v35, v29;
	v37 =	vor.u32 v38, v37  }
0x32e: {  	v35 =	vsel vm11, v46, v40;
	v38 =	vsel vm4, $0x2, v13;
	v40 =	vsel vm8, $0x3E86DFB8, v11  }
0x32f: {  	v34 =	vor.u32 v45, v34;
	v29 =	vsel vm9, v35, v29;
	v38 =	vor.u32 v38, v41  }
0x330: {  	v35 =	vor.u32 v44, v42;
	vm4 =	vgt.f32 v43, v29;
	v29 =	vsel vm8, $0x3F5A919E, v12  }
0x331: {  	v21 =	vor.u32 v39, v35;
	_ =	sdelay $0x2  }
0x332: {  	v22 =	vor.u32 v32, v30;
	v30 =	vsel vm6, $0xBEF582DC, v8  }
0x333: {  	v30 =	vsel vm5, v36, v30  }
0x334: {  	v36 =	vsel vm4, $0x1, v13;
	v30 =	vsel vm3, v33, v30;
	v35 =	vld.idx.msk [tilespmem:v21+s12+$0x0], $0xffff  }
0x335: {  	v39 =	vsel vm6, $0x2, v13;
	v32 =	vor.u32 v36, v38;
	vm3 =	vgt.f32 v26, v30  }
0x336: {  	v29 =	vsel vm1, v29, v40;
	v26 =	vld.idx.msk [tilespmem:v28+s12+$0x0], $0xffff;
	v30 =	vor.u32 v39, v31;
	v31 =	vsel vm3, $0x1, v13  }
0x337: {  	v40 =	vsel vm2, $0x2, v13;
	v27 =	vsel vm0, v29, v27;
	v41 =	vld.idx.msk [tilespmem:v22+s12+$0x0], $0xffff;
	v30 =	vor.u32 v31, v30  }
0x338: {  	v29 =	vor.u32 v40, v34;
	vm0 =	vgt.f32 v24, v27;
	v31 =	vsel vm7, $0x1, v13  }
0x339: {  	v24 =	vor.u32 v31, v29;
	v29 =	vsel vm0, $0x1, v13;
	v27 =	vmul.f32 v35, v23  }
0x33a: {  	v31 =	vld.idx.msk [tilespmem:v32+s12+$0x0], $0xffff;
	v29 =	vor.u32 v29, v37  }
0x33b: {  	v26 =	vmul.f32 v26, v23;
	v27 =	vadd.f32 v27, v14  }
0x33c: {  	v42 =	vmul.f32 v41, v23;
	v43 =	vld.idx.msk [tilespmem:v30+s12+$0x0], $0xffff  }
0x33d: {  	v26 =	vadd.f32 v26, v14;
	[tilespmem:v25+s19+$0x0] =	vst.idx.msk $0xffff, v27  }
0x33e: {  	v27 =	vadd.f32 v42, v14;
	[tilespmem:v25+s20+$0x0] =	vst.idx.msk $0xffff, v21;
	v21 =	vld.idx.msk [tilespmem:v24+s12+$0x0], $0xffff  }
0x33f: {  	[tilespmem:v19+s19+$0x0] =	vst.idx.msk $0xffff, v26;
	v26 =	vld.idx.msk [tilespmem:v29+s12+$0x0], $0xffff;
	v25 =	vmul.f32 v31, v23  }
0x340: {  	[tilespmem:v17+s19+$0x0] =	vst.idx.msk $0xffff, v27  }
0x341: {  	[tilespmem:v17+s20+$0x0] =	vst.idx.msk $0xffff, v22;
	v17 =	vadd.f32 v25, v14;
	v22 =	vmul.f32 v43, v23  }
0x342: {  	[tilespmem:v19+s20+$0x0] =	vst.idx.msk $0xffff, v28  }
0x343: {  	[tilespmem:v20+s19+$0x0] =	vst.idx.msk $0xffff, v17;
	v17 =	vadd.f32 v22, v14;
	v19 =	vmul.f32 v21, v23  }
0x344: {  	[tilespmem:v20+s20+$0x0] =	vst.idx.msk $0xffff, v32;
	v20 =	vmul.f32 v26, v23  }
0x345: {  	[tilespmem:v18+s19+$0x0] =	vst.idx.msk $0xffff, v17;
	v17 =	vadd.f32 v19, v14  }
0x346: {  	[tilespmem:v18+s20+$0x0] =	vst.idx.msk $0xffff, v30;
	v14 =	vadd.f32 v20, v14  }
0x347: {  	[tilespmem:v15+s19+$0x0] =	vst.idx.msk $0xffff, v17  }
0x348: {  	[tilespmem:v16+s19+$0x0] =	vst.idx.msk $0xffff, v14  }
0x349: {  	[tilespmem:v15+s20+$0x0] =	vst.idx.msk $0xffff, v24  }
0x34a: {  	[tilespmem:v16+s20+$0x0] =	vst.idx.msk $0xffff, v29  }
0x34b: {  	v14 =	vld [tilespmem:$0x3130];
	_ =	sdelay $0x4  }
0x34c: {  	v14 =	vadd.f32 $9.999999930e-09, v14;
	_ =	sdelay $0x1  }
0x34d: {  	(erf) = vrcp.f32 v14;
	_ =	sdelay $0x1  }
0x34e: {  	s1 =	simm.s32 $0x5  }
0x34f: {  	v14 =	vadd.s32 s1, v0  }
0x350: {  	v15 =	vand.u32 $0x3F, v14  }
0x351: {  	v14 =	vld [tilespmem:s26+$0x3200];
	v29 =	vor.u32 v4, v15  }
0x352: {  	s21 =	simm.s32 $0x7  }
0x353: {  	v15 =	vadd.s32 s21, v0  }
0x354: {  	s2 =	simm.s32 $0x1;
	v15 =	vand.u32 $0x3F, v15  }
0x355: {  	v16 =	vadd.s32 s2, v0;
	v15 =	vor.u32 v4, v15;
	v17 =	vpop (erf)  }
0x356: {  	v16 =	vand.u32 $0x3F, v16;
	s26 =	simm.s32 $0x6;
	v18 =	vsub.f32 $0.0e+00, v14;
	v20 =	vld.idx.msk [tilespmem:v29+s5+$0x0], $0xffff;
	v21 =	vadd.f32 v17, v17  }
0x357: {  	s28 =	simm.s32 $0x4;
	v17 =	vor.u32 v4, v16;
	v16 =	vadd.s32 s26, v0  }
0x358: {  	s29 =	simm.s32 $0x3;
	v16 =	vand.u32 $0x3F, v16;
	v22 =	vmul.f32 v21, v18;
	v18 =	vadd.s32 s28, v0  }
0x359: {  	v19 =	vadd.s32 s29, v0;
	v23 =	vand.u32 $0x3F, v18;
	v18 =	vor.u32 v4, v16  }
0x35a: {  	v16 =	vand.u32 $0x3F, v19;
	v19 =	vor.u32 v4, v23;
	v23 =	vld.idx.msk [tilespmem:v15+s5+$0x0], $0xffff  }
0x35b: {  	v20 =	vmul.f32 v20, v21;
	v22 =	vadd.f32 $-1.000000000e+00, v22;
	v16 =	vor.u32 v4, v16  }
0x35c: {  	v24 =	vld.idx.msk [tilespmem:v17+s5+$0x0], $0xffff  }
0x35d: {  	s30 =	simm.s32 $0x2;
	v25 =	vadd.f32 v20, v22  }
0x35e: {  	v20 =	vadd.s32 s30, v0;
	v26 =	vld.idx.msk [tilespmem:v18+s5+$0x0], $0xffff  }
0x35f: {  	v20 =	vand.u32 $0x3F, v20;
	vm0 =	vgt.f32 v25, $0.0e+00;
	v23 =	vmul.f32 v23, v21;
	v27 =	vld.idx.msk [tilespmem:v19+s5+$0x0], $0xffff  }
0x360: {  	v20 =	vor.u32 v4, v20;
	v28 =	vld.idx.msk [tilespmem:v16+s5+$0x0], $0xffff;
	v30 =	vsel vm0, $0x3EBA4C1A, v5  }
0x361: {  	v24 =	vmul.f32 v24, v21;
	vm1 =	vgt.f32 v25, v30;
	v34 =	vadd.f32 v23, v22  }
0x362: {  	v47 =	vsel vm0, $0x8, v13;
	v23 =	vsel vm1, $0x3F1FF8BA, v6;
	v30 =	vsel vm1, $0x4, v13  }
0x363: {  	v31 =	vadd.f32 v24, v22;
	v24 =	vsel vm1, $0xBE2FC35C, v7;
	vm4 =	vgt.f32 v34, $0.0e+00  }
0x364: {  	v26 =	vmul.f32 v26, v21;
	v23 =	vsel vm0, v23, v24;
	v27 =	vmul.f32 v27, v21  }
0x365: {  	vm2 =	vgt.f32 v25, v23;
	v23 =	vmul.f32 v28, v21;
	v24 =	vsel vm4, $0x3EBA4C1A, v5  }
0x366: {  	vm6 =	vgt.f32 v31, $0.0e+00;
	v28 =	vsel vm2, $0xBDAD80BC, v9;
	vm7 =	vgt.f32 v34, v24  }
0x367: {  	v44 =	vsel vm2, $0xBEF582DC, v8;
	v45 =	vsel vm2, $0x3F5A919E, v12;
	v46 =	vsel vm2, $0x2, v13  }
0x368: {  	v26 =	vadd.f32 v26, v22;
	v24 =	vadd.f32 v23, v22;
	v23 =	vsel vm2, $0x3E86DFB8, v11  }
0x369: {  	v28 =	vsel vm1, v28, v44;
	v36 =	vadd.f32 v27, v22;
	v27 =	vor.u32 v47, v30  }
0x36a: {  	v41 =	vsel vm7, $0x4, v13;
	v23 =	vsel vm1, v45, v23;
	vm3 =	vgt.f32 v26, $0.0e+00  }
0x36b: {  	s31 =	simm.s32 $0x0;
	v45 =	vsel vm6, $0x8, v13;
	v23 =	vsel vm0, v23, v28;
	vm5 =	vgt.f32 v36, $0.0e+00  }
0x36c: {  	v28 =	vadd.s32 s31, v0;
	vm0 =	vgt.f32 v25, v23;
	v23 =	vsel vm7, $0xBE2FC35C, v7  }
0x36d: {  	v25 =	vor.u32 v46, v27;
	v28 =	vand.u32 $0x3F, v28;
	v58 =	vsel vm5, $0x8, v13  }
0x36e: {  	v46 =	vsel vm3, $0x8, v13;
	v27 =	vsel vm0, $0x1, v13;
	vm0 =	vgt.f32 v24, $0.0e+00  }
0x36f: {  	v35 =	vor.u32 v27, v25;
	v25 =	vsel vm0, $0x3EBA4C1A, v5;
	v27 =	vsel vm5, $0x3EBA4C1A, v5  }
0x370: {  	vm9 =	vgt.f32 v36, v27;
	v27 =	vsel vm7, $0x3F1FF8BA, v6;
	vm1 =	vgt.f32 v24, v25  }
0x371: {  	v25 =	vor.u32 v4, v28;
	v30 =	vsel vm9, $0x3F1FF8BA, v6;
	v48 =	vsel vm1, $0x3F1FF8BA, v6  }
0x372: {  	v49 =	vsel vm9, $0xBE2FC35C, v7;
	v28 =	vsel vm1, $0xBE2FC35C, v7;
	v27 =	vsel vm4, v27, v23  }
0x373: {  	v28 =	vsel vm0, v48, v28;
	v30 =	vsel vm5, v30, v49;
	vm2 =	vgt.f32 v34, v27  }
0x374: {  	v27 =	vsel vm6, $0x3EBA4C1A, v5;
	vm8 =	vgt.f32 v24, v28;
	vm10 =	vgt.f32 v36, v30  }
0x375: {  	v28 =	vsel vm2, $0xBEF582DC, v8;
	vm11 =	vgt.f32 v31, v27;
	v49 =	vsel vm2, $0xBDAD80BC, v9  }
0x376: {  	v30 =	vsel vm8, $0xBEF582DC, v8;
	v51 =	vsel vm10, $0xBEF582DC, v8;
	v27 =	vsel vm8, $0xBDAD80BC, v9  }
0x377: {  	v52 =	vsel vm10, $0xBDAD80BC, v9;
	v54 =	vsel vm11, $0x3F1FF8BA, v6;
	v55 =	vsel vm10, $0x3E86DFB8, v11  }
0x378: {  	v56 =	vsel vm10, $0x2, v13;
	v60 =	vsel vm10, $0x3F5A919E, v12;
	v27 =	vsel vm1, v27, v30  }
0x379: {  	v23 =	vld [tilespmem:$0x31B0];
	v30 =	vsel vm11, $0xBE2FC35C, v7;
	v33 =	vsel vm9, v52, v51;
	v40 =	vsel vm9, v60, v55  }
0x37a: {  	v50 =	vld.idx.msk [tilespmem:v35+s12+$0x0], $0xffff;
	v51 =	vsel vm3, $0x3EBA4C1A, v5;
	v52 =	vsel vm7, v49, v28;
	v30 =	vsel vm6, v54, v30  }
0x37b: {  	v60 =	vsel vm2, $0x3F5A919E, v12;
	v33 =	vsel vm5, v40, v33;
	vm12 =	vgt.f32 v31, v30  }
0x37c: {  	v53 =	vld.idx.msk [tilespmem:v25+s5+$0x0], $0xffff;
	v30 =	vsel vm9, $0x4, v13;
	vm5 =	vgt.f32 v36, v33;
	v57 =	vsel vm12, $0x3E86DFB8, v11  }
0x37d: {  	v42 =	vsel vm12, $0x3F5A919E, v12;
	v43 =	vsel vm12, $0xBDAD80BC, v9;
	v44 =	vsel vm12, $0xBEF582DC, v8  }
0x37e: {  	v61 =	vld.idx.msk [tilespmem:v20+s5+$0x0], $0xffff;
	v59 =	vsel vm12, $0x2, v13;
	v36 =	vsel vm5, $0x1, v13;
	vm5 =	vgt.f32 v26, v51  }
0x37f: {  	v37 =	vmul.f32 v50, v23;
	v39 =	vsel vm11, v42, v57;
	v42 =	vor.u32 v58, v30  }
0x380: {  	v30 =	vsel vm11, $0x4, v13;
	v43 =	vsel vm11, v43, v44;
	v28 =	vsel vm5, $0x3F1FF8BA, v6  }
0x381: {  	v54 =	vsel vm5, $0xBE2FC35C, v7;
	v38 =	vmul.f32 v53, v21;
	v30 =	vor.u32 v45, v30  }
0x382: {  	v63 =	vor.u32 v56, v42;
	v50 =	vsel vm6, v39, v43;
	v28 =	vsel vm3, v28, v54  }
0x383: {  	vm6 =	vgt.f32 v31, v50;
	v31 =	vmul.f32 v61, v21;
	v38 =	vadd.f32 v38, v22  }
0x384: {  	v30 =	vor.u32 v59, v30;
	v32 =	vsel vm6, $0x1, v13;
	vm6 =	vgt.f32 v26, v28  }
0x385: {  	v28 =	vsel vm5, $0x4, v13;
	v43 =	vadd.f32 v31, v22;
	vm14 =	vgt.f32 v38, $0.0e+00  }
0x386: {  	v31 =	vor.u32 v46, v28;
	v28 =	vsel vm6, $0x3F5A919E, v12;
	v62 =	vsel vm14, $0x3EBA4C1A, v5  }
0x387: {  	v59 =	vsel vm6, $0x3E86DFB8, v11;
	vm11 =	vgt.f32 v43, $0.0e+00;
	vm15 =	vgt.f32 v38, v62  }
0x388: {  	v48 =	vsel vm14, $0x8, v13;
	v47 =	vsel vm11, $0x3EBA4C1A, v5;
	v53 =	vsel vm15, $0x3F1FF8BA, v6  }
0x389: {  	v55 =	vsel vm15, $0xBE2FC35C, v7;
	v45 =	vsel vm15, $0x4, v13;
	vm10 =	vgt.f32 v43, v47  }
0x38a: {  	v33 =	vsel vm14, v53, v55;
	v42 =	vor.u32 v48, v45;
	v61 =	vsel vm10, $0x3F1FF8BA, v6  }
0x38b: {  	v62 =	vsel vm10, $0xBE2FC35C, v7;
	v48 =	vsel vm2, $0x3E86DFB8, v11;
	v50 =	vsel vm10, $0x4, v13  }
0x38c: {  	vm9 =	vgt.f32 v38, v33;
	v49 =	vsel vm7, v60, v48;
	v60 =	vsel vm8, $0x2, v13  }
0x38d: {  	v33 =	vsel vm9, $0x3E86DFB8, v11;
	v56 =	vsel vm9, $0x3F5A919E, v12;
	v57 =	vsel vm9, $0xBEF582DC, v8  }
0x38e: {  	v58 =	vsel vm9, $0xBDAD80BC, v9;
	v51 =	vsel vm4, v49, v52;
	v44 =	vsel vm15, v56, v33  }
0x38f: {  	v45 =	vsel vm15, v58, v57;
	v33 =	vsel vm5, v28, v59;
	v28 =	vor.u32 v36, v63  }
0x390: {  	v63 =	vsel vm11, $0x8, v13;
	v36 =	vsel vm11, v61, v62;
	v57 =	vadd.f32 v37, v14  }
0x391: {  	v58 =	vsel vm1, $0x4, v13;
	vm7 =	vgt.f32 v34, v51;
	v59 =	vsel vm0, $0x8, v13  }
0x392: {  	v61 =	vsel vm9, $0x2, v13;
	v62 =	vsel vm4, $0x8, v13;
	v44 =	vsel vm14, v44, v45  }
0x393: {  	vm13 =	vgt.f32 v43, v36;
	v52 =	vor.u32 v63, v50;
	v36 =	vsel vm6, $0xBDAD80BC, v9  }
0x394: {  	v34 =	vor.u32 v59, v58;
	vm12 =	vgt.f32 v38, v44;
	v53 =	vsel vm13, $0xBEF582DC, v8  }
0x395: {  	v54 =	vsel vm13, $0xBDAD80BC, v9;
	v55 =	vsel vm13, $0x3E86DFB8, v11;
	v56 =	vsel vm13, $0x3F5A919E, v12  }
0x396: {  	v37 =	vor.u32 v60, v34;
	v63 =	vsel vm13, $0x2, v13;
	[tilespmem:v29+s19+$0x0] =	vst.idx.msk $0xffff, v57;
	v34 =	vor.u32 v62, v41  }
0x397: {  	v40 =	vsel vm10, v54, v53;
	v44 =	vsel vm10, v56, v55;
	v38 =	vor.u32 v63, v52  }
0x398: {  	v39 =	vsel vm12, $0x1, v13;
	[tilespmem:v29+s20+$0x0] =	vst.idx.msk $0xffff, v35;
	v35 =	vor.u32 v61, v42;
	v44 =	vsel vm11, v44, v40  }
0x399: {  	s26 =	simm.s32 $0x8;
	v29 =	vsel vm8, $0x3F5A919E, v12;
	v40 =	vsel vm8, $0x3E86DFB8, v11;
	vm4 =	vgt.f32 v43, v44  }
.LBB2_17:
0x39a: {  	s1 =	sadd.s32 $0x1, s26  }
0x39b: {  	s2 =	sadd.s32 $0x2, s26;
	s6 =	sadd.s32 $0x3, s26;
	v35 =	vor.u32 v39, v35;
	v29 =	vsel vm1, v29, v40;
	v39 =	vsel vm2, $0x2, v13;
	s28 =	smov.u32 s26  }
0x39c: {  	s11 =	sadd.s32 $0x6, s26;
	v40 =	vadd.s32 s1, v0;
	v41 =	vadd.s32 s2, v0;
	s1 =	sadd.s32 $0x4, s26;
	s2 =	sadd.s32 $0x5, s26;
	v29 =	vsel vm0, v29, v27  }
0x39d: {  	p0 =	slt.u32 s26, $0x38;
	v43 =	vor.u32 v32, v30;
	s26 =	sadd.s32 $0x8, s26;
	v42 =	vadd.s32 s1, v0;
	v27 =	vadd.s32 s2, v0;
	s1 =	sadd.s32 $0x7, s28  }
0x39e: {  	v39 =	vor.u32 v39, v34;
	v32 =	vand.u32 $0x3F, v40;
	v30 =	vadd.s32 s1, v0  }
0x39f: {  	v34 =	vadd.s32 s6, v0;
	v40 =	vadd.s32 s11, v0;
	v30 =	vand.u32 $0x3F, v30  }
0x3a0: {  	v45 =	vsel vm4, $0x1, v13;
	v44 =	vand.u32 $0x3F, v27;
	v27 =	vor.u32 v4, v30  }
0x3a1: {  	vm0 =	vgt.f32 v24, v29;
	v42 =	vand.u32 $0x3F, v42;
	v30 =	vor.u32 v4, v44;
	v24 =	vld.idx.msk [tilespmem:v28+s12+$0x0], $0xffff  }
0x3a2: {  	v29 =	vand.u32 $0x3F, v41;
	v44 =	vor.u32 v4, v32;
	v32 =	vsel vm6, $0xBEF582DC, v8;
	v41 =	vld.idx.msk [tilespmem:v43+s12+$0x0], $0xffff  }
0x3a3: {  	v46 =	vor.u32 v4, v29;
	v29 =	vand.u32 $0x3F, v34;
	v36 =	vsel vm5, v36, v32;
	v47 =	vld.idx.msk [tilespmem:v35+s12+$0x0], $0xffff  }
0x3a4: {  	v34 =	vsel vm0, $0x1, v13;
	v32 =	vor.u32 v4, v29;
	v29 =	vand.u32 $0x3F, v40  }
0x3a5: {  	v38 =	vor.u32 v45, v38;
	v40 =	vor.u32 v4, v29;
	v29 =	vsel vm7, $0x1, v13  }
0x3a6: {  	v34 =	vor.u32 v34, v37;
	v33 =	vsel vm3, v33, v36;
	v36 =	vsel vm6, $0x2, v13;
	v45 =	vld.idx.msk [tilespmem:v30+s5+$0x0], $0xffff  }
0x3a7: {  	v37 =	vor.u32 v4, v42;
	vm0 =	vgt.f32 v26, v33;
	v26 =	vor.u32 v29, v39;
	v42 =	vld.idx.msk [tilespmem:v27+s5+$0x0], $0xffff  }
0x3a8: {  	v31 =	vor.u32 v36, v31;
	v33 =	vsel vm0, $0x1, v13;
	v29 =	vmul.f32 v41, v23  }
0x3a9: {  	v33 =	vor.u32 v33, v31;
	v24 =	vmul.f32 v24, v23;
	v39 =	vmul.f32 v47, v23;
	v36 =	vld.idx.msk [tilespmem:v44+s5+$0x0], $0xffff  }
0x3aa: {  	v41 =	vadd.f32 v29, v14;
	v31 =	vld.idx.msk [tilespmem:v38+s12+$0x0], $0xffff  }
0x3ab: {  	v24 =	vadd.f32 v24, v14;
	v29 =	vadd.f32 v39, v14  }
0x3ac: {  	v39 =	vld.idx.msk [tilespmem:v40+s5+$0x0], $0xffff  }
0x3ad: {  	v45 =	vmul.f32 v45, v21;
	v42 =	vmul.f32 v42, v21;
	[tilespmem:v25+s19+$0x0] =	vst.idx.msk $0xffff, v29  }
0x3ae: {  	v47 =	vld.idx.msk [tilespmem:v37+s5+$0x0], $0xffff;
	[tilespmem:v25+s20+$0x0] =	vst.idx.msk $0xffff, v35  }
0x3af: {  	v25 =	vmul.f32 v36, v21;
	v35 =	vadd.f32 v45, v22;
	v29 =	vadd.f32 v42, v22;
	v36 =	vld.idx.msk [tilespmem:v33+s12+$0x0], $0xffff  }
0x3b0: {  	v45 =	vmul.f32 v31, v23;
	v42 =	vld.idx.msk [tilespmem:v32+s5+$0x0], $0xffff;
	[tilespmem:v19+s19+$0x0] =	vst.idx.msk $0xffff, v24  }
0x3b1: {  	v31 =	vadd.f32 v25, v22;
	vm0 =	vgt.f32 v35, $0.0e+00;
	[tilespmem:v17+s19+$0x0] =	vst.idx.msk $0xffff, v41  }
0x3b2: {  	vm4 =	vgt.f32 v29, $0.0e+00;
	v24 =	vsel vm0, $0x3EBA4C1A, v5;
	[tilespmem:v17+s20+$0x0] =	vst.idx.msk $0xffff, v43;
	v25 =	vld.idx.msk [tilespmem:v34+s12+$0x0], $0xffff;
	v17 =	vmov v44  }
0x3b3: {  	v39 =	vmul.f32 v39, v21;
	vm1 =	vgt.f32 v35, v24;
	v24 =	vadd.f32 v45, v14  }
0x3b4: {  	v41 =	vmul.f32 v47, v21;
	v43 =	vsel vm1, $0x3F1FF8BA, v6;
	v44 =	vsel vm1, $0xBE2FC35C, v7;
	[tilespmem:v19+s20+$0x0] =	vst.idx.msk $0xffff, v28;
	v28 =	vld.idx.msk [tilespmem:v26+s12+$0x0], $0xffff  }
0x3b5: {  	v43 =	vsel vm0, v43, v44;
	v44 =	vsel vm1, $0x4, v13;
	v36 =	vmul.f32 v36, v23;
	v19 =	vmovc v37  }
0x3b6: {  	v37 =	vmul.f32 v42, v21;
	vm2 =	vgt.f32 v35, v43;
	v42 =	vsel vm4, $0x3EBA4C1A, v5;
	[tilespmem:v20+s19+$0x0] =	vst.idx.msk $0xffff, v24  }
0x3b7: {  	v43 =	vsel vm2, $0xBDAD80BC, v9;
	vm7 =	vgt.f32 v29, v42;
	v36 =	vadd.f32 v36, v14;
	[tilespmem:v20+s20+$0x0] =	vst.idx.msk $0xffff, v38  }
0x3b8: {  	v42 =	vsel vm2, $0x3F5A919E, v12;
	v38 =	vsel vm2, $0xBEF582DC, v8;
	v25 =	vmul.f32 v25, v23;
	v20 =	vmovc v46  }
0x3b9: {  	v24 =	vadd.f32 v37, v22;
	v37 =	vsel vm2, $0x3E86DFB8, v11;
	v38 =	vsel vm1, v43, v38;
	[tilespmem:v18+s19+$0x0] =	vst.idx.msk $0xffff, v36  }
0x3ba: {  	v36 =	vsel vm1, v42, v37;
	v37 =	vsel vm2, $0x2, v13;
	[tilespmem:v18+s20+$0x0] =	vst.idx.msk $0xffff, v33;
	v33 =	vmul.f32 v28, v23  }
0x3bb: {  	v41 =	vadd.f32 v41, v22;
	v36 =	vsel vm0, v36, v38;
	v38 =	vsel vm0, $0x8, v13;
	v18 =	vmovc v40;
	v28 =	vld.idx.msk [tilespmem:v46+s5+$0x0], $0xffff  }
0x3bc: {  	vm0 =	vgt.f32 v35, v36;
	v35 =	vor.u32 v38, v44;
	v36 =	vsel vm7, $0xBE2FC35C, v7  }
0x3bd: {  	v35 =	vor.u32 v37, v35;
	v37 =	vsel vm0, $0x1, v13;
	v33 =	vadd.f32 v33, v14  }
0x3be: {  	vm5 =	vgt.f32 v41, $0.0e+00;
	vm0 =	vgt.f32 v24, $0.0e+00;
	v35 =	vor.u32 v37, v35  }
0x3bf: {  	v25 =	vadd.f32 v25, v14;
	v38 =	vsel vm5, $0x3EBA4C1A, v5;
	v37 =	vsel vm0, $0x3EBA4C1A, v5;
	[tilespmem:v15+s19+$0x0] =	vst.idx.msk $0xffff, v33  }
0x3c0: {  	vm9 =	vgt.f32 v41, v38;
	v38 =	vsel vm7, $0x3F1FF8BA, v6;
	v33 =	vadd.s32 s28, v0;
	[tilespmem:v15+s20+$0x0] =	vst.idx.msk $0xffff, v26;
	v15 =	vmovc v27  }
0x3c1: {  	vm1 =	vgt.f32 v24, v37;
	v26 =	vand.u32 $0x3F, v33;
	v27 =	vsel vm9, $0x3F1FF8BA, v6;
	[tilespmem:v16+s19+$0x0] =	vst.idx.msk $0xffff, v25  }
0x3c2: {  	vm6 =	vgt.f32 v31, $0.0e+00;
	v37 =	vsel vm9, $0xBE2FC35C, v7;
	v33 =	vsel vm1, $0x3F1FF8BA, v6;
	[tilespmem:v16+s20+$0x0] =	vst.idx.msk $0xffff, v34;
	v16 =	vmovc v32  }
0x3c3: {  	v25 =	vor.u32 v4, v26;
	v26 =	vsel vm1, $0xBE2FC35C, v7;
	v34 =	vsel vm4, v38, v36;
	v32 =	vld.idx.msk [tilespmem:v35+s12+$0x0], $0xffff  }
0x3c4: {  	v27 =	vsel vm5, v27, v37;
	v26 =	vsel vm0, v33, v26;
	vm2 =	vgt.f32 v29, v34  }
0x3c5: {  	vm10 =	vgt.f32 v41, v27;
	vm8 =	vgt.f32 v24, v26;
	v33 =	vsel vm2, $0xBEF582DC, v8  }
0x3c6: {  	v26 =	vsel vm6, $0x3EBA4C1A, v5;
	v34 =	vsel vm10, $0xBEF582DC, v8;
	v27 =	vsel vm8, $0xBEF582DC, v8  }
0x3c7: {  	v36 =	vsel vm10, $0xBDAD80BC, v9;
	vm11 =	vgt.f32 v31, v26;
	v26 =	vsel vm8, $0xBDAD80BC, v9  }
0x3c8: {  	v40 =	vsel vm10, $0x3E86DFB8, v11;
	v38 =	vsel vm11, $0x3F1FF8BA, v6;
	v27 =	vsel vm1, v26, v27;
	v37 =	vld.idx.msk [tilespmem:v25+s5+$0x0], $0xffff  }
0x3c9: {  	v36 =	vsel vm9, v36, v34;
	v26 =	vsel vm11, $0xBE2FC35C, v7;
	v32 =	vmul.f32 v32, v23  }
0x3ca: {  	v34 =	vsel vm7, $0x4, v13;
	v26 =	vsel vm6, v38, v26;
	v38 =	vsel vm10, $0x2, v13  }
0x3cb: {  	v42 =	vsel vm9, $0x4, v13;
	vm12 =	vgt.f32 v31, v26;
	v32 =	vadd.f32 v32, v14  }
0x3cc: {  	v26 =	vadd.f32 v39, v22;
	v43 =	vsel vm12, $0x3E86DFB8, v11;
	v44 =	vsel vm12, $0x3F5A919E, v12  }
0x3cd: {  	v39 =	vsel vm12, $0xBDAD80BC, v9;
	v43 =	vsel vm11, v44, v43;
	v44 =	vsel vm5, $0x8, v13;
	[tilespmem:v30+s19+$0x0] =	vst.idx.msk $0xffff, v32  }
0x3ce: {  	vm3 =	vgt.f32 v26, $0.0e+00;
	v32 =	vmul.f32 v37, v21;
	v37 =	vsel vm12, $0xBEF582DC, v8;
	[tilespmem:v30+s20+$0x0] =	vst.idx.msk $0xffff, v35  }
0x3cf: {  	v42 =	vor.u32 v44, v42;
	v30 =	vsel vm6, $0x8, v13;
	v35 =	vsel vm11, $0x4, v13  }
0x3d0: {  	v44 =	vadd.f32 v32, v22;
	v30 =	vor.u32 v30, v35;
	v35 =	vsel vm3, $0x8, v13  }
0x3d1: {  	v32 =	vsel vm11, v39, v37;
	v37 =	vsel vm12, $0x2, v13;
	v39 =	vsel vm10, $0x3F5A919E, v12  }
0x3d2: {  	v30 =	vor.u32 v37, v30;
	v37 =	vsel vm9, v39, v40;
	vm10 =	vgt.f32 v44, $0.0e+00  }
0x3d3: {  	v36 =	vsel vm5, v37, v36;
	v37 =	vor.u32 v38, v42;
	v39 =	vsel vm10, $0x3EBA4C1A, v5  }
0x3d4: {  	v38 =	vsel vm10, $0x8, v13;
	vm5 =	vgt.f32 v41, v36;
	v36 =	vsel vm2, $0xBDAD80BC, v9  }
0x3d5: {  	v32 =	vsel vm6, v43, v32;
	v41 =	vsel vm3, $0x3EBA4C1A, v5;
	v40 =	vsel vm5, $0x1, v13  }
0x3d6: {  	vm6 =	vgt.f32 v31, v32;
	vm5 =	vgt.f32 v26, v41;
	v41 =	vsel vm7, v36, v33  }
0x3d7: {  	v32 =	vsel vm6, $0x1, v13;
	vm9 =	vgt.f32 v44, v39;
	v31 =	vsel vm5, $0x3F1FF8BA, v6  }
0x3d8: {  	v28 =	vmul.f32 v28, v21;
	v33 =	vsel vm9, $0x3F1FF8BA, v6;
	v36 =	vsel vm5, $0xBE2FC35C, v7  }
0x3d9: {  	v39 =	vsel vm9, $0xBE2FC35C, v7;
	v42 =	vsel vm9, $0x4, v13;
	v31 =	vsel vm3, v31, v36  }
0x3da: {  	v43 =	vadd.f32 v28, v22;
	v28 =	vsel vm5, $0x4, v13;
	vm6 =	vgt.f32 v26, v31  }
0x3db: {  	v33 =	vsel vm10, v33, v39;
	v42 =	vor.u32 v38, v42;
	v31 =	vor.u32 v35, v28  }
0x3dc: {  	vm11 =	vgt.f32 v44, v33;
	v35 =	vsel vm2, $0x3F5A919E, v12;
	v28 =	vsel vm6, $0x3F5A919E, v12  }
0x3dd: {  	v36 =	vsel vm11, $0xBEF582DC, v8;
	v38 =	vsel vm11, $0xBDAD80BC, v9;
	v33 =	vsel vm6, $0x3E86DFB8, v11  }
0x3de: {  	v39 =	vsel vm11, $0x3E86DFB8, v11;
	v45 =	vsel vm11, $0x3F5A919E, v12;
	v33 =	vsel vm5, v28, v33  }
0x3df: {  	v28 =	vsel vm9, v45, v39;
	v38 =	vsel vm9, v38, v36;
	v36 =	vsel vm6, $0xBDAD80BC, v9  }
0x3e0: {  	vm9 =	vgt.f32 v43, $0.0e+00;
	v38 =	vsel vm10, v28, v38;
	v28 =	vor.u32 v40, v37  }
0x3e1: {  	v37 =	vsel vm9, $0x3EBA4C1A, v5;
	vm10 =	vgt.f32 v44, v38;
	v44 =	vsel vm11, $0x2, v13  }
0x3e2: {  	vm11 =	vgt.f32 v43, v37;
	v37 =	vsel vm9, $0x8, v13;
	v38 =	vsel vm2, $0x3E86DFB8, v11  }
0x3e3: {  	v39 =	vsel vm10, $0x1, v13;
	v40 =	vsel vm11, $0x3F1FF8BA, v6;
	v35 =	vsel vm7, v35, v38  }
0x3e4: {  	v38 =	vsel vm11, $0xBE2FC35C, v7;
	v45 =	vsel vm11, $0x4, v13;
	v35 =	vsel vm4, v35, v41  }
0x3e5: {  	v38 =	vsel vm9, v40, v38;
	v41 =	vor.u32 v37, v45;
	v45 =	vsel vm4, $0x8, v13  }
0x3e6: {  	v37 =	vsel vm1, $0x4, v13;
	vm4 =	vgt.f32 v43, v38;
	vm7 =	vgt.f32 v29, v35  }
0x3e7: {  	v38 =	vsel vm0, $0x8, v13;
	v29 =	vsel vm4, $0xBEF582DC, v8;
	v35 =	vsel vm4, $0xBDAD80BC, v9  }
.Ltmp7:
0x3e8: {  	v40 =	vsel vm4, $0x3E86DFB8, v11;
	v37 =	vor.u32 v38, v37;
	v38 =	vsel vm8, $0x2, v13;
	(pc) =	sbr.rel @p0 .LBB2_17-.Ltmp7, $4  }
0x3e9: {  	v46 =	vsel vm4, $0x3F5A919E, v12;
	v29 =	vsel vm11, v35, v29;
	v37 =	vor.u32 v38, v37  }
0x3ea: {  	v35 =	vsel vm11, v46, v40;
	v38 =	vsel vm4, $0x2, v13;
	v40 =	vsel vm8, $0x3E86DFB8, v11  }
0x3eb: {  	v34 =	vor.u32 v45, v34;
	v29 =	vsel vm9, v35, v29;
	v38 =	vor.u32 v38, v41  }
0x3ec: {  	v35 =	vor.u32 v44, v42;
	vm4 =	vgt.f32 v43, v29;
	v29 =	vsel vm8, $0x3F5A919E, v12  }
0x3ed: {  	_ = 	snop  }
0x3ee: {  	v21 =	vor.u32 v39, v35  }
0x3ef: {  	v22 =	vor.u32 v32, v30  }
0x3f0: {  	v35 =	vsel vm6, $0xBEF582DC, v8  }
0x3f1: {  	v41 =	vld.idx.msk [tilespmem:v28+s12+$0x0], $0xffff;
	v44 =	vsel vm2, $0x2, v13;
	v30 =	vsel vm5, v36, v35;
	v36 =	vsel vm4, $0x1, v13  }
0x3f2: {  	v47 =	vsel vm7, $0x1, v13;
	v46 =	vor.u32 v44, v34;
	v32 =	vor.u32 v36, v38  }
0x3f3: {  	v29 =	vsel vm1, v29, v40;
	v30 =	vsel vm3, v33, v30;
	v48 =	vor.u32 v47, v46;
	v35 =	vld.idx.msk [tilespmem:v21+s12+$0x0], $0xffff  }
0x3f4: {  	v39 =	vsel vm6, $0x2, v13;
	v27 =	vsel vm0, v29, v27;
	vm3 =	vgt.f32 v26, v30;
	v45 =	vld.idx.msk [tilespmem:v22+s12+$0x0], $0xffff  }
0x3f5: {  	v42 =	vor.u32 v39, v31;
	vm0 =	vgt.f32 v24, v27;
	v43 =	vsel vm3, $0x1, v13  }
0x3f6: {  	v50 =	vsel vm0, $0x1, v13;
	v30 =	vor.u32 v43, v42;
	v26 =	vmul.f32 v41, v23  }
0x3f7: {  	v29 =	vor.u32 v50, v37;
	v51 =	vld.idx.msk [tilespmem:v32+s12+$0x0], $0xffff  }
0x3f8: {  	v26 =	vadd.f32 v26, v14;
	v55 =	vld.idx.msk [tilespmem:v48+s12+$0x0], $0xffff;
	v49 =	vmul.f32 v35, v23  }
0x3f9: {  	v52 =	vmul.f32 v45, v23  }
0x3fa: {  	[tilespmem:v19+s19+$0x0] =	vst.idx.msk $0xffff, v26;
	v27 =	vadd.f32 v49, v14  }
0x3fb: {  	v53 =	vld.idx.msk [tilespmem:v30+s12+$0x0], $0xffff;
	[tilespmem:v19+s20+$0x0] =	vst.idx.msk $0xffff, v28;
	v54 =	vadd.f32 v52, v14  }
0x3fc: {  	v57 =	vld.idx.msk [tilespmem:v29+s12+$0x0], $0xffff;
	v56 =	vmul.f32 v51, v23;
	[tilespmem:v25+s19+$0x0] =	vst.idx.msk $0xffff, v27  }
0x3fd: {  	v61 =	vmul.f32 v55, v23;
	[tilespmem:v17+s19+$0x0] =	vst.idx.msk $0xffff, v54  }
0x3fe: {  	v58 =	vadd.f32 v56, v14;
	[tilespmem:v25+s20+$0x0] =	vst.idx.msk $0xffff, v21  }
0x3ff: {  	v63 =	vadd.f32 v61, v14;
	[tilespmem:v17+s20+$0x0] =	vst.idx.msk $0xffff, v22  }
0x400: {  	v59 =	vmul.f32 v53, v23;
	[tilespmem:v20+s19+$0x0] =	vst.idx.msk $0xffff, v58  }
0x401: {  	v62 =	vmul.f32 v57, v23;
	[tilespmem:v15+s19+$0x0] =	vst.idx.msk $0xffff, v63  }
0x402: {  	v60 =	vadd.f32 v59, v14;
	[tilespmem:v20+s20+$0x0] =	vst.idx.msk $0xffff, v32  }
0x403: {  	v14 =	vadd.f32 v62, v14;
	[tilespmem:v15+s20+$0x0] =	vst.idx.msk $0xffff, v48  }
0x404: {  	[tilespmem:v18+s19+$0x0] =	vst.idx.msk $0xffff, v60  }
0x405: {  	[tilespmem:v16+s19+$0x0] =	vst.idx.msk $0xffff, v14  }
0x406: {  	[tilespmem:v18+s20+$0x0] =	vst.idx.msk $0xffff, v30  }
0x407: {  	s1 =	sadd.s32 s3, s25;
	[tilespmem:v16+s20+$0x0] =	vst.idx.msk $0xffff, v29  }
0x408: {  	[hbm4b:s1+s5] =	stream.linear.scatter [tilespmem:s19], [sflag:$0x1], $0x1000, $0x38;
	[tilespmem:$0x3B00] =	vst v63  }
0x409: {  	s24 =	sadd.s32 $0x1, s24;
	_ =	swait.ge [sflag:s18], $0x1000  }
0x40a: {  	p0 =	sne.s32 s24, $0x10;
	[sflag:s18] =	ssyncset.done $0x0  }
.Ltmp8:
0x40b: {  	s31 =	sadd.s32 s4, s25;
	[sflag:s18] =	ssyncadd.s32 $0xFFFFF000;
	(pc) =	sbr.rel @p0 .LBB2_2-.Ltmp8, $4  }
0x40c: {  	[hbm4b:s31+s5] =	stream.linear.scatter [tilespmem:s20], [sflag:$0x1], $0x1000, $0x38;
	[tilespmem:$0x3B00] =	vst v63  }
0x40d: {  	_ =	swait.ge [sflag:s18], $0x1000  }
0x40e: {  	[sflag:s18] =	ssyncset.done $0x0  }
0x40f: {  	[sflag:s18] =	ssyncadd.s32 $0xFFFFF000  }
0x410: {  	s1 =	simm.s32 $0x3200  }
0x411: {  	[hbm4b:s9+s5] =	stream.linear.scatter [tilespmem:s1], [sflag:$0x1], $0x400, $0x38;
	[tilespmem:$0x3B00] =	vst v63  }
0x412: {  	_ =	swait.ge [sflag:s18], $0x400  }
0x413: {  	[sflag:s18] =	ssyncset.done $0x0  }
0x414: {  	[sflag:s18] =	ssyncadd.s32 $0xFFFFFC00  }
0x415: {  	[hbm4b:s10+s5] =	stream.linear.scatter [tilespmem:s22], [sflag:$0x1], $0x400, $0x38;
	[tilespmem:$0x3B00] =	vst v63  }
0x416: {  	_ =	swait.ge [sflag:s18], $0x400  }
0x417: {  	[sflag:s18] =	ssyncset.done $0x0  }
0x418: {  	[sflag:s18] =	ssyncadd.s32 $0xFFFFFC00  }
0x419: {  	[hbm4b:s15+s5] =	stream.linear.scatter [tilespmem:s13], [sflag:$0x1], $0x10, $0x38;
	[tilespmem:$0x3B00] =	vst v63  }
0x41a: {  	s23 =	sadd.s32 $0x1, s23;
	_ =	swait.ge [sflag:s18], $0x10  }
0x41b: {  	p0 =	sne.s32 s23, s17;
	[sflag:s18] =	ssyncset.done $0x0  }
.Ltmp9:
0x41c: {  	[sflag:s18] =	ssyncadd.s32 $0xFFFFFFF0;
	(pc) =	sbr.rel @p0 .LBB2_1-.Ltmp9, $4  }
0x41d: {  	[hbm4b:s16+s5] =	stream.linear.scatter [tilespmem:s14], [sflag:$0x1], $0x10, $0x38;
	[tilespmem:$0x3B00] =	vst v63  }
0x41e: {  	_ =	swait.ge [sflag:s18], $0x10  }
0x41f: {  	[sflag:s18] =	ssyncset.done $0x0  }
0x420: {  	[sflag:s18] =	ssyncadd.s32 $0xFFFFFFF0  }
0x421: {  	_ =	sfence.sel $0x180000  }
0x422: {  	[bflag:$0x0] =	sbarrier.arrive $0xFFFF  }
0x423: {  	_ =	strace $0x90000047  }
0x424: {  	s0 =	stileid.u32;
	[bflag:$0x2] =	sbarrier.arrive $0xFFFF  }
0x425: {  	p0 =	sne.s32 s0, $0x0;
	s0 =	rddreg [dreg:$0x8]  }
0x426: {  	s0 =	sadd.s32 @!p0 $0x100000, s0  }
0x427: {  	[sflag:s0] =	ssyncadd.tile.s32 @!p0 $0x1;
	_ =	shalt  }
.Lfunc_end2:
_tile_overlayer_lowered:
.L_overlay_start_2:
0x428: {  	(tag) =	ssettag $0x2  }
0x429: {  	s0 =	rddreg [dreg:$0x0];
	s2 =	stileid.u32  }
0x42a: {  	s1 =	rddreg [dreg:$0x1];
	p0 =	sne.s32 s2, $0x0  }
0x42b: {  	s3 =	rddreg [dreg:$0x2];
	[bflag:$0x3] =	sbarrier.arrive $0xFFFF;
	s2 =	simm.s32 @!p0 $0x1C01  }
0x42c: {  	[timem:s3], [sflag:s2] =	dma.local @!p0 [hbm:s0], s1  }
0x42d: {  	s0 =	simm.s32 @!p0 $0x1  }
0x42e: {  	_ =	swait.ge @!p0 [sflag:s0], s1  }
0x42f: {  	s1 =	ssub.s32 @!p0 $0x0, s1;
	[sflag:s0] =	ssyncset.done @!p0 $0x0  }
0x430: {  	[sflag:s0] =	ssyncadd.s32 @!p0 s1  }
0x431: {  	[bflag:$0x3] =	sbarrier.arrive $0xFFFF  }
0x432: {  	_ =	shalt  }

</sc_bundles>
